<compile_context>
chip_gen: v7x
topology: tpu7x:2x2x1
jax: 0.10.2.dev20260603
libtpu: 0.0.44.dev20260713+nightly
codegen_flags: <defaults>
</compile_context>

<pallas_src>
import functools

import jax
import jax.numpy as jnp
from jax import lax
from jax.experimental import pallas as pl
from jax.experimental.pallas import tpu as pltpu
from jax.experimental.pallas import tpu_sc as plsc

_D = 32
_NC, _NS = 2, 16
_NW = _NC * _NS
_IPC = 16
_NBUF = 2
_L = 16


@functools.partial(jax.jit, static_argnums=(2, 3))
def _embed_gather(idx, table, n_i, n_j):
    ch = _IPC * n_j
    row_w = n_j * _D
    ipw = n_i // _NW
    bpw = ipw * n_j
    nch = ipw // _IPC
    qn = (n_j * _D) // _L
    mesh = plsc.VectorSubcoreMesh(core_axis_name="c", subcore_axis_name="s")

    @functools.partial(
        pl.kernel,
        out_type=jax.ShapeDtypeStruct((n_i, row_w), jnp.float32),
        mesh=mesh,
        scratch_types=[
            pltpu.VMEM((bpw,), jnp.int32),
            pltpu.VMEM((_NBUF, ch, _D), jnp.float32),
            pltpu.VMEM((_NBUF, _IPC, row_w), jnp.float32),
        ] + [pltpu.SemaphoreType.DMA] * _NBUF,
        compiler_params=pltpu.CompilerParams(use_tc_tiling_on_sc=False),
    )
    def k(idx_hbm, table_hbm, out_hbm, idx_v, gbuf, wbuf, *sems):
        wid = lax.axis_index("s") * _NC + lax.axis_index("c")
        base = wid * bpw
        i_base = wid * ipw
        pltpu.sync_copy(idx_hbm.at[pl.ds(base, bpw)], idx_v)

        def start_gather(buf, c):
            pltpu.async_copy(table_hbm.at[idx_v.at[pl.ds(c * ch, ch)]],
                             gbuf.at[buf], sems[buf])

        def wait_gather(buf):
            pltpu.make_async_copy(table_hbm.at[idx_v.at[pl.ds(0, ch)]],
                                  gbuf.at[buf], sems[buf]).wait()

        def shuffle(buf):
            @pl.loop(0, qn, unroll=4)
            def _(q):
                w0 = q * _L
                r_in_i = lax.shift_right_logical(w0, 5)
                c0 = lax.bitwise_and(w0, 31)
                for i in range(_IPC):
                    v = gbuf[buf, i * n_j + r_in_i, pl.ds(c0, _L)]
                    wbuf[buf, i, pl.ds(w0, _L)] = v

        for buf in range(_NBUF):
            start_gather(buf, buf)

        @pl.loop(0, nch, step=_NBUF)
        def _(t):
            for buf in range(_NBUF):
                c = t + buf
                wait_gather(buf)
                shuffle(buf)
                pltpu.sync_copy(wbuf.at[buf],
                                out_hbm.at[pl.ds(i_base + c * _IPC, _IPC)])

                @pl.when(c + _NBUF < nch)
                def _():
                    start_gather(buf, c + _NBUF)

    return k(idx, table)


def kernel(x, table):
    n_i, n_j = x.shape
    out = _embed_gather(x.reshape(-1), table, n_i, n_j)
    return out.reshape(n_i, n_j, table.shape[1])

# --- scband reference (transcript-rebuilt; emitter-appended) ---
"""Pipeline reference for scband-embed-81673098100997 (READ-ONLY COPY).

The authoritative reference and input builder live on the scoring server;
editing this copy changes nothing except your own understanding.
"""

import jax, jax.numpy as jnp
import numpy as np

VOCAB = 1000000
DIM = 32

def setup_inputs(seed: int = 0) -> dict:
    key = jax.random.key(seed)
    k_idx, k_tab = jax.random.split(key)
    x = jax.random.randint(k_idx, (16384, 50), 0, VOCAB, dtype=jnp.int32)
    # flax nn.Embed default init: normal(stddev=1.0) scaled variance init; use normal for faithfulness
    table = jax.random.normal(k_tab, (VOCAB, DIM), dtype=jnp.float32)
    return {"x": x, "table": table}

def reference(x, table):
    # nn.Embed lookup: gather rows of embedding table
    return jnp.take(table, x, axis=0)

if __name__ == "__main__":
    import jax
    _d = setup_inputs()
    print(jax.jit(kernel)(*tuple(_d.values())))

</pallas_src>

<mosaic_0001>
#map = affine_map<(d0, d1) -> (0)>
#map1 = affine_map<(d0, d1) -> (0, 0)>
module attributes {stable_mosaic.version = 14 : i64} {
  func.func @k(%arg0: i32, %arg1: i32, %arg2: memref<819200xi32, #tpu.memory_space<hbm>>, %arg3: memref<1000000x32xf32, #tpu.memory_space<hbm>>, %arg4: memref<16384x1600xf32, #tpu.memory_space<hbm>>, %arg5: memref<25600xi32, #tpu.memory_space<vmem>>, %arg6: memref<2x800x32xf32, #tpu.memory_space<vmem>>, %arg7: memref<2x16x1600xf32, #tpu.memory_space<vmem>>, %arg8: memref<!tpu.dma_semaphore, #tpu.memory_space<semaphore_mem>>, %arg9: memref<!tpu.dma_semaphore, #tpu.memory_space<semaphore_mem>>) attributes {dimension_semantics = [#tpu.dimension_semantics<core_parallel>, #tpu.dimension_semantics<subcore_parallel>], iteration_bounds = array<i64: 2, 16>, scalar_prefetch = 0 : i64, scratch_operands = 5 : i64, tpu.core_type = #tpu.core_type<sc_vector_subcore>, window_params = [{transform_indices = #map}, {transform_indices = #map1}, {transform_indices = #map1}]} {
    %mul3A = arith.constant 2 : i32
    %mul3A_0 = arith.muli %arg1, %mul3A : i32
    %add3A = arith.addi %mul3A_0, %arg0 : i32
    %mul3A_1 = arith.constant 25600 : i32
    %mul3A_2 = arith.muli %add3A, %mul3A_1 : i32
    %mul3A_3 = arith.constant 512 : i32
    %mul3A_4 = arith.muli %add3A, %mul3A_3 : i32
    "tpu.region"() ({
      %run_scoped3A = tpu.sem_alloc : memref<!tpu.dma_semaphore, #tpu.memory_space<semaphore_mem>>
      %dma_start3A_28 = tpu.memref_slice %arg2[%mul3A_2] : memref<819200xi32, #tpu.memory_space<hbm>> -> memref<25600xi32, #tpu.memory_space<hbm>>
      %dma_start3A_29 = tpu.memref_slice %arg2[%mul3A_2] : memref<819200xi32, #tpu.memory_space<hbm>> -> memref<25600xi32, #tpu.memory_space<hbm>>
      tpu.enqueue_dma source(%dma_start3A_29 : memref<25600xi32, #tpu.memory_space<hbm>>) target(%arg5 : memref<25600xi32, #tpu.memory_space<vmem>>) target_semaphore(%run_scoped3A : memref<!tpu.dma_semaphore, #tpu.memory_space<semaphore_mem>>)
      %dma_wait3A = tpu.memref_slice %arg2[%mul3A_2] : memref<819200xi32, #tpu.memory_space<hbm>> -> memref<25600xi32, #tpu.memory_space<hbm>>
      %dma_wait3A_30 = tpu.memref_slice %arg2[%mul3A_2] : memref<819200xi32, #tpu.memory_space<hbm>> -> memref<25600xi32, #tpu.memory_space<hbm>>
      tpu.wait_dma2 semaphore(%run_scoped3A : memref<!tpu.dma_semaphore, #tpu.memory_space<semaphore_mem>>) src(%dma_wait3A_30 : memref<25600xi32, #tpu.memory_space<hbm>>) dst(%arg5 : memref<25600xi32, #tpu.memory_space<vmem>>)
      tpu.yield
    }) : () -> ()
    %dma_start3A = arith.constant 0 : i32
    %dma_start3A_5 = arith.constant 0 : i32
    %dma_start3A_6 = arith.constant 0 : i32
    %dma_start3A_7 = tpu.memref_slice %arg6[%dma_start3A, %dma_start3A_5, %dma_start3A_6] : memref<2x800x32xf32, #tpu.memory_space<vmem>> -> memref<1x800x32xf32, #tpu.memory_space<vmem>>
    %dma_start3A_8 = tpu.memref_squeeze %dma_start3A_7 : memref<1x800x32xf32, #tpu.memory_space<vmem>> -> memref<800x32xf32, #tpu.memory_space<vmem>>
    %dma_start3A_9 = arith.constant 0 : i32
    %dma_start3A_10 = tpu.memref_slice %arg5[%dma_start3A_9] : memref<25600xi32, #tpu.memory_space<vmem>> -> memref<800xi32, #tpu.memory_space<vmem>>
    %dma_start3A_11 = arith.constant 0 : i32
    %dma_start3A_12 = arith.constant 0 : i32
    %dma_start3A_13 = tpu.memref_slice %arg3[%dma_start3A_11, %dma_start3A_12] : memref<1000000x32xf32, #tpu.memory_space<hbm>> -> memref<1000000x32xf32, #tpu.memory_space<hbm>>
    tpu.enqueue_indirect_dma source(%dma_start3A_13 : memref<1000000x32xf32, #tpu.memory_space<hbm>>) target(%dma_start3A_8 : memref<800x32xf32, #tpu.memory_space<vmem>>) offsets(%dma_start3A_10 : memref<800xi32, #tpu.memory_space<vmem>>) semaphore(%arg8 : memref<!tpu.dma_semaphore, #tpu.memory_space<semaphore_mem>>)
    %dma_start3A_14 = arith.constant 1 : i32
    %dma_start3A_15 = arith.constant 0 : i32
    %dma_start3A_16 = arith.constant 0 : i32
    %dma_start3A_17 = tpu.memref_slice %arg6[%dma_start3A_14, %dma_start3A_15, %dma_start3A_16] : memref<2x800x32xf32, #tpu.memory_space<vmem>> -> memref<1x800x32xf32, #tpu.memory_space<vmem>>
    %dma_start3A_18 = tpu.memref_squeeze %dma_start3A_17 : memref<1x800x32xf32, #tpu.memory_space<vmem>> -> memref<800x32xf32, #tpu.memory_space<vmem>>
    %dma_start3A_19 = arith.constant 800 : i32
    %dma_start3A_20 = tpu.memref_slice %arg5[%dma_start3A_19] : memref<25600xi32, #tpu.memory_space<vmem>> -> memref<800xi32, #tpu.memory_space<vmem>>
    %dma_start3A_21 = arith.constant 0 : i32
    %dma_start3A_22 = arith.constant 0 : i32
    %dma_start3A_23 = tpu.memref_slice %arg3[%dma_start3A_21, %dma_start3A_22] : memref<1000000x32xf32, #tpu.memory_space<hbm>> -> memref<1000000x32xf32, #tpu.memory_space<hbm>>
    tpu.enqueue_indirect_dma source(%dma_start3A_23 : memref<1000000x32xf32, #tpu.memory_space<hbm>>) target(%dma_start3A_18 : memref<800x32xf32, #tpu.memory_space<vmem>>) offsets(%dma_start3A_20 : memref<800xi32, #tpu.memory_space<vmem>>) semaphore(%arg9 : memref<!tpu.dma_semaphore, #tpu.memory_space<semaphore_mem>>)
    %scan3A = arith.constant 0 : i32
    %scan3A_24 = arith.constant 16 : i32
    %scan3A_25 = arith.addi %scan3A, %scan3A_24 : i32
    %scan3A_26 = arith.constant 1 : i32
    scf.for %scan3A_28 = %scan3A to %scan3A_25 step %scan3A_26  : i32 {
      %mul3A_29 = arith.constant 2 : i32
      %mul3A_30 = arith.muli %scan3A_28, %mul3A_29 : i32
      %add3A_31 = arith.constant 0 : i32
      %add3A_32 = arith.addi %add3A_31, %mul3A_30 : i32
      %add3A_33 = arith.constant 0 : i32
      %add3A_34 = arith.addi %add3A_32, %add3A_33 : i32
      %dma_wait3A = arith.constant 0 : i32
      %dma_wait3A_35 = arith.constant 0 : i32
      %dma_wait3A_36 = arith.constant 0 : i32
      %dma_wait3A_37 = tpu.memref_slice %arg6[%dma_wait3A, %dma_wait3A_35, %dma_wait3A_36] : memref<2x800x32xf32, #tpu.memory_space<vmem>> -> memref<1x800x32xf32, #tpu.memory_space<vmem>>
      %dma_wait3A_38 = tpu.memref_squeeze %dma_wait3A_37 : memref<1x800x32xf32, #tpu.memory_space<vmem>> -> memref<800x32xf32, #tpu.memory_space<vmem>>
      %dma_wait3A_39 = arith.constant 0 : i32
      %dma_wait3A_40 = tpu.memref_slice %arg5[%dma_wait3A_39] : memref<25600xi32, #tpu.memory_space<vmem>> -> memref<800xi32, #tpu.memory_space<vmem>>
      %dma_wait3A_41 = arith.constant 0 : i32
      %dma_wait3A_42 = arith.constant 0 : i32
      %dma_wait3A_43 = tpu.memref_slice %arg3[%dma_wait3A_41, %dma_wait3A_42] : memref<1000000x32xf32, #tpu.memory_space<hbm>> -> memref<1000000x32xf32, #tpu.memory_space<hbm>>
      tpu.wait_indirect_dma semaphore(%arg8 : memref<!tpu.dma_semaphore, #tpu.memory_space<semaphore_mem>>) src(%dma_wait3A_43 : memref<1000000x32xf32, #tpu.memory_space<hbm>>) dst(%dma_wait3A_38 : memref<800x32xf32, #tpu.memory_space<vmem>>)
      %scan3A_44 = arith.constant 0 : i32
      %scan3A_45 = arith.constant 100 : i32
      %scan3A_46 = arith.addi %scan3A_44, %scan3A_45 : i32
      %scan3A_47 = arith.constant 4 : i32
      scf.for %scan3A_84 = %scan3A_44 to %scan3A_46 step %scan3A_47  : i32 {
        %mul3A_85 = arith.constant 1 : i32
        %mul3A_86 = arith.muli %scan3A_84, %mul3A_85 : i32
        %add3A_87 = arith.constant 0 : i32
        %add3A_88 = arith.addi %add3A_87, %mul3A_86 : i32
        %mul3A_89 = arith.constant 16 : i32
        %mul3A_90 = arith.muli %add3A_88, %mul3A_89 : i32
        %shift_right_logical3A = arith.constant 5 : i32
        %shift_right_logical3A_91 = arith.shrui %mul3A_90, %shift_right_logical3A : i32
        %and3A = arith.constant 31 : i32
        %and3A_92 = arith.andi %mul3A_90, %and3A : i32
        %add3A_93 = arith.constant 0 : i32
        %add3A_94 = arith.addi %add3A_93, %shift_right_logical3A_91 : i32
        %get3A = arith.constant 0 : i32
        %get3A_95 = arith.index_cast %get3A : i32 to index
        %get3A_96 = arith.index_cast %add3A_94 : i32 to index
        %get3A_97 = arith.index_cast %and3A_92 : i32 to index
        %get3A_98 = tpu.vector_load %arg6[%get3A_95, %get3A_96, %get3A_97] {strides = array<i32>} : memref<2x800x32xf32, #tpu.memory_space<vmem>>, vector<1x1x16xf32>,
        %get3A_99 = vector.shape_cast %get3A_98 : vector<1x1x16xf32> to vector<16xf32>
        %swap3A = arith.constant 0 : i32
        %swap3A_100 = arith.constant 0 : i32
        %swap3A_101 = arith.index_cast %swap3A : i32 to index
        %swap3A_102 = arith.index_cast %swap3A_100 : i32 to index
        %swap3A_103 = arith.index_cast %mul3A_90 : i32 to index
        %swap3A_104 = tpu.vector_load %arg7[%swap3A_101, %swap3A_102, %swap3A_103] {strides = array<i32>} : memref<2x16x1600xf32, #tpu.memory_space<vmem>>, vector<1x1x16xf32>,
        %swap3A_105 = vector.shape_cast %swap3A_104 : vector<1x1x16xf32> to vector<16xf32>
        %swap3A_106 = vector.shape_cast %get3A_99 : vector<16xf32> to vector<1x1x16xf32>
        tpu.vector_store %arg7[%swap3A_101, %swap3A_102, %swap3A_103], %swap3A_106 {strides = array<i32>} : memref<2x16x1600xf32, #tpu.memory_space<vmem>>, vector<1x1x16xf32>,
        %add3A_107 = arith.constant 50 : i32
        %add3A_108 = arith.addi %add3A_107, %shift_right_logical3A_91 : i32
        %get3A_109 = arith.constant 0 : i32
        %get3A_110 = arith.index_cast %get3A_109 : i32 to index
        %get3A_111 = arith.index_cast %add3A_108 : i32 to index
        %get3A_112 = arith.index_cast %and3A_92 : i32 to index
        %get3A_113 = tpu.vector_load %arg6[%get3A_110, %get3A_111, %get3A_112] {strides = array<i32>} : memref<2x800x32xf32, #tpu.memory_space<vmem>>, vector<1x1x16xf32>,
        %get3A_114 = vector.shape_cast %get3A_113 : vector<1x1x16xf32> to vector<16xf32>
        %swap3A_115 = arith.constant 0 : i32
        %swap3A_116 = arith.constant 1 : i32
        %swap3A_117 = arith.index_cast %swap3A_115 : i32 to index
        %swap3A_118 = arith.index_cast %swap3A_116 : i32 to index
        %swap3A_119 = arith.index_cast %mul3A_90 : i32 to index
        %swap3A_120 = tpu.vector_load %arg7[%swap3A_117, %swap3A_118, %swap3A_119] {strides = array<i32>} : memref<2x16x1600xf32, #tpu.memory_space<vmem>>, vector<1x1x16xf32>,
        %swap3A_121 = vector.shape_cast %swap3A_120 : vector<1x1x16xf32> to vector<16xf32>
        %swap3A_122 = vector.shape_cast %get3A_114 : vector<16xf32> to vector<1x1x16xf32>
        tpu.vector_store %arg7[%swap3A_117, %swap3A_118, %swap3A_119], %swap3A_122 {strides = array<i32>} : memref<2x16x1600xf32, #tpu.memory_space<vmem>>, vector<1x1x16xf32>,
        %add3A_123 = arith.constant 100 : i32
        %add3A_124 = arith.addi %add3A_123, %shift_right_logical3A_91 : i32
        %get3A_125 = arith.constant 0 : i32
        %get3A_126 = arith.index_cast %get3A_125 : i32 to index
        %get3A_127 = arith.index_cast %add3A_124 : i32 to index
        %get3A_128 = arith.index_cast %and3A_92 : i32 to index
        %get3A_129 = tpu.vector_load %arg6[%get3A_126, %get3A_127, %get3A_128] {strides = array<i32>} : memref<2x800x32xf32, #tpu.memory_space<vmem>>, vector<1x1x16xf32>,
        %get3A_130 = vector.shape_cast %get3A_129 : vector<1x1x16xf32> to vector<16xf32>
        %swap3A_131 = arith.constant 0 : i32
        %swap3A_132 = arith.constant 2 : i32
        %swap3A_133 = arith.index_cast %swap3A_131 : i32 to index
        %swap3A_134 = arith.index_cast %swap3A_132 : i32 to index
        %swap3A_135 = arith.index_cast %mul3A_90 : i32 to index
        %swap3A_136 = tpu.vector_load %arg7[%swap3A_133, %swap3A_134, %swap3A_135] {strides = array<i32>} : memref<2x16x1600xf32, #tpu.memory_space<vmem>>, vector<1x1x16xf32>,
        %swap3A_137 = vector.shape_cast %swap3A_136 : vector<1x1x16xf32> to vector<16xf32>
        %swap3A_138 = vector.shape_cast %get3A_130 : vector<16xf32> to vector<1x1x16xf32>
        tpu.vector_store %arg7[%swap3A_133, %swap3A_134, %swap3A_135], %swap3A_138 {strides = array<i32>} : memref<2x16x1600xf32, #tpu.memory_space<vmem>>, vector<1x1x16xf32>,
        %add3A_139 = arith.constant 150 : i32
        %add3A_140 = arith.addi %add3A_139, %shift_right_logical3A_91 : i32
        %get3A_141 = arith.constant 0 : i32
        %get3A_142 = arith.index_cast %get3A_141 : i32 to index
        %get3A_143 = arith.index_cast %add3A_140 : i32 to index
        %get3A_144 = arith.index_cast %and3A_92 : i32 to index
        %get3A_145 = tpu.vector_load %arg6[%get3A_142, %get3A_143, %get3A_144] {strides = array<i32>} : memref<2x800x32xf32, #tpu.memory_space<vmem>>, vector<1x1x16xf32>,
        %get3A_146 = vector.shape_cast %get3A_145 : vector<1x1x16xf32> to vector<16xf32>
        %swap3A_147 = arith.constant 0 : i32
        %swap3A_148 = arith.constant 3 : i32
        %swap3A_149 = arith.index_cast %swap3A_147 : i32 to index
        %swap3A_150 = arith.index_cast %swap3A_148 : i32 to index
        %swap3A_151 = arith.index_cast %mul3A_90 : i32 to index
        %swap3A_152 = tpu.vector_load %arg7[%swap3A_149, %swap3A_150, %swap3A_151] {strides = array<i32>} : memref<2x16x1600xf32, #tpu.memory_space<vmem>>, vector<1x1x16xf32>,
        %swap3A_153 = vector.shape_cast %swap3A_152 : vector<1x1x16xf32> to vector<16xf32>
        %swap3A_154 = vector.shape_cast %get3A_146 : vector<16xf32> to vector<1x1x16xf32>
        tpu.vector_store %arg7[%swap3A_149, %swap3A_150, %swap3A_151], %swap3A_154 {strides = array<i32>} : memref<2x16x1600xf32, #tpu.memory_space<vmem>>, vector<1x1x16xf32>,
        %add3A_155 = arith.constant 200 : i32
        %add3A_156 = arith.addi %add3A_155, %shift_right_logical3A_91 : i32
        %get3A_157 = arith.constant 0 : i32
        %get3A_158 = arith.index_cast %get3A_157 : i32 to index
        %get3A_159 = arith.index_cast %add3A_156 : i32 to index
        %get3A_160 = arith.index_cast %and3A_92 : i32 to index
        %get3A_161 = tpu.vector_load %arg6[%get3A_158, %get3A_159, %get3A_160] {strides = array<i32>} : memref<2x800x32xf32, #tpu.memory_space<vmem>>, vector<1x1x16xf32>,
        %get3A_162 = vector.shape_cast %get3A_161 : vector<1x1x16xf32> to vector<16xf32>
        %swap3A_163 = arith.constant 0 : i32
        %swap3A_164 = arith.constant 4 : i32
        %swap3A_165 = arith.index_cast %swap3A_163 : i32 to index
        %swap3A_166 = arith.index_cast %swap3A_164 : i32 to index
        %swap3A_167 = arith.index_cast %mul3A_90 : i32 to index
        %swap3A_168 = tpu.vector_load %arg7[%swap3A_165, %swap3A_166, %swap3A_167] {strides = array<i32>} : memref<2x16x1600xf32, #tpu.memory_space<vmem>>, vector<1x1x16xf32>,
        %swap3A_169 = vector.shape_cast %swap3A_168 : vector<1x1x16xf32> to vector<16xf32>
        %swap3A_170 = vector.shape_cast %get3A_162 : vector<16xf32> to vector<1x1x16xf32>
        tpu.vector_store %arg7[%swap3A_165, %swap3A_166, %swap3A_167], %swap3A_170 {strides = array<i32>} : memref<2x16x1600xf32, #tpu.memory_space<vmem>>, vector<1x1x16xf32>,
        %add3A_171 = arith.constant 250 : i32
        %add3A_172 = arith.addi %add3A_171, %shift_right_logical3A_91 : i32
        %get3A_173 = arith.constant 0 : i32
        %get3A_174 = arith.index_cast %get3A_173 : i32 to index
        %get3A_175 = arith.index_cast %add3A_172 : i32 to index
        %get3A_176 = arith.index_cast %and3A_92 : i32 to index
        %get3A_177 = tpu.vector_load %arg6[%get3A_174, %get3A_175, %get3A_176] {strides = array<i32>} : memref<2x800x32xf32, #tpu.memory_space<vmem>>, vector<1x1x16xf32>,
        %get3A_178 = vector.shape_cast %get3A_177 : vector<1x1x16xf32> to vector<16xf32>
        %swap3A_179 = arith.constant 0 : i32
        %swap3A_180 = arith.constant 5 : i32
        %swap3A_181 = arith.index_cast %swap3A_179 : i32 to index
        %swap3A_182 = arith.index_cast %swap3A_180 : i32 to index
        %swap3A_183 = arith.index_cast %mul3A_90 : i32 to index
        %swap3A_184 = tpu.vector_load %arg7[%swap3A_181, %swap3A_182, %swap3A_183] {strides = array<i32>} : memref<2x16x1600xf32, #tpu.memory_space<vmem>>, vector<1x1x16xf32>,
        %swap3A_185 = vector.shape_cast %swap3A_184 : vector<1x1x16xf32> to vector<16xf32>
        %swap3A_186 = vector.shape_cast %get3A_178 : vector<16xf32> to vector<1x1x16xf32>
        tpu.vector_store %arg7[%swap3A_181, %swap3A_182, %swap3A_183], %swap3A_186 {strides = array<i32>} : memref<2x16x1600xf32, #tpu.memory_space<vmem>>, vector<1x1x16xf32>,
        %add3A_187 = arith.constant 300 : i32
        %add3A_188 = arith.addi %add3A_187, %shift_right_logical3A_91 : i32
        %get3A_189 = arith.constant 0 : i32
        %get3A_190 = arith.index_cast %get3A_189 : i32 to index
        %get3A_191 = arith.index_cast %add3A_188 : i32 to index
        %get3A_192 = arith.index_cast %and3A_92 : i32 to index
        %get3A_193 = tpu.vector_load %arg6[%get3A_190, %get3A_191, %get3A_192] {strides = array<i32>} : memref<2x800x32xf32, #tpu.memory_space<vmem>>, vector<1x1x16xf32>,
        %get3A_194 = vector.shape_cast %get3A_193 : vector<1x1x16xf32> to vector<16xf32>
        %swap3A_195 = arith.constant 0 : i32
        %swap3A_196 = arith.constant 6 : i32
        %swap3A_197 = arith.index_cast %swap3A_195 : i32 to index
        %swap3A_198 = arith.index_cast %swap3A_196 : i32 to index
        %swap3A_199 = arith.index_cast %mul3A_90 : i32 to index
        %swap3A_200 = tpu.vector_load %arg7[%swap3A_197, %swap3A_198, %swap3A_199] {strides = array<i32>} : memref<2x16x1600xf32, #tpu.memory_space<vmem>>, vector<1x1x16xf32>,
        %swap3A_201 = vector.shape_cast %swap3A_200 : vector<1x1x16xf32> to vector<16xf32>
        %swap3A_202 = vector.shape_cast %get3A_194 : vector<16xf32> to vector<1x1x16xf32>
        tpu.vector_store %arg7[%swap3A_197, %swap3A_198, %swap3A_199], %swap3A_202 {strides = array<i32>} : memref<2x16x1600xf32, #tpu.memory_space<vmem>>, vector<1x1x16xf32>,
        %add3A_203 = arith.constant 350 : i32
        %add3A_204 = arith.addi %add3A_203, %shift_right_logical3A_91 : i32
        %get3A_205 = arith.constant 0 : i32
        %get3A_206 = arith.index_cast %get3A_205 : i32 to index
        %get3A_207 = arith.index_cast %add3A_204 : i32 to index
        %get3A_208 = arith.index_cast %and3A_92 : i32 to index
        %get3A_209 = tpu.vector_load %arg6[%get3A_206, %get3A_207, %get3A_208] {strides = array<i32>} : memref<2x800x32xf32, #tpu.memory_space<vmem>>, vector<1x1x16xf32>,
        %get3A_210 = vector.shape_cast %get3A_209 : vector<1x1x16xf32> to vector<16xf32>
        %swap3A_211 = arith.constant 0 : i32
        %swap3A_212 = arith.constant 7 : i32
        %swap3A_213 = arith.index_cast %swap3A_211 : i32 to index
        %swap3A_214 = arith.index_cast %swap3A_212 : i32 to index
        %swap3A_215 = arith.index_cast %mul3A_90 : i32 to index
        %swap3A_216 = tpu.vector_load %arg7[%swap3A_213, %swap3A_214, %swap3A_215] {strides = array<i32>} : memref<2x16x1600xf32, #tpu.memory_space<vmem>>, vector<1x1x16xf32>,
        %swap3A_217 = vector.shape_cast %swap3A_216 : vector<1x1x16xf32> to vector<16xf32>
        %swap3A_218 = vector.shape_cast %get3A_210 : vector<16xf32> to vector<1x1x16xf32>
        tpu.vector_store %arg7[%swap3A_213, %swap3A_214, %swap3A_215], %swap3A_218 {strides = array<i32>} : memref<2x16x1600xf32, #tpu.memory_space<vmem>>, vector<1x1x16xf32>,
        %add3A_219 = arith.constant 400 : i32
        %add3A_220 = arith.addi %add3A_219, %shift_right_logical3A_91 : i32
        %get3A_221 = arith.constant 0 : i32
        %get3A_222 = arith.index_cast %get3A_221 : i32 to index
        %get3A_223 = arith.index_cast %add3A_220 : i32 to index
        %get3A_224 = arith.index_cast %and3A_92 : i32 to index
        %get3A_225 = tpu.vector_load %arg6[%get3A_222, %get3A_223, %get3A_224] {strides = array<i32>} : memref<2x800x32xf32, #tpu.memory_space<vmem>>, vector<1x1x16xf32>,
        %get3A_226 = vector.shape_cast %get3A_225 : vector<1x1x16xf32> to vector<16xf32>
        %swap3A_227 = arith.constant 0 : i32
        %swap3A_228 = arith.constant 8 : i32
        %swap3A_229 = arith.index_cast %swap3A_227 : i32 to index
        %swap3A_230 = arith.index_cast %swap3A_228 : i32 to index
        %swap3A_231 = arith.index_cast %mul3A_90 : i32 to index
        %swap3A_232 = tpu.vector_load %arg7[%swap3A_229, %swap3A_230, %swap3A_231] {strides = array<i32>} : memref<2x16x1600xf32, #tpu.memory_space<vmem>>, vector<1x1x16xf32>,
        %swap3A_233 = vector.shape_cast %swap3A_232 : vector<1x1x16xf32> to vector<16xf32>
        %swap3A_234 = vector.shape_cast %get3A_226 : vector<16xf32> to vector<1x1x16xf32>
        tpu.vector_store %arg7[%swap3A_229, %swap3A_230, %swap3A_231], %swap3A_234 {strides = array<i32>} : memref<2x16x1600xf32, #tpu.memory_space<vmem>>, vector<1x1x16xf32>,
        %add3A_235 = arith.constant 450 : i32
        %add3A_236 = arith.addi %add3A_235, %shift_right_logical3A_91 : i32
        %get3A_237 = arith.constant 0 : i32
        %get3A_238 = arith.index_cast %get3A_237 : i32 to index
        %get3A_239 = arith.index_cast %add3A_236 : i32 to index
        %get3A_240 = arith.index_cast %and3A_92 : i32 to index
        %get3A_241 = tpu.vector_load %arg6[%get3A_238, %get3A_239, %get3A_240] {strides = array<i32>} : memref<2x800x32xf32, #tpu.memory_space<vmem>>, vector<1x1x16xf32>,
        %get3A_242 = vector.shape_cast %get3A_241 : vector<1x1x16xf32> to vector<16xf32>
        %swap3A_243 = arith.constant 0 : i32
        %swap3A_244 = arith.constant 9 : i32
        %swap3A_245 = arith.index_cast %swap3A_243 : i32 to index
        %swap3A_246 = arith.index_cast %swap3A_244 : i32 to index
        %swap3A_247 = arith.index_cast %mul3A_90 : i32 to index
        %swap3A_248 = tpu.vector_load %arg7[%swap3A_245, %swap3A_246, %swap3A_247] {strides = array<i32>} : memref<2x16x1600xf32, #tpu.memory_space<vmem>>, vector<1x1x16xf32>,
        %swap3A_249 = vector.shape_cast %swap3A_248 : vector<1x1x16xf32> to vector<16xf32>
        %swap3A_250 = vector.shape_cast %get3A_242 : vector<16xf32> to vector<1x1x16xf32>
        tpu.vector_store %arg7[%swap3A_245, %swap3A_246, %swap3A_247], %swap3A_250 {strides = array<i32>} : memref<2x16x1600xf32, #tpu.memory_space<vmem>>, vector<1x1x16xf32>,
        %add3A_251 = arith.constant 500 : i32
        %add3A_252 = arith.addi %add3A_251, %shift_right_logical3A_91 : i32
        %get3A_253 = arith.constant 0 : i32
        %get3A_254 = arith.index_cast %get3A_253 : i32 to index
        %get3A_255 = arith.index_cast %add3A_252 : i32 to index
        %get3A_256 = arith.index_cast %and3A_92 : i32 to index
        %get3A_257 = tpu.vector_load %arg6[%get3A_254, %get3A_255, %get3A_256] {strides = array<i32>} : memref<2x800x32xf32, #tpu.memory_space<vmem>>, vector<1x1x16xf32>,
        %get3A_258 = vector.shape_cast %get3A_257 : vector<1x1x16xf32> to vector<16xf32>
        %swap3A_259 = arith.constant 0 : i32
        %swap3A_260 = arith.constant 10 : i32
        %swap3A_261 = arith.index_cast %swap3A_259 : i32 to index
        %swap3A_262 = arith.index_cast %swap3A_260 : i32 to index
        %swap3A_263 = arith.index_cast %mul3A_90 : i32 to index
        %swap3A_264 = tpu.vector_load %arg7[%swap3A_261, %swap3A_262, %swap3A_263] {strides = array<i32>} : memref<2x16x1600xf32, #tpu.memory_space<vmem>>, vector<1x1x16xf32>,
        %swap3A_265 = vector.shape_cast %swap3A_264 : vector<1x1x16xf32> to vector<16xf32>
        %swap3A_266 = vector.shape_cast %get3A_258 : vector<16xf32> to vector<1x1x16xf32>
        tpu.vector_store %arg7[%swap3A_261, %swap3A_262, %swap3A_263], %swap3A_266 {strides = array<i32>} : memref<2x16x1600xf32, #tpu.memory_space<vmem>>, vector<1x1x16xf32>,
        %add3A_267 = arith.constant 550 : i32
        %add3A_268 = arith.addi %add3A_267, %shift_right_logical3A_91 : i32
        %get3A_269 = arith.constant 0 : i32
        %get3A_270 = arith.index_cast %get3A_269 : i32 to index
        %get3A_271 = arith.index_cast %add3A_268 : i32 to index
        %get3A_272 = arith.index_cast %and3A_92 : i32 to index
        %get3A_273 = tpu.vector_load %arg6[%get3A_270, %get3A_271, %get3A_272] {strides = array<i32>} : memref<2x800x32xf32, #tpu.memory_space<vmem>>, vector<1x1x16xf32>,
        %get3A_274 = vector.shape_cast %get3A_273 : vector<1x1x16xf32> to vector<16xf32>
        %swap3A_275 = arith.constant 0 : i32
        %swap3A_276 = arith.constant 11 : i32
        %swap3A_277 = arith.index_cast %swap3A_275 : i32 to index
        %swap3A_278 = arith.index_cast %swap3A_276 : i32 to index
        %swap3A_279 = arith.index_cast %mul3A_90 : i32 to index
        %swap3A_280 = tpu.vector_load %arg7[%swap3A_277, %swap3A_278, %swap3A_279] {strides = array<i32>} : memref<2x16x1600xf32, #tpu.memory_space<vmem>>, vector<1x1x16xf32>,
        %swap3A_281 = vector.shape_cast %swap3A_280 : vector<1x1x16xf32> to vector<16xf32>
        %swap3A_282 = vector.shape_cast %get3A_274 : vector<16xf32> to vector<1x1x16xf32>
        tpu.vector_store %arg7[%swap3A_277, %swap3A_278, %swap3A_279], %swap3A_282 {strides = array<i32>} : memref<2x16x1600xf32, #tpu.memory_space<vmem>>, vector<1x1x16xf32>,
        %add3A_283 = arith.constant 600 : i32
        %add3A_284 = arith.addi %add3A_283, %shift_right_logical3A_91 : i32
        %get3A_285 = arith.constant 0 : i32
        %get3A_286 = arith.index_cast %get3A_285 : i32 to index
        %get3A_287 = arith.index_cast %add3A_284 : i32 to index
        %get3A_288 = arith.index_cast %and3A_92 : i32 to index
        %get3A_289 = tpu.vector_load %arg6[%get3A_286, %get3A_287, %get3A_288] {strides = array<i32>} : memref<2x800x32xf32, #tpu.memory_space<vmem>>, vector<1x1x16xf32>,
        %get3A_290 = vector.shape_cast %get3A_289 : vector<1x1x16xf32> to vector<16xf32>
        %swap3A_291 = arith.constant 0 : i32
        %swap3A_292 = arith.constant 12 : i32
        %swap3A_293 = arith.index_cast %swap3A_291 : i32 to index
        %swap3A_294 = arith.index_cast %swap3A_292 : i32 to index
        %swap3A_295 = arith.index_cast %mul3A_90 : i32 to index
        %swap3A_296 = tpu.vector_load %arg7[%swap3A_293, %swap3A_294, %swap3A_295] {strides = array<i32>} : memref<2x16x1600xf32, #tpu.memory_space<vmem>>, vector<1x1x16xf32>,
        %swap3A_297 = vector.shape_cast %swap3A_296 : vector<1x1x16xf32> to vector<16xf32>
        %swap3A_298 = vector.shape_cast %get3A_290 : vector<16xf32> to vector<1x1x16xf32>
        tpu.vector_store %arg7[%swap3A_293, %swap3A_294, %swap3A_295], %swap3A_298 {strides = array<i32>} : memref<2x16x1600xf32, #tpu.memory_space<vmem>>, vector<1x1x16xf32>,
        %add3A_299 = arith.constant 650 : i32
        %add3A_300 = arith.addi %add3A_299, %shift_right_logical3A_91 : i32
        %get3A_301 = arith.constant 0 : i32
        %get3A_302 = arith.index_cast %get3A_301 : i32 to index
        %get3A_303 = arith.index_cast %add3A_300 : i32 to index
        %get3A_304 = arith.index_cast %and3A_92 : i32 to index
        %get3A_305 = tpu.vector_load %arg6[%get3A_302, %get3A_303, %get3A_304] {strides = array<i32>} : memref<2x800x32xf32, #tpu.memory_space<vmem>>, vector<1x1x16xf32>,
        %get3A_306 = vector.shape_cast %get3A_305 : vector<1x1x16xf32> to vector<16xf32>
        %swap3A_307 = arith.constant 0 : i32
        %swap3A_308 = arith.constant 13 : i32
        %swap3A_309 = arith.index_cast %swap3A_307 : i32 to index
        %swap3A_310 = arith.index_cast %swap3A_308 : i32 to index
        %swap3A_311 = arith.index_cast %mul3A_90 : i32 to index
        %swap3A_312 = tpu.vector_load %arg7[%swap3A_309, %swap3A_310, %swap3A_311] {strides = array<i32>} : memref<2x16x1600xf32, #tpu.memory_space<vmem>>, vector<1x1x16xf32>,
        %swap3A_313 = vector.shape_cast %swap3A_312 : vector<1x1x16xf32> to vector<16xf32>
        %swap3A_314 = vector.shape_cast %get3A_306 : vector<16xf32> to vector<1x1x16xf32>
        tpu.vector_store %arg7[%swap3A_309, %swap3A_310, %swap3A_311], %swap3A_314 {strides = array<i32>} : memref<2x16x1600xf32, #tpu.memory_space<vmem>>, vector<1x1x16xf32>,
        %add3A_315 = arith.constant 700 : i32
        %add3A_316 = arith.addi %add3A_315, %shift_right_logical3A_91 : i32
        %get3A_317 = arith.constant 0 : i32
        %get3A_318 = arith.index_cast %get3A_317 : i32 to index
        %get3A_319 = arith.index_cast %add3A_316 : i32 to index
        %get3A_320 = arith.index_cast %and3A_92 : i32 to index
        %get3A_321 = tpu.vector_load %arg6[%get3A_318, %get3A_319, %get3A_320] {strides = array<i32>} : memref<2x800x32xf32, #tpu.memory_space<vmem>>, vector<1x1x16xf32>,
        %get3A_322 = vector.shape_cast %get3A_321 : vector<1x1x16xf32> to vector<16xf32>
        %swap3A_323 = arith.constant 0 : i32
        %swap3A_324 = arith.constant 14 : i32
        %swap3A_325 = arith.index_cast %swap3A_323 : i32 to index
        %swap3A_326 = arith.index_cast %swap3A_324 : i32 to index
        %swap3A_327 = arith.index_cast %mul3A_90 : i32 to index
        %swap3A_328 = tpu.vector_load %arg7[%swap3A_325, %swap3A_326, %swap3A_327] {strides = array<i32>} : memref<2x16x1600xf32, #tpu.memory_space<vmem>>, vector<1x1x16xf32>,
        %swap3A_329 = vector.shape_cast %swap3A_328 : vector<1x1x16xf32> to vector<16xf32>
        %swap3A_330 = vector.shape_cast %get3A_322 : vector<16xf32> to vector<1x1x16xf32>
        tpu.vector_store %arg7[%swap3A_325, %swap3A_326, %swap3A_327], %swap3A_330 {strides = array<i32>} : memref<2x16x1600xf32, #tpu.memory_space<vmem>>, vector<1x1x16xf32>,
        %add3A_331 = arith.constant 750 : i32
        %add3A_332 = arith.addi %add3A_331, %shift_right_logical3A_91 : i32
        %get3A_333 = arith.constant 0 : i32
        %get3A_334 = arith.index_cast %get3A_333 : i32 to index
        %get3A_335 = arith.index_cast %add3A_332 : i32 to index
        %get3A_336 = arith.index_cast %and3A_92 : i32 to index
        %get3A_337 = tpu.vector_load %arg6[%get3A_334, %get3A_335, %get3A_336] {strides = array<i32>} : memref<2x800x32xf32, #tpu.memory_space<vmem>>, vector<1x1x16xf32>,
        %get3A_338 = vector.shape_cast %get3A_337 : vector<1x1x16xf32> to vector<16xf32>
        %swap3A_339 = arith.constant 0 : i32
        %swap3A_340 = arith.constant 15 : i32
        %swap3A_341 = arith.index_cast %swap3A_339 : i32 to index
        %swap3A_342 = arith.index_cast %swap3A_340 : i32 to index
        %swap3A_343 = arith.index_cast %mul3A_90 : i32 to index
        %swap3A_344 = tpu.vector_load %arg7[%swap3A_341, %swap3A_342, %swap3A_343] {strides = array<i32>} : memref<2x16x1600xf32, #tpu.memory_space<vmem>>, vector<1x1x16xf32>,
        %swap3A_345 = vector.shape_cast %swap3A_344 : vector<1x1x16xf32> to vector<16xf32>
        %swap3A_346 = vector.shape_cast %get3A_338 : vector<16xf32> to vector<1x1x16xf32>
        tpu.vector_store %arg7[%swap3A_341, %swap3A_342, %swap3A_343], %swap3A_346 {strides = array<i32>} : memref<2x16x1600xf32, #tpu.memory_space<vmem>>, vector<1x1x16xf32>,
        %scan3A_347 = arith.constant 1 : i32
        %scan3A_348 = arith.addi %scan3A_84, %scan3A_347 : i32
        %mul3A_349 = arith.constant 1 : i32
        %mul3A_350 = arith.muli %scan3A_348, %mul3A_349 : i32
        %add3A_351 = arith.constant 0 : i32
        %add3A_352 = arith.addi %add3A_351, %mul3A_350 : i32
        %mul3A_353 = arith.constant 16 : i32
        %mul3A_354 = arith.muli %add3A_352, %mul3A_353 : i32
        %shift_right_logical3A_355 = arith.constant 5 : i32
        %shift_right_logical3A_356 = arith.shrui %mul3A_354, %shift_right_logical3A_355 : i32
        %and3A_357 = arith.constant 31 : i32
        %and3A_358 = arith.andi %mul3A_354, %and3A_357 : i32
        %add3A_359 = arith.constant 0 : i32
        %add3A_360 = arith.addi %add3A_359, %shift_right_logical3A_356 : i32
        %get3A_361 = arith.constant 0 : i32
        %get3A_362 = arith.index_cast %get3A_361 : i32 to index
        %get3A_363 = arith.index_cast %add3A_360 : i32 to index
        %get3A_364 = arith.index_cast %and3A_358 : i32 to index
        %get3A_365 = tpu.vector_load %arg6[%get3A_362, %get3A_363, %get3A_364] {strides = array<i32>} : memref<2x800x32xf32, #tpu.memory_space<vmem>>, vector<1x1x16xf32>,
        %get3A_366 = vector.shape_cast %get3A_365 : vector<1x1x16xf32> to vector<16xf32>
        %swap3A_367 = arith.constant 0 : i32
        %swap3A_368 = arith.constant 0 : i32
        %swap3A_369 = arith.index_cast %swap3A_367 : i32 to index
        %swap3A_370 = arith.index_cast %swap3A_368 : i32 to index
        %swap3A_371 = arith.index_cast %mul3A_354 : i32 to index
        %swap3A_372 = tpu.vector_load %arg7[%swap3A_369, %swap3A_370, %swap3A_371] {strides = array<i32>} : memref<2x16x1600xf32, #tpu.memory_space<vmem>>, vector<1x1x16xf32>,
        %swap3A_373 = vector.shape_cast %swap3A_372 : vector<1x1x16xf32> to vector<16xf32>
        %swap3A_374 = vector.shape_cast %get3A_366 : vector<16xf32> to vector<1x1x16xf32>
        tpu.vector_store %arg7[%swap3A_369, %swap3A_370, %swap3A_371], %swap3A_374 {strides = array<i32>} : memref<2x16x1600xf32, #tpu.memory_space<vmem>>, vector<1x1x16xf32>,
        %add3A_375 = arith.constant 50 : i32
        %add3A_376 = arith.addi %add3A_375, %shift_right_logical3A_356 : i32
        %get3A_377 = arith.constant 0 : i32
        %get3A_378 = arith.index_cast %get3A_377 : i32 to index
        %get3A_379 = arith.index_cast %add3A_376 : i32 to index
        %get3A_380 = arith.index_cast %and3A_358 : i32 to index
        %get3A_381 = tpu.vector_load %arg6[%get3A_378, %get3A_379, %get3A_380] {strides = array<i32>} : memref<2x800x32xf32, #tpu.memory_space<vmem>>, vector<1x1x16xf32>,
        %get3A_382 = vector.shape_cast %get3A_381 : vector<1x1x16xf32> to vector<16xf32>
        %swap3A_383 = arith.constant 0 : i32
        %swap3A_384 = arith.constant 1 : i32
        %swap3A_385 = arith.index_cast %swap3A_383 : i32 to index
        %swap3A_386 = arith.index_cast %swap3A_384 : i32 to index
        %swap3A_387 = arith.index_cast %mul3A_354 : i32 to index
        %swap3A_388 = tpu.vector_load %arg7[%swap3A_385, %swap3A_386, %swap3A_387] {strides = array<i32>} : memref<2x16x1600xf32, #tpu.memory_space<vmem>>, vector<1x1x16xf32>,
        %swap3A_389 = vector.shape_cast %swap3A_388 : vector<1x1x16xf32> to vector<16xf32>
        %swap3A_390 = vector.shape_cast %get3A_382 : vector<16xf32> to vector<1x1x16xf32>
        tpu.vector_store %arg7[%swap3A_385, %swap3A_386, %swap3A_387], %swap3A_390 {strides = array<i32>} : memref<2x16x1600xf32, #tpu.memory_space<vmem>>, vector<1x1x16xf32>,
        %add3A_391 = arith.constant 100 : i32
        %add3A_392 = arith.addi %add3A_391, %shift_right_logical3A_356 : i32
        %get3A_393 = arith.constant 0 : i32
        %get3A_394 = arith.index_cast %get3A_393 : i32 to index
        %get3A_395 = arith.index_cast %add3A_392 : i32 to index
        %get3A_396 = arith.index_cast %and3A_358 : i32 to index
        %get3A_397 = tpu.vector_load %arg6[%get3A_394, %get3A_395, %get3A_396] {strides = array<i32>} : memref<2x800x32xf32, #tpu.memory_space<vmem>>, vector<1x1x16xf32>,
        %get3A_398 = vector.shape_cast %get3A_397 : vector<1x1x16xf32> to vector<16xf32>
        %swap3A_399 = arith.constant 0 : i32
        %swap3A_400 = arith.constant 2 : i32
        %swap3A_401 = arith.index_cast %swap3A_399 : i32 to index
        %swap3A_402 = arith.index_cast %swap3A_400 : i32 to index
        %swap3A_403 = arith.index_cast %mul3A_354 : i32 to index
        %swap3A_404 = tpu.vector_load %arg7[%swap3A_401, %swap3A_402, %swap3A_403] {strides = array<i32>} : memref<2x16x1600xf32, #tpu.memory_space<vmem>>, vector<1x1x16xf32>,
        %swap3A_405 = vector.shape_cast %swap3A_404 : vector<1x1x16xf32> to vector<16xf32>
        %swap3A_406 = vector.shape_cast %get3A_398 : vector<16xf32> to vector<1x1x16xf32>
        tpu.vector_store %arg7[%swap3A_401, %swap3A_402, %swap3A_403], %swap3A_406 {strides = array<i32>} : memref<2x16x1600xf32, #tpu.memory_space<vmem>>, vector<1x1x16xf32>,
        %add3A_407 = arith.constant 150 : i32
        %add3A_408 = arith.addi %add3A_407, %shift_right_logical3A_356 : i32
        %get3A_409 = arith.constant 0 : i32
        %get3A_410 = arith.index_cast %get3A_409 : i32 to index
        %get3A_411 = arith.index_cast %add3A_408 : i32 to index
        %get3A_412 = arith.index_cast %and3A_358 : i32 to index
        %get3A_413 = tpu.vector_load %arg6[%get3A_410, %get3A_411, %get3A_412] {strides = array<i32>} : memref<2x800x32xf32, #tpu.memory_space<vmem>>, vector<1x1x16xf32>,
        %get3A_414 = vector.shape_cast %get3A_413 : vector<1x1x16xf32> to vector<16xf32>
        %swap3A_415 = arith.constant 0 : i32
        %swap3A_416 = arith.constant 3 : i32
        %swap3A_417 = arith.index_cast %swap3A_415 : i32 to index
        %swap3A_418 = arith.index_cast %swap3A_416 : i32 to index
        %swap3A_419 = arith.index_cast %mul3A_354 : i32 to index
        %swap3A_420 = tpu.vector_load %arg7[%swap3A_417, %swap3A_418, %swap3A_419] {strides = array<i32>} : memref<2x16x1600xf32, #tpu.memory_space<vmem>>, vector<1x1x16xf32>,
        %swap3A_421 = vector.shape_cast %swap3A_420 : vector<1x1x16xf32> to vector<16xf32>
        %swap3A_422 = vector.shape_cast %get3A_414 : vector<16xf32> to vector<1x1x16xf32>
        tpu.vector_store %arg7[%swap3A_417, %swap3A_418, %swap3A_419], %swap3A_422 {strides = array<i32>} : memref<2x16x1600xf32, #tpu.memory_space<vmem>>, vector<1x1x16xf32>,
        %add3A_423 = arith.constant 200 : i32
        %add3A_424 = arith.addi %add3A_423, %shift_right_logical3A_356 : i32
        %get3A_425 = arith.constant 0 : i32
        %get3A_426 = arith.index_cast %get3A_425 : i32 to index
        %get3A_427 = arith.index_cast %add3A_424 : i32 to index
        %get3A_428 = arith.index_cast %and3A_358 : i32 to index
        %get3A_429 = tpu.vector_load %arg6[%get3A_426, %get3A_427, %get3A_428] {strides = array<i32>} : memref<2x800x32xf32, #tpu.memory_space<vmem>>, vector<1x1x16xf32>,
        %get3A_430 = vector.shape_cast %get3A_429 : vector<1x1x16xf32> to vector<16xf32>
        %swap3A_431 = arith.constant 0 : i32
        %swap3A_432 = arith.constant 4 : i32
        %swap3A_433 = arith.index_cast %swap3A_431 : i32 to index
        %swap3A_434 = arith.index_cast %swap3A_432 : i32 to index
        %swap3A_435 = arith.index_cast %mul3A_354 : i32 to index
        %swap3A_436 = tpu.vector_load %arg7[%swap3A_433, %swap3A_434, %swap3A_435] {strides = array<i32>} : memref<2x16x1600xf32, #tpu.memory_space<vmem>>, vector<1x1x16xf32>,
        %swap3A_437 = vector.shape_cast %swap3A_436 : vector<1x1x16xf32> to vector<16xf32>
        %swap3A_438 = vector.shape_cast %get3A_430 : vector<16xf32> to vector<1x1x16xf32>
        tpu.vector_store %arg7[%swap3A_433, %swap3A_434, %swap3A_435], %swap3A_438 {strides = array<i32>} : memref<2x16x1600xf32, #tpu.memory_space<vmem>>, vector<1x1x16xf32>,
        %add3A_439 = arith.constant 250 : i32
        %add3A_440 = arith.addi %add3A_439, %shift_right_logical3A_356 : i32
        %get3A_441 = arith.constant 0 : i32
        %get3A_442 = arith.index_cast %get3A_441 : i32 to index
        %get3A_443 = arith.index_cast %add3A_440 : i32 to index
        %get3A_444 = arith.index_cast %and3A_358 : i32 to index
        %get3A_445 = tpu.vector_load %arg6[%get3A_442, %get3A_443, %get3A_444] {strides = array<i32>} : memref<2x800x32xf32, #tpu.memory_space<vmem>>, vector<1x1x16xf32>,
        %get3A_446 = vector.shape_cast %get3A_445 : vector<1x1x16xf32> to vector<16xf32>
        %swap3A_447 = arith.constant 0 : i32
        %swap3A_448 = arith.constant 5 : i32
        %swap3A_449 = arith.index_cast %swap3A_447 : i32 to index
        %swap3A_450 = arith.index_cast %swap3A_448 : i32 to index
        %swap3A_451 = arith.index_cast %mul3A_354 : i32 to index
        %swap3A_452 = tpu.vector_load %arg7[%swap3A_449, %swap3A_450, %swap3A_451] {strides = array<i32>} : memref<2x16x1600xf32, #tpu.memory_space<vmem>>, vector<1x1x16xf32>,
        %swap3A_453 = vector.shape_cast %swap3A_452 : vector<1x1x16xf32> to vector<16xf32>
        %swap3A_454 = vector.shape_cast %get3A_446 : vector<16xf32> to vector<1x1x16xf32>
        tpu.vector_store %arg7[%swap3A_449, %swap3A_450, %swap3A_451], %swap3A_454 {strides = array<i32>} : memref<2x16x1600xf32, #tpu.memory_space<vmem>>, vector<1x1x16xf32>,
        %add3A_455 = arith.constant 300 : i32
        %add3A_456 = arith.addi %add3A_455, %shift_right_logical3A_356 : i32
        %get3A_457 = arith.constant 0 : i32
        %get3A_458 = arith.index_cast %get3A_457 : i32 to index
        %get3A_459 = arith.index_cast %add3A_456 : i32 to index
        %get3A_460 = arith.index_cast %and3A_358 : i32 to index
        %get3A_461 = tpu.vector_load %arg6[%get3A_458, %get3A_459, %get3A_460] {strides = array<i32>} : memref<2x800x32xf32, #tpu.memory_space<vmem>>, vector<1x1x16xf32>,
        %get3A_462 = vector.shape_cast %get3A_461 : vector<1x1x16xf32> to vector<16xf32>
        %swap3A_463 = arith.constant 0 : i32
        %swap3A_464 = arith.constant 6 : i32
        %swap3A_465 = arith.index_cast %swap3A_463 : i32 to index
        %swap3A_466 = arith.index_cast %swap3A_464 : i32 to index
        %swap3A_467 = arith.index_cast %mul3A_354 : i32 to index
        %swap3A_468 = tpu.vector_load %arg7[%swap3A_465, %swap3A_466, %swap3A_467] {strides = array<i32>} : memref<2x16x1600xf32, #tpu.memory_space<vmem>>, vector<1x1x16xf32>,
        %swap3A_469 = vector.shape_cast %swap3A_468 : vector<1x1x16xf32> to vector<16xf32>
        %swap3A_470 = vector.shape_cast %get3A_462 : vector<16xf32> to vector<1x1x16xf32>
        tpu.vector_store %arg7[%swap3A_465, %swap3A_466, %swap3A_467], %swap3A_470 {strides = array<i32>} : memref<2x16x1600xf32, #tpu.memory_space<vmem>>, vector<1x1x16xf32>,
        %add3A_471 = arith.constant 350 : i32
        %add3A_472 = arith.addi %add3A_471, %shift_right_logical3A_356 : i32
        %get3A_473 = arith.constant 0 : i32
        %get3A_474 = arith.index_cast %get3A_473 : i32 to index
        %get3A_475 = arith.index_cast %add3A_472 : i32 to index
        %get3A_476 = arith.index_cast %and3A_358 : i32 to index
        %get3A_477 = tpu.vector_load %arg6[%get3A_474, %get3A_475, %get3A_476] {strides = array<i32>} : memref<2x800x32xf32, #tpu.memory_space<vmem>>, vector<1x1x16xf32>,
        %get3A_478 = vector.shape_cast %get3A_477 : vector<1x1x16xf32> to vector<16xf32>
        %swap3A_479 = arith.constant 0 : i32
        %swap3A_480 = arith.constant 7 : i32
        %swap3A_481 = arith.index_cast %swap3A_479 : i32 to index
        %swap3A_482 = arith.index_cast %swap3A_480 : i32 to index
        %swap3A_483 = arith.index_cast %mul3A_354 : i32 to index
        %swap3A_484 = tpu.vector_load %arg7[%swap3A_481, %swap3A_482, %swap3A_483] {strides = array<i32>} : memref<2x16x1600xf32, #tpu.memory_space<vmem>>, vector<1x1x16xf32>,
        %swap3A_485 = vector.shape_cast %swap3A_484 : vector<1x1x16xf32> to vector<16xf32>
        %swap3A_486 = vector.shape_cast %get3A_478 : vector<16xf32> to vector<1x1x16xf32>
        tpu.vector_store %arg7[%swap3A_481, %swap3A_482, %swap3A_483], %swap3A_486 {strides = array<i32>} : memref<2x16x1600xf32, #tpu.memory_space<vmem>>, vector<1x1x16xf32>,
        %add3A_487 = arith.constant 400 : i32
        %add3A_488 = arith.addi %add3A_487, %shift_right_logical3A_356 : i32
        %get3A_489 = arith.constant 0 : i32
        %get3A_490 = arith.index_cast %get3A_489 : i32 to index
        %get3A_491 = arith.index_cast %add3A_488 : i32 to index
        %get3A_492 = arith.index_cast %and3A_358 : i32 to index
        %get3A_493 = tpu.vector_load %arg6[%get3A_490, %get3A_491, %get3A_492] {strides = array<i32>} : memref<2x800x32xf32, #tpu.memory_space<vmem>>, vector<1x1x16xf32>,
        %get3A_494 = vector.shape_cast %get3A_493 : vector<1x1x16xf32> to vector<16xf32>
        %swap3A_495 = arith.constant 0 : i32
        %swap3A_496 = arith.constant 8 : i32
        %swap3A_497 = arith.index_cast %swap3A_495 : i32 to index
        %swap3A_498 = arith.index_cast %swap3A_496 : i32 to index
        %swap3A_499 = arith.index_cast %mul3A_354 : i32 to index
        %swap3A_500 = tpu.vector_load %arg7[%swap3A_497, %swap3A_498, %swap3A_499] {strides = array<i32>} : memref<2x16x1600xf32, #tpu.memory_space<vmem>>, vector<1x1x16xf32>,
        %swap3A_501 = vector.shape_cast %swap3A_500 : vector<1x1x16xf32> to vector<16xf32>
        %swap3A_502 = vector.shape_cast %get3A_494 : vector<16xf32> to vector<1x1x16xf32>
        tpu.vector_store %arg7[%swap3A_497, %swap3A_498, %swap3A_499], %swap3A_502 {strides = array<i32>} : memref<2x16x1600xf32, #tpu.memory_space<vmem>>, vector<1x1x16xf32>,
        %add3A_503 = arith.constant 450 : i32
        %add3A_504 = arith.addi %add3A_503, %shift_right_logical3A_356 : i32
        %get3A_505 = arith.constant 0 : i32
        %get3A_506 = arith.index_cast %get3A_505 : i32 to index
        %get3A_507 = arith.index_cast %add3A_504 : i32 to index
        %get3A_508 = arith.index_cast %and3A_358 : i32 to index
        %get3A_509 = tpu.vector_load %arg6[%get3A_506, %get3A_507, %get3A_508] {strides = array<i32>} : memref<2x800x32xf32, #tpu.memory_space<vmem>>, vector<1x1x16xf32>,
        %get3A_510 = vector.shape_cast %get3A_509 : vector<1x1x16xf32> to vector<16xf32>
        %swap3A_511 = arith.constant 0 : i32
        %swap3A_512 = arith.constant 9 : i32
        %swap3A_513 = arith.index_cast %swap3A_511 : i32 to index
        %swap3A_514 = arith.index_cast %swap3A_512 : i32 to index
        %swap3A_515 = arith.index_cast %mul3A_354 : i32 to index
        %swap3A_516 = tpu.vector_load %arg7[%swap3A_513, %swap3A_514, %swap3A_515] {strides = array<i32>} : memref<2x16x1600xf32, #tpu.memory_space<vmem>>, vector<1x1x16xf32>,
        %swap3A_517 = vector.shape_cast %swap3A_516 : vector<1x1x16xf32> to vector<16xf32>
        %swap3A_518 = vector.shape_cast %get3A_510 : vector<16xf32> to vector<1x1x16xf32>
        tpu.vector_store %arg7[%swap3A_513, %swap3A_514, %swap3A_515], %swap3A_518 {strides = array<i32>} : memref<2x16x1600xf32, #tpu.memory_space<vmem>>, vector<1x1x16xf32>,
        %add3A_519 = arith.constant 500 : i32
        %add3A_520 = arith.addi %add3A_519, %shift_right_logical3A_356 : i32
        %get3A_521 = arith.constant 0 : i32
        %get3A_522 = arith.index_cast %get3A_521 : i32 to index
        %get3A_523 = arith.index_cast %add3A_520 : i32 to index
        %get3A_524 = arith.index_cast %and3A_358 : i32 to index
        %get3A_525 = tpu.vector_load %arg6[%get3A_522, %get3A_523, %get3A_524] {strides = array<i32>} : memref<2x800x32xf32, #tpu.memory_space<vmem>>, vector<1x1x16xf32>,
        %get3A_526 = vector.shape_cast %get3A_525 : vector<1x1x16xf32> to vector<16xf32>
        %swap3A_527 = arith.constant 0 : i32
        %swap3A_528 = arith.constant 10 : i32
        %swap3A_529 = arith.index_cast %swap3A_527 : i32 to index
        %swap3A_530 = arith.index_cast %swap3A_528 : i32 to index
        %swap3A_531 = arith.index_cast %mul3A_354 : i32 to index
        %swap3A_532 = tpu.vector_load %arg7[%swap3A_529, %swap3A_530, %swap3A_531] {strides = array<i32>} : memref<2x16x1600xf32, #tpu.memory_space<vmem>>, vector<1x1x16xf32>,
        %swap3A_533 = vector.shape_cast %swap3A_532 : vector<1x1x16xf32> to vector<16xf32>
        %swap3A_534 = vector.shape_cast %get3A_526 : vector<16xf32> to vector<1x1x16xf32>
        tpu.vector_store %arg7[%swap3A_529, %swap3A_530, %swap3A_531], %swap3A_534 {strides = array<i32>} : memref<2x16x1600xf32, #tpu.memory_space<vmem>>, vector<1x1x16xf32>,
        %add3A_535 = arith.constant 550 : i32
        %add3A_536 = arith.addi %add3A_535, %shift_right_logical3A_356 : i32
        %get3A_537 = arith.constant 0 : i32
        %get3A_538 = arith.index_cast %get3A_537 : i32 to index
        %get3A_539 = arith.index_cast %add3A_536 : i32 to index
        %get3A_540 = arith.index_cast %and3A_358 : i32 to index
        %get3A_541 = tpu.vector_load %arg6[%get3A_538, %get3A_539, %get3A_540] {strides = array<i32>} : memref<2x800x32xf32, #tpu.memory_space<vmem>>, vector<1x1x16xf32>,
        %get3A_542 = vector.shape_cast %get3A_541 : vector<1x1x16xf32> to vector<16xf32>
        %swap3A_543 = arith.constant 0 : i32
        %swap3A_544 = arith.constant 11 : i32
        %swap3A_545 = arith.index_cast %swap3A_543 : i32 to index
        %swap3A_546 = arith.index_cast %swap3A_544 : i32 to index
        %swap3A_547 = arith.index_cast %mul3A_354 : i32 to index
        %swap3A_548 = tpu.vector_load %arg7[%swap3A_545, %swap3A_546, %swap3A_547] {strides = array<i32>} : memref<2x16x1600xf32, #tpu.memory_space<vmem>>, vector<1x1x16xf32>,
        %swap3A_549 = vector.shape_cast %swap3A_548 : vector<1x1x16xf32> to vector<16xf32>
        %swap3A_550 = vector.shape_cast %get3A_542 : vector<16xf32> to vector<1x1x16xf32>
        tpu.vector_store %arg7[%swap3A_545, %swap3A_546, %swap3A_547], %swap3A_550 {strides = array<i32>} : memref<2x16x1600xf32, #tpu.memory_space<vmem>>, vector<1x1x16xf32>,
        %add3A_551 = arith.constant 600 : i32
        %add3A_552 = arith.addi %add3A_551, %shift_right_logical3A_356 : i32
        %get3A_553 = arith.constant 0 : i32
        %get3A_554 = arith.index_cast %get3A_553 : i32 to index
        %get3A_555 = arith.index_cast %add3A_552 : i32 to index
        %get3A_556 = arith.index_cast %and3A_358 : i32 to index
        %get3A_557 = tpu.vector_load %arg6[%get3A_554, %get3A_555, %get3A_556] {strides = array<i32>} : memref<2x800x32xf32, #tpu.memory_space<vmem>>, vector<1x1x16xf32>,
        %get3A_558 = vector.shape_cast %get3A_557 : vector<1x1x16xf32> to vector<16xf32>
        %swap3A_559 = arith.constant 0 : i32
        %swap3A_560 = arith.constant 12 : i32
        %swap3A_561 = arith.index_cast %swap3A_559 : i32 to index
        %swap3A_562 = arith.index_cast %swap3A_560 : i32 to index
        %swap3A_563 = arith.index_cast %mul3A_354 : i32 to index
        %swap3A_564 = tpu.vector_load %arg7[%swap3A_561, %swap3A_562, %swap3A_563] {strides = array<i32>} : memref<2x16x1600xf32, #tpu.memory_space<vmem>>, vector<1x1x16xf32>,
        %swap3A_565 = vector.shape_cast %swap3A_564 : vector<1x1x16xf32> to vector<16xf32>
        %swap3A_566 = vector.shape_cast %get3A_558 : vector<16xf32> to vector<1x1x16xf32>
        tpu.vector_store %arg7[%swap3A_561, %swap3A_562, %swap3A_563], %swap3A_566 {strides = array<i32>} : memref<2x16x1600xf32, #tpu.memory_space<vmem>>, vector<1x1x16xf32>,
        %add3A_567 = arith.constant 650 : i32
        %add3A_568 = arith.addi %add3A_567, %shift_right_logical3A_356 : i32
        %get3A_569 = arith.constant 0 : i32
        %get3A_570 = arith.index_cast %get3A_569 : i32 to index
        %get3A_571 = arith.index_cast %add3A_568 : i32 to index
        %get3A_572 = arith.index_cast %and3A_358 : i32 to index
        %get3A_573 = tpu.vector_load %arg6[%get3A_570, %get3A_571, %get3A_572] {strides = array<i32>} : memref<2x800x32xf32, #tpu.memory_space<vmem>>, vector<1x1x16xf32>,
        %get3A_574 = vector.shape_cast %get3A_573 : vector<1x1x16xf32> to vector<16xf32>
        %swap3A_575 = arith.constant 0 : i32
        %swap3A_576 = arith.constant 13 : i32
        %swap3A_577 = arith.index_cast %swap3A_575 : i32 to index
        %swap3A_578 = arith.index_cast %swap3A_576 : i32 to index
        %swap3A_579 = arith.index_cast %mul3A_354 : i32 to index
        %swap3A_580 = tpu.vector_load %arg7[%swap3A_577, %swap3A_578, %swap3A_579] {strides = array<i32>} : memref<2x16x1600xf32, #tpu.memory_space<vmem>>, vector<1x1x16xf32>,
        %swap3A_581 = vector.shape_cast %swap3A_580 : vector<1x1x16xf32> to vector<16xf32>
        %swap3A_582 = vector.shape_cast %get3A_574 : vector<16xf32> to vector<1x1x16xf32>
        tpu.vector_store %arg7[%swap3A_577, %swap3A_578, %swap3A_579], %swap3A_582 {strides = array<i32>} : memref<2x16x1600xf32, #tpu.memory_space<vmem>>, vector<1x1x16xf32>,
        %add3A_583 = arith.constant 700 : i32
        %add3A_584 = arith.addi %add3A_583, %shift_right_logical3A_356 : i32
        %get3A_585 = arith.constant 0 : i32
        %get3A_586 = arith.index_cast %get3A_585 : i32 to index
        %get3A_587 = arith.index_cast %add3A_584 : i32 to index
        %get3A_588 = arith.index_cast %and3A_358 : i32 to index
        %get3A_589 = tpu.vector_load %arg6[%get3A_586, %get3A_587, %get3A_588] {strides = array<i32>} : memref<2x800x32xf32, #tpu.memory_space<vmem>>, vector<1x1x16xf32>,
        %get3A_590 = vector.shape_cast %get3A_589 : vector<1x1x16xf32> to vector<16xf32>
        %swap3A_591 = arith.constant 0 : i32
        %swap3A_592 = arith.constant 14 : i32
        %swap3A_593 = arith.index_cast %swap3A_591 : i32 to index
        %swap3A_594 = arith.index_cast %swap3A_592 : i32 to index
        %swap3A_595 = arith.index_cast %mul3A_354 : i32 to index
        %swap3A_596 = tpu.vector_load %arg7[%swap3A_593, %swap3A_594, %swap3A_595] {strides = array<i32>} : memref<2x16x1600xf32, #tpu.memory_space<vmem>>, vector<1x1x16xf32>,
        %swap3A_597 = vector.shape_cast %swap3A_596 : vector<1x1x16xf32> to vector<16xf32>
        %swap3A_598 = vector.shape_cast %get3A_590 : vector<16xf32> to vector<1x1x16xf32>
        tpu.vector_store %arg7[%swap3A_593, %swap3A_594, %swap3A_595], %swap3A_598 {strides = array<i32>} : memref<2x16x1600xf32, #tpu.memory_space<vmem>>, vector<1x1x16xf32>,
        %add3A_599 = arith.constant 750 : i32
        %add3A_600 = arith.addi %add3A_599, %shift_right_logical3A_356 : i32
        %get3A_601 = arith.constant 0 : i32
        %get3A_602 = arith.index_cast %get3A_601 : i32 to index
        %get3A_603 = arith.index_cast %add3A_600 : i32 to index
        %get3A_604 = arith.index_cast %and3A_358 : i32 to index
        %get3A_605 = tpu.vector_load %arg6[%get3A_602, %get3A_603, %get3A_604] {strides = array<i32>} : memref<2x800x32xf32, #tpu.memory_space<vmem>>, vector<1x1x16xf32>,
        %get3A_606 = vector.shape_cast %get3A_605 : vector<1x1x16xf32> to vector<16xf32>
        %swap3A_607 = arith.constant 0 : i32
        %swap3A_608 = arith.constant 15 : i32
        %swap3A_609 = arith.index_cast %swap3A_607 : i32 to index
        %swap3A_610 = arith.index_cast %swap3A_608 : i32 to index
        %swap3A_611 = arith.index_cast %mul3A_354 : i32 to index
        %swap3A_612 = tpu.vector_load %arg7[%swap3A_609, %swap3A_610, %swap3A_611] {strides = array<i32>} : memref<2x16x1600xf32, #tpu.memory_space<vmem>>, vector<1x1x16xf32>,
        %swap3A_613 = vector.shape_cast %swap3A_612 : vector<1x1x16xf32> to vector<16xf32>
        %swap3A_614 = vector.shape_cast %get3A_606 : vector<16xf32> to vector<1x1x16xf32>
        tpu.vector_store %arg7[%swap3A_609, %swap3A_610, %swap3A_611], %swap3A_614 {strides = array<i32>} : memref<2x16x1600xf32, #tpu.memory_space<vmem>>, vector<1x1x16xf32>,
        %scan3A_615 = arith.constant 2 : i32
        %scan3A_616 = arith.addi %scan3A_84, %scan3A_615 : i32
        %mul3A_617 = arith.constant 1 : i32
        %mul3A_618 = arith.muli %scan3A_616, %mul3A_617 : i32
        %add3A_619 = arith.constant 0 : i32
        %add3A_620 = arith.addi %add3A_619, %mul3A_618 : i32
        %mul3A_621 = arith.constant 16 : i32
        %mul3A_622 = arith.muli %add3A_620, %mul3A_621 : i32
        %shift_right_logical3A_623 = arith.constant 5 : i32
        %shift_right_logical3A_624 = arith.shrui %mul3A_622, %shift_right_logical3A_623 : i32
        %and3A_625 = arith.constant 31 : i32
        %and3A_626 = arith.andi %mul3A_622, %and3A_625 : i32
        %add3A_627 = arith.constant 0 : i32
        %add3A_628 = arith.addi %add3A_627, %shift_right_logical3A_624 : i32
        %get3A_629 = arith.constant 0 : i32
        %get3A_630 = arith.index_cast %get3A_629 : i32 to index
        %get3A_631 = arith.index_cast %add3A_628 : i32 to index
        %get3A_632 = arith.index_cast %and3A_626 : i32 to index
        %get3A_633 = tpu.vector_load %arg6[%get3A_630, %get3A_631, %get3A_632] {strides = array<i32>} : memref<2x800x32xf32, #tpu.memory_space<vmem>>, vector<1x1x16xf32>,
        %get3A_634 = vector.shape_cast %get3A_633 : vector<1x1x16xf32> to vector<16xf32>
        %swap3A_635 = arith.constant 0 : i32
        %swap3A_636 = arith.constant 0 : i32
        %swap3A_637 = arith.index_cast %swap3A_635 : i32 to index
        %swap3A_638 = arith.index_cast %swap3A_636 : i32 to index
        %swap3A_639 = arith.index_cast %mul3A_622 : i32 to index
        %swap3A_640 = tpu.vector_load %arg7[%swap3A_637, %swap3A_638, %swap3A_639] {strides = array<i32>} : memref<2x16x1600xf32, #tpu.memory_space<vmem>>, vector<1x1x16xf32>,
        %swap3A_641 = vector.shape_cast %swap3A_640 : vector<1x1x16xf32> to vector<16xf32>
        %swap3A_642 = vector.shape_cast %get3A_634 : vector<16xf32> to vector<1x1x16xf32>
        tpu.vector_store %arg7[%swap3A_637, %swap3A_638, %swap3A_639], %swap3A_642 {strides = array<i32>} : memref<2x16x1600xf32, #tpu.memory_space<vmem>>, vector<1x1x16xf32>,
        %add3A_643 = arith.constant 50 : i32
        %add3A_644 = arith.addi %add3A_643, %shift_right_logical3A_624 : i32
        %get3A_645 = arith.constant 0 : i32
        %get3A_646 = arith.index_cast %get3A_645 : i32 to index
        %get3A_647 = arith.index_cast %add3A_644 : i32 to index
        %get3A_648 = arith.index_cast %and3A_626 : i32 to index
        %get3A_649 = tpu.vector_load %arg6[%get3A_646, %get3A_647, %get3A_648] {strides = array<i32>} : memref<2x800x32xf32, #tpu.memory_space<vmem>>, vector<1x1x16xf32>,
        %get3A_650 = vector.shape_cast %get3A_649 : vector<1x1x16xf32> to vector<16xf32>
        %swap3A_651 = arith.constant 0 : i32
        %swap3A_652 = arith.constant 1 : i32
        %swap3A_653 = arith.index_cast %swap3A_651 : i32 to index
        %swap3A_654 = arith.index_cast %swap3A_652 : i32 to index
        %swap3A_655 = arith.index_cast %mul3A_622 : i32 to index
        %swap3A_656 = tpu.vector_load %arg7[%swap3A_653, %swap3A_654, %swap3A_655] {strides = array<i32>} : memref<2x16x1600xf32, #tpu.memory_space<vmem>>, vector<1x1x16xf32>,
        %swap3A_657 = vector.shape_cast %swap3A_656 : vector<1x1x16xf32> to vector<16xf32>
        %swap3A_658 = vector.shape_cast %get3A_650 : vector<16xf32> to vector<1x1x16xf32>
        tpu.vector_store %arg7[%swap3A_653, %swap3A_654, %swap3A_655], %swap3A_658 {strides = array<i32>} : memref<2x16x1600xf32, #tpu.memory_space<vmem>>, vector<1x1x16xf32>,
        %add3A_659 = arith.constant 100 : i32
        %add3A_660 = arith.addi %add3A_659, %shift_right_logical3A_624 : i32
        %get3A_661 = arith.constant 0 : i32
        %get3A_662 = arith.index_cast %get3A_661 : i32 to index
        %get3A_663 = arith.index_cast %add3A_660 : i32 to index
        %get3A_664 = arith.index_cast %and3A_626 : i32 to index
        %get3A_665 = tpu.vector_load %arg6[%get3A_662, %get3A_663, %get3A_664] {strides = array<i32>} : memref<2x800x32xf32, #tpu.memory_space<vmem>>, vector<1x1x16xf32>,
        %get3A_666 = vector.shape_cast %get3A_665 : vector<1x1x16xf32> to vector<16xf32>
        %swap3A_667 = arith.constant 0 : i32
        %swap3A_668 = arith.constant 2 : i32
        %swap3A_669 = arith.index_cast %swap3A_667 : i32 to index
        %swap3A_670 = arith.index_cast %swap3A_668 : i32 to index
        %swap3A_671 = arith.index_cast %mul3A_622 : i32 to index
        %swap3A_672 = tpu.vector_load %arg7[%swap3A_669, %swap3A_670, %swap3A_671] {strides = array<i32>} : memref<2x16x1600xf32, #tpu.memory_space<vmem>>, vector<1x1x16xf32>,
        %swap3A_673 = vector.shape_cast %swap3A_672 : vector<1x1x16xf32> to vector<16xf32>
        %swap3A_674 = vector.shape_cast %get3A_666 : vector<16xf32> to vector<1x1x16xf32>
        tpu.vector_store %arg7[%swap3A_669, %swap3A_670, %swap3A_671], %swap3A_674 {strides = array<i32>} : memref<2x16x1600xf32, #tpu.memory_space<vmem>>, vector<1x1x16xf32>,
        %add3A_675 = arith.constant 150 : i32
        %add3A_676 = arith.addi %add3A_675, %shift_right_logical3A_624 : i32
        %get3A_677 = arith.constant 0 : i32
        %get3A_678 = arith.index_cast %get3A_677 : i32 to index
        %get3A_679 = arith.index_cast %add3A_676 : i32 to index
        %get3A_680 = arith.index_cast %and3A_626 : i32 to index
        %get3A_681 = tpu.vector_load %arg6[%get3A_678, %get3A_679, %get3A_680] {strides = array<i32>} : memref<2x800x32xf32, #tpu.memory_space<vmem>>, vector<1x1x16xf32>,
        %get3A_682 = vector.shape_cast %get3A_681 : vector<1x1x16xf32> to vector<16xf32>
        %swap3A_683 = arith.constant 0 : i32
        %swap3A_684 = arith.constant 3 : i32
        %swap3A_685 = arith.index_cast %swap3A_683 : i32 to index
        %swap3A_686 = arith.index_cast %swap3A_684 : i32 to index
        %swap3A_687 = arith.index_cast %mul3A_622 : i32 to index
        %swap3A_688 = tpu.vector_load %arg7[%swap3A_685, %swap3A_686, %swap3A_687] {strides = array<i32>} : memref<2x16x1600xf32, #tpu.memory_space<vmem>>, vector<1x1x16xf32>,
        %swap3A_689 = vector.shape_cast %swap3A_688 : vector<1x1x16xf32> to vector<16xf32>
        %swap3A_690 = vector.shape_cast %get3A_682 : vector<16xf32> to vector<1x1x16xf32>
        tpu.vector_store %arg7[%swap3A_685, %swap3A_686, %swap3A_687], %swap3A_690 {strides = array<i32>} : memref<2x16x1600xf32, #tpu.memory_space<vmem>>, vector<1x1x16xf32>,
        %add3A_691 = arith.constant 200 : i32
        %add3A_692 = arith.addi %add3A_691, %shift_right_logical3A_624 : i32
        %get3A_693 = arith.constant 0 : i32
        %get3A_694 = arith.index_cast %get3A_693 : i32 to index
        %get3A_695 = arith.index_cast %add3A_692 : i32 to index
        %get3A_696 = arith.index_cast %and3A_626 : i32 to index
        %get3A_697 = tpu.vector_load %arg6[%get3A_694, %get3A_695, %get3A_696] {strides = array<i32>} : memref<2x800x32xf32, #tpu.memory_space<vmem>>, vector<1x1x16xf32>,
        %get3A_698 = vector.shape_cast %get3A_697 : vector<1x1x16xf32> to vector<16xf32>
        %swap3A_699 = arith.constant 0 : i32
        %swap3A_700 = arith.constant 4 : i32
        %swap3A_701 = arith.index_cast %swap3A_699 : i32 to index
        %swap3A_702 = arith.index_cast %swap3A_700 : i32 to index
        %swap3A_703 = arith.index_cast %mul3A_622 : i32 to index
        %swap3A_704 = tpu.vector_load %arg7[%swap3A_701, %swap3A_702, %swap3A_703] {strides = array<i32>} : memref<2x16x1600xf32, #tpu.memory_space<vmem>>, vector<1x1x16xf32>,
        %swap3A_705 = vector.shape_cast %swap3A_704 : vector<1x1x16xf32> to vector<16xf32>
        %swap3A_706 = vector.shape_cast %get3A_698 : vector<16xf32> to vector<1x1x16xf32>
        tpu.vector_store %arg7[%swap3A_701, %swap3A_702, %swap3A_703], %swap3A_706 {strides = array<i32>} : memref<2x16x1600xf32, #tpu.memory_space<vmem>>, vector<1x1x16xf32>,
        %add3A_707 = arith.constant 250 : i32
        %add3A_708 = arith.addi %add3A_707, %shift_right_logical3A_624 : i32
        %get3A_709 = arith.constant 0 : i32
        %get3A_710 = arith.index_cast %get3A_709 : i32 to index
        %get3A_711 = arith.index_cast %add3A_708 : i32 to index
        %get3A_712 = arith.index_cast %and3A_626 : i32 to index
        %get3A_713 = tpu.vector_load %arg6[%get3A_710, %get3A_711, %get3A_712] {strides = array<i32>} : memref<2x800x32xf32, #tpu.memory_space<vmem>>, vector<1x1x16xf32>,
        %get3A_714 = vector.shape_cast %get3A_713 : vector<1x1x16xf32> to vector<16xf32>
        %swap3A_715 = arith.constant 0 : i32
        %swap3A_716 = arith.constant 5 : i32
        %swap3A_717 = arith.index_cast %swap3A_715 : i32 to index
        %swap3A_718 = arith.index_cast %swap3A_716 : i32 to index
        %swap3A_719 = arith.index_cast %mul3A_622 : i32 to index
        %swap3A_720 = tpu.vector_load %arg7[%swap3A_717, %swap3A_718, %swap3A_719] {strides = array<i32>} : memref<2x16x1600xf32, #tpu.memory_space<vmem>>, vector<1x1x16xf32>,
        %swap3A_721 = vector.shape_cast %swap3A_720 : vector<1x1x16xf32> to vector<16xf32>
        %swap3A_722 = vector.shape_cast %get3A_714 : vector<16xf32> to vector<1x1x16xf32>
        tpu.vector_store %arg7[%swap3A_717, %swap3A_718, %swap3A_719], %swap3A_722 {strides = array<i32>} : memref<2x16x1600xf32, #tpu.memory_space<vmem>>, vector<1x1x16xf32>,
        %add3A_723 = arith.constant 300 : i32
        %add3A_724 = arith.addi %add3A_723, %shift_right_logical3A_624 : i32
        %get3A_725 = arith.constant 0 : i32
        %get3A_726 = arith.index_cast %get3A_725 : i32 to index
        %get3A_727 = arith.index_cast %add3A_724 : i32 to index
        %get3A_728 = arith.index_cast %and3A_626 : i32 to index
        %get3A_729 = tpu.vector_load %arg6[%get3A_726, %get3A_727, %get3A_728] {strides = array<i32>} : memref<2x800x32xf32, #tpu.memory_space<vmem>>, vector<1x1x16xf32>,
        %get3A_730 = vector.shape_cast %get3A_729 : vector<1x1x16xf32> to vector<16xf32>
        %swap3A_731 = arith.constant 0 : i32
        %swap3A_732 = arith.constant 6 : i32
        %swap3A_733 = arith.index_cast %swap3A_731 : i32 to index
        %swap3A_734 = arith.index_cast %swap3A_732 : i32 to index
        %swap3A_735 = arith.index_cast %mul3A_622 : i32 to index
        %swap3A_736 = tpu.vector_load %arg7[%swap3A_733, %swap3A_734, %swap3A_735] {strides = array<i32>} : memref<2x16x1600xf32, #tpu.memory_space<vmem>>, vector<1x1x16xf32>,
        %swap3A_737 = vector.shape_cast %swap3A_736 : vector<1x1x16xf32> to vector<16xf32>
        %swap3A_738 = vector.shape_cast %get3A_730 : vector<16xf32> to vector<1x1x16xf32>
        tpu.vector_store %arg7[%swap3A_733, %swap3A_734, %swap3A_735], %swap3A_738 {strides = array<i32>} : memref<2x16x1600xf32, #tpu.memory_space<vmem>>, vector<1x1x16xf32>,
        %add3A_739 = arith.constant 350 : i32
        %add3A_740 = arith.addi %add3A_739, %shift_right_logical3A_624 : i32
        %get3A_741 = arith.constant 0 : i32
        %get3A_742 = arith.index_cast %get3A_741 : i32 to index
        %get3A_743 = arith.index_cast %add3A_740 : i32 to index
        %get3A_744 = arith.index_cast %and3A_626 : i32 to index
        %get3A_745 = tpu.vector_load %arg6[%get3A_742, %get3A_743, %get3A_744] {strides = array<i32>} : memref<2x800x32xf32, #tpu.memory_space<vmem>>, vector<1x1x16xf32>,
        %get3A_746 = vector.shape_cast %get3A_745 : vector<1x1x16xf32> to vector<16xf32>
        %swap3A_747 = arith.constant 0 : i32
        %swap3A_748 = arith.constant 7 : i32
        %swap3A_749 = arith.index_cast %swap3A_747 : i32 to index
        %swap3A_750 = arith.index_cast %swap3A_748 : i32 to index
        %swap3A_751 = arith.index_cast %mul3A_622 : i32 to index
        %swap3A_752 = tpu.vector_load %arg7[%swap3A_749, %swap3A_750, %swap3A_751] {strides = array<i32>} : memref<2x16x1600xf32, #tpu.memory_space<vmem>>, vector<1x1x16xf32>,
        %swap3A_753 = vector.shape_cast %swap3A_752 : vector<1x1x16xf32> to vector<16xf32>
        %swap3A_754 = vector.shape_cast %get3A_746 : vector<16xf32> to vector<1x1x16xf32>
        tpu.vector_store %arg7[%swap3A_749, %swap3A_750, %swap3A_751], %swap3A_754 {strides = array<i32>} : memref<2x16x1600xf32, #tpu.memory_space<vmem>>, vector<1x1x16xf32>,
        %add3A_755 = arith.constant 400 : i32
        %add3A_756 = arith.addi %add3A_755, %shift_right_logical3A_624 : i32
        %get3A_757 = arith.constant 0 : i32
        %get3A_758 = arith.index_cast %get3A_757 : i32 to index
        %get3A_759 = arith.index_cast %add3A_756 : i32 to index
        %get3A_760 = arith.index_cast %and3A_626 : i32 to index
        %get3A_761 = tpu.vector_load %arg6[%get3A_758, %get3A_759, %get3A_760] {strides = array<i32>} : memref<2x800x32xf32, #tpu.memory_space<vmem>>, vector<1x1x16xf32>,
        %get3A_762 = vector.shape_cast %get3A_761 : vector<1x1x16xf32> to vector<16xf32>
        %swap3A_763 = arith.constant 0 : i32
        %swap3A_764 = arith.constant 8 : i32
        %swap3A_765 = arith.index_cast %swap3A_763 : i32 to index
        %swap3A_766 = arith.index_cast %swap3A_764 : i32 to index
        %swap3A_767 = arith.index_cast %mul3A_622 : i32 to index
        %swap3A_768 = tpu.vector_load %arg7[%swap3A_765, %swap3A_766, %swap3A_767] {strides = array<i32>} : memref<2x16x1600xf32, #tpu.memory_space<vmem>>, vector<1x1x16xf32>,
        %swap3A_769 = vector.shape_cast %swap3A_768 : vector<1x1x16xf32> to vector<16xf32>
        %swap3A_770 = vector.shape_cast %get3A_762 : vector<16xf32> to vector<1x1x16xf32>
        tpu.vector_store %arg7[%swap3A_765, %swap3A_766, %swap3A_767], %swap3A_770 {strides = array<i32>} : memref<2x16x1600xf32, #tpu.memory_space<vmem>>, vector<1x1x16xf32>,
        %add3A_771 = arith.constant 450 : i32
        %add3A_772 = arith.addi %add3A_771, %shift_right_logical3A_624 : i32
        %get3A_773 = arith.constant 0 : i32
        %get3A_774 = arith.index_cast %get3A_773 : i32 to index
        %get3A_775 = arith.index_cast %add3A_772 : i32 to index
        %get3A_776 = arith.index_cast %and3A_626 : i32 to index
        %get3A_777 = tpu.vector_load %arg6[%get3A_774, %get3A_775, %get3A_776] {strides = array<i32>} : memref<2x800x32xf32, #tpu.memory_space<vmem>>, vector<1x1x16xf32>,
        %get3A_778 = vector.shape_cast %get3A_777 : vector<1x1x16xf32> to vector<16xf32>
        %swap3A_779 = arith.constant 0 : i32
        %swap3A_780 = arith.constant 9 : i32
        %swap3A_781 = arith.index_cast %swap3A_779 : i32 to index
        %swap3A_782 = arith.index_cast %swap3A_780 : i32 to index
        %swap3A_783 = arith.index_cast %mul3A_622 : i32 to index
        %swap3A_784 = tpu.vector_load %arg7[%swap3A_781, %swap3A_782, %swap3A_783] {strides = array<i32>} : memref<2x16x1600xf32, #tpu.memory_space<vmem>>, vector<1x1x16xf32>,
        %swap3A_785 = vector.shape_cast %swap3A_784 : vector<1x1x16xf32> to vector<16xf32>
        %swap3A_786 = vector.shape_cast %get3A_778 : vector<16xf32> to vector<1x1x16xf32>
        tpu.vector_store %arg7[%swap3A_781, %swap3A_782, %swap3A_783], %swap3A_786 {strides = array<i32>} : memref<2x16x1600xf32, #tpu.memory_space<vmem>>, vector<1x1x16xf32>,
        %add3A_787 = arith.constant 500 : i32
        %add3A_788 = arith.addi %add3A_787, %shift_right_logical3A_624 : i32
        %get3A_789 = arith.constant 0 : i32
        %get3A_790 = arith.index_cast %get3A_789 : i32 to index
        %get3A_791 = arith.index_cast %add3A_788 : i32 to index
        %get3A_792 = arith.index_cast %and3A_626 : i32 to index
        %get3A_793 = tpu.vector_load %arg6[%get3A_790, %get3A_791, %get3A_792] {strides = array<i32>} : memref<2x800x32xf32, #tpu.memory_space<vmem>>, vector<1x1x16xf32>,
        %get3A_794 = vector.shape_cast %get3A_793 : vector<1x1x16xf32> to vector<16xf32>
        %swap3A_795 = arith.constant 0 : i32
        %swap3A_796 = arith.constant 10 : i32
        %swap3A_797 = arith.index_cast %swap3A_795 : i32 to index
        %swap3A_798 = arith.index_cast %swap3A_796 : i32 to index
        %swap3A_799 = arith.index_cast %mul3A_622 : i32 to index
        %swap3A_800 = tpu.vector_load %arg7[%swap3A_797, %swap3A_798, %swap3A_799] {strides = array<i32>} : memref<2x16x1600xf32, #tpu.memory_space<vmem>>, vector<1x1x16xf32>,
        %swap3A_801 = vector.shape_cast %swap3A_800 : vector<1x1x16xf32> to vector<16xf32>
        %swap3A_802 = vector.shape_cast %get3A_794 : vector<16xf32> to vector<1x1x16xf32>
        tpu.vector_store %arg7[%swap3A_797, %swap3A_798, %swap3A_799], %swap3A_802 {strides = array<i32>} : memref<2x16x1600xf32, #tpu.memory_space<vmem>>, vector<1x1x16xf32>,
        %add3A_803 = arith.constant 550 : i32
        %add3A_804 = arith.addi %add3A_803, %shift_right_logical3A_624 : i32
        %get3A_805 = arith.constant 0 : i32
        %get3A_806 = arith.index_cast %get3A_805 : i32 to index
        %get3A_807 = arith.index_cast %add3A_804 : i32 to index
        %get3A_808 = arith.index_cast %and3A_626 : i32 to index
        %get3A_809 = tpu.vector_load %arg6[%get3A_806, %get3A_807, %get3A_808] {strides = array<i32>} : memref<2x800x32xf32, #tpu.memory_space<vmem>>, vector<1x1x16xf32>,
        %get3A_810 = vector.shape_cast %get3A_809 : vector<1x1x16xf32> to vector<16xf32>
        %swap3A_811 = arith.constant 0 : i32
        %swap3A_812 = arith.constant 11 : i32
        %swap3A_813 = arith.index_cast %swap3A_811 : i32 to index
        %swap3A_814 = arith.index_cast %swap3A_812 : i32 to index
        %swap3A_815 = arith.index_cast %mul3A_622 : i32 to index
        %swap3A_816 = tpu.vector_load %arg7[%swap3A_813, %swap3A_814, %swap3A_815] {strides = array<i32>} : memref<2x16x1600xf32, #tpu.memory_space<vmem>>, vector<1x1x16xf32>,
        %swap3A_817 = vector.shape_cast %swap3A_816 : vector<1x1x16xf32> to vector<16xf32>
        %swap3A_818 = vector.shape_cast %get3A_810 : vector<16xf32> to vector<1x1x16xf32>
        tpu.vector_store %arg7[%swap3A_813, %swap3A_814, %swap3A_815], %swap3A_818 {strides = array<i32>} : memref<2x16x1600xf32, #tpu.memory_space<vmem>>, vector<1x1x16xf32>,
        %add3A_819 = arith.constant 600 : i32
        %add3A_820 = arith.addi %add3A_819, %shift_right_logical3A_624 : i32
        %get3A_821 = arith.constant 0 : i32
        %get3A_822 = arith.index_cast %get3A_821 : i32 to index
        %get3A_823 = arith.index_cast %add3A_820 : i32 to index
        %get3A_824 = arith.index_cast %and3A_626 : i32 to index
        %get3A_825 = tpu.vector_load %arg6[%get3A_822, %get3A_823, %get3A_824] {strides = array<i32>} : memref<2x800x32xf32, #tpu.memory_space<vmem>>, vector<1x1x16xf32>,
        %get3A_826 = vector.shape_cast %get3A_825 : vector<1x1x16xf32> to vector<16xf32>
        %swap3A_827 = arith.constant 0 : i32
        %swap3A_828 = arith.constant 12 : i32
        %swap3A_829 = arith.index_cast %swap3A_827 : i32 to index
        %swap3A_830 = arith.index_cast %swap3A_828 : i32 to index
        %swap3A_831 = arith.index_cast %mul3A_622 : i32 to index
        %swap3A_832 = tpu.vector_load %arg7[%swap3A_829, %swap3A_830, %swap3A_831] {strides = array<i32>} : memref<2x16x1600xf32, #tpu.memory_space<vmem>>, vector<1x1x16xf32>,
        %swap3A_833 = vector.shape_cast %swap3A_832 : vector<1x1x16xf32> to vector<16xf32>
        %swap3A_834 = vector.shape_cast %get3A_826 : vector<16xf32> to vector<1x1x16xf32>
        tpu.vector_store %arg7[%swap3A_829, %swap3A_830, %swap3A_831], %swap3A_834 {strides = array<i32>} : memref<2x16x1600xf32, #tpu.memory_space<vmem>>, vector<1x1x16xf32>,
        %add3A_835 = arith.constant 650 : i32
        %add3A_836 = arith.addi %add3A_835, %shift_right_logical3A_624 : i32
        %get3A_837 = arith.constant 0 : i32
        %get3A_838 = arith.index_cast %get3A_837 : i32 to index
        %get3A_839 = arith.index_cast %add3A_836 : i32 to index
        %get3A_840 = arith.index_cast %and3A_626 : i32 to index
        %get3A_841 = tpu.vector_load %arg6[%get3A_838, %get3A_839, %get3A_840] {strides = array<i32>} : memref<2x800x32xf32, #tpu.memory_space<vmem>>, vector<1x1x16xf32>,
        %get3A_842 = vector.shape_cast %get3A_841 : vector<1x1x16xf32> to vector<16xf32>
        %swap3A_843 = arith.constant 0 : i32
        %swap3A_844 = arith.constant 13 : i32
        %swap3A_845 = arith.index_cast %swap3A_843 : i32 to index
        %swap3A_846 = arith.index_cast %swap3A_844 : i32 to index
        %swap3A_847 = arith.index_cast %mul3A_622 : i32 to index
        %swap3A_848 = tpu.vector_load %arg7[%swap3A_845, %swap3A_846, %swap3A_847] {strides = array<i32>} : memref<2x16x1600xf32, #tpu.memory_space<vmem>>, vector<1x1x16xf32>,
        %swap3A_849 = vector.shape_cast %swap3A_848 : vector<1x1x16xf32> to vector<16xf32>
        %swap3A_850 = vector.shape_cast %get3A_842 : vector<16xf32> to vector<1x1x16xf32>
        tpu.vector_store %arg7[%swap3A_845, %swap3A_846, %swap3A_847], %swap3A_850 {strides = array<i32>} : memref<2x16x1600xf32, #tpu.memory_space<vmem>>, vector<1x1x16xf32>,
        %add3A_851 = arith.constant 700 : i32
        %add3A_852 = arith.addi %add3A_851, %shift_right_logical3A_624 : i32
        %get3A_853 = arith.constant 0 : i32
        %get3A_854 = arith.index_cast %get3A_853 : i32 to index
        %get3A_855 = arith.index_cast %add3A_852 : i32 to index
        %get3A_856 = arith.index_cast %and3A_626 : i32 to index
        %get3A_857 = tpu.vector_load %arg6[%get3A_854, %get3A_855, %get3A_856] {strides = array<i32>} : memref<2x800x32xf32, #tpu.memory_space<vmem>>, vector<1x1x16xf32>,
        %get3A_858 = vector.shape_cast %get3A_857 : vector<1x1x16xf32> to vector<16xf32>
        %swap3A_859 = arith.constant 0 : i32
        %swap3A_860 = arith.constant 14 : i32
        %swap3A_861 = arith.index_cast %swap3A_859 : i32 to index
        %swap3A_862 = arith.index_cast %swap3A_860 : i32 to index
        %swap3A_863 = arith.index_cast %mul3A_622 : i32 to index
        %swap3A_864 = tpu.vector_load %arg7[%swap3A_861, %swap3A_862, %swap3A_863] {strides = array<i32>} : memref<2x16x1600xf32, #tpu.memory_space<vmem>>, vector<1x1x16xf32>,
        %swap3A_865 = vector.shape_cast %swap3A_864 : vector<1x1x16xf32> to vector<16xf32>
        %swap3A_866 = vector.shape_cast %get3A_858 : vector<16xf32> to vector<1x1x16xf32>
        tpu.vector_store %arg7[%swap3A_861, %swap3A_862, %swap3A_863], %swap3A_866 {strides = array<i32>} : memref<2x16x1600xf32, #tpu.memory_space<vmem>>, vector<1x1x16xf32>,
        %add3A_867 = arith.constant 750 : i32
        %add3A_868 = arith.addi %add3A_867, %shift_right_logical3A_624 : i32
        %get3A_869 = arith.constant 0 : i32
        %get3A_870 = arith.index_cast %get3A_869 : i32 to index
        %get3A_871 = arith.index_cast %add3A_868 : i32 to index
        %get3A_872 = arith.index_cast %and3A_626 : i32 to index
        %get3A_873 = tpu.vector_load %arg6[%get3A_870, %get3A_871, %get3A_872] {strides = array<i32>} : memref<2x800x32xf32, #tpu.memory_space<vmem>>, vector<1x1x16xf32>,
        %get3A_874 = vector.shape_cast %get3A_873 : vector<1x1x16xf32> to vector<16xf32>
        %swap3A_875 = arith.constant 0 : i32
        %swap3A_876 = arith.constant 15 : i32
        %swap3A_877 = arith.index_cast %swap3A_875 : i32 to index
        %swap3A_878 = arith.index_cast %swap3A_876 : i32 to index
        %swap3A_879 = arith.index_cast %mul3A_622 : i32 to index
        %swap3A_880 = tpu.vector_load %arg7[%swap3A_877, %swap3A_878, %swap3A_879] {strides = array<i32>} : memref<2x16x1600xf32, #tpu.memory_space<vmem>>, vector<1x1x16xf32>,
        %swap3A_881 = vector.shape_cast %swap3A_880 : vector<1x1x16xf32> to vector<16xf32>
        %swap3A_882 = vector.shape_cast %get3A_874 : vector<16xf32> to vector<1x1x16xf32>
        tpu.vector_store %arg7[%swap3A_877, %swap3A_878, %swap3A_879], %swap3A_882 {strides = array<i32>} : memref<2x16x1600xf32, #tpu.memory_space<vmem>>, vector<1x1x16xf32>,
        %scan3A_883 = arith.constant 3 : i32
        %scan3A_884 = arith.addi %scan3A_84, %scan3A_883 : i32
        %mul3A_885 = arith.constant 1 : i32
        %mul3A_886 = arith.muli %scan3A_884, %mul3A_885 : i32
        %add3A_887 = arith.constant 0 : i32
        %add3A_888 = arith.addi %add3A_887, %mul3A_886 : i32
        %mul3A_889 = arith.constant 16 : i32
        %mul3A_890 = arith.muli %add3A_888, %mul3A_889 : i32
        %shift_right_logical3A_891 = arith.constant 5 : i32
        %shift_right_logical3A_892 = arith.shrui %mul3A_890, %shift_right_logical3A_891 : i32
        %and3A_893 = arith.constant 31 : i32
        %and3A_894 = arith.andi %mul3A_890, %and3A_893 : i32
        %add3A_895 = arith.constant 0 : i32
        %add3A_896 = arith.addi %add3A_895, %shift_right_logical3A_892 : i32
        %get3A_897 = arith.constant 0 : i32
        %get3A_898 = arith.index_cast %get3A_897 : i32 to index
        %get3A_899 = arith.index_cast %add3A_896 : i32 to index
        %get3A_900 = arith.index_cast %and3A_894 : i32 to index
        %get3A_901 = tpu.vector_load %arg6[%get3A_898, %get3A_899, %get3A_900] {strides = array<i32>} : memref<2x800x32xf32, #tpu.memory_space<vmem>>, vector<1x1x16xf32>,
        %get3A_902 = vector.shape_cast %get3A_901 : vector<1x1x16xf32> to vector<16xf32>
        %swap3A_903 = arith.constant 0 : i32
        %swap3A_904 = arith.constant 0 : i32
        %swap3A_905 = arith.index_cast %swap3A_903 : i32 to index
        %swap3A_906 = arith.index_cast %swap3A_904 : i32 to index
        %swap3A_907 = arith.index_cast %mul3A_890 : i32 to index
        %swap3A_908 = tpu.vector_load %arg7[%swap3A_905, %swap3A_906, %swap3A_907] {strides = array<i32>} : memref<2x16x1600xf32, #tpu.memory_space<vmem>>, vector<1x1x16xf32>,
        %swap3A_909 = vector.shape_cast %swap3A_908 : vector<1x1x16xf32> to vector<16xf32>
        %swap3A_910 = vector.shape_cast %get3A_902 : vector<16xf32> to vector<1x1x16xf32>
        tpu.vector_store %arg7[%swap3A_905, %swap3A_906, %swap3A_907], %swap3A_910 {strides = array<i32>} : memref<2x16x1600xf32, #tpu.memory_space<vmem>>, vector<1x1x16xf32>,
        %add3A_911 = arith.constant 50 : i32
        %add3A_912 = arith.addi %add3A_911, %shift_right_logical3A_892 : i32
        %get3A_913 = arith.constant 0 : i32
        %get3A_914 = arith.index_cast %get3A_913 : i32 to index
        %get3A_915 = arith.index_cast %add3A_912 : i32 to index
        %get3A_916 = arith.index_cast %and3A_894 : i32 to index
        %get3A_917 = tpu.vector_load %arg6[%get3A_914, %get3A_915, %get3A_916] {strides = array<i32>} : memref<2x800x32xf32, #tpu.memory_space<vmem>>, vector<1x1x16xf32>,
        %get3A_918 = vector.shape_cast %get3A_917 : vector<1x1x16xf32> to vector<16xf32>
        %swap3A_919 = arith.constant 0 : i32
        %swap3A_920 = arith.constant 1 : i32
        %swap3A_921 = arith.index_cast %swap3A_919 : i32 to index
        %swap3A_922 = arith.index_cast %swap3A_920 : i32 to index
        %swap3A_923 = arith.index_cast %mul3A_890 : i32 to index
        %swap3A_924 = tpu.vector_load %arg7[%swap3A_921, %swap3A_922, %swap3A_923] {strides = array<i32>} : memref<2x16x1600xf32, #tpu.memory_space<vmem>>, vector<1x1x16xf32>,
        %swap3A_925 = vector.shape_cast %swap3A_924 : vector<1x1x16xf32> to vector<16xf32>
        %swap3A_926 = vector.shape_cast %get3A_918 : vector<16xf32> to vector<1x1x16xf32>
        tpu.vector_store %arg7[%swap3A_921, %swap3A_922, %swap3A_923], %swap3A_926 {strides = array<i32>} : memref<2x16x1600xf32, #tpu.memory_space<vmem>>, vector<1x1x16xf32>,
        %add3A_927 = arith.constant 100 : i32
        %add3A_928 = arith.addi %add3A_927, %shift_right_logical3A_892 : i32
        %get3A_929 = arith.constant 0 : i32
        %get3A_930 = arith.index_cast %get3A_929 : i32 to index
        %get3A_931 = arith.index_cast %add3A_928 : i32 to index
        %get3A_932 = arith.index_cast %and3A_894 : i32 to index
        %get3A_933 = tpu.vector_load %arg6[%get3A_930, %get3A_931, %get3A_932] {strides = array<i32>} : memref<2x800x32xf32, #tpu.memory_space<vmem>>, vector<1x1x16xf32>,
        %get3A_934 = vector.shape_cast %get3A_933 : vector<1x1x16xf32> to vector<16xf32>
        %swap3A_935 = arith.constant 0 : i32
        %swap3A_936 = arith.constant 2 : i32
        %swap3A_937 = arith.index_cast %swap3A_935 : i32 to index
        %swap3A_938 = arith.index_cast %swap3A_936 : i32 to index
        %swap3A_939 = arith.index_cast %mul3A_890 : i32 to index
        %swap3A_940 = tpu.vector_load %arg7[%swap3A_937, %swap3A_938, %swap3A_939] {strides = array<i32>} : memref<2x16x1600xf32, #tpu.memory_space<vmem>>, vector<1x1x16xf32>,
        %swap3A_941 = vector.shape_cast %swap3A_940 : vector<1x1x16xf32> to vector<16xf32>
        %swap3A_942 = vector.shape_cast %get3A_934 : vector<16xf32> to vector<1x1x16xf32>
        tpu.vector_store %arg7[%swap3A_937, %swap3A_938, %swap3A_939], %swap3A_942 {strides = array<i32>} : memref<2x16x1600xf32, #tpu.memory_space<vmem>>, vector<1x1x16xf32>,
        %add3A_943 = arith.constant 150 : i32
        %add3A_944 = arith.addi %add3A_943, %shift_right_logical3A_892 : i32
        %get3A_945 = arith.constant 0 : i32
        %get3A_946 = arith.index_cast %get3A_945 : i32 to index
        %get3A_947 = arith.index_cast %add3A_944 : i32 to index
        %get3A_948 = arith.index_cast %and3A_894 : i32 to index
        %get3A_949 = tpu.vector_load %arg6[%get3A_946, %get3A_947, %get3A_948] {strides = array<i32>} : memref<2x800x32xf32, #tpu.memory_space<vmem>>, vector<1x1x16xf32>,
        %get3A_950 = vector.shape_cast %get3A_949 : vector<1x1x16xf32> to vector<16xf32>
        %swap3A_951 = arith.constant 0 : i32
        %swap3A_952 = arith.constant 3 : i32
        %swap3A_953 = arith.index_cast %swap3A_951 : i32 to index
        %swap3A_954 = arith.index_cast %swap3A_952 : i32 to index
        %swap3A_955 = arith.index_cast %mul3A_890 : i32 to index
        %swap3A_956 = tpu.vector_load %arg7[%swap3A_953, %swap3A_954, %swap3A_955] {strides = array<i32>} : memref<2x16x1600xf32, #tpu.memory_space<vmem>>, vector<1x1x16xf32>,
        %swap3A_957 = vector.shape_cast %swap3A_956 : vector<1x1x16xf32> to vector<16xf32>
        %swap3A_958 = vector.shape_cast %get3A_950 : vector<16xf32> to vector<1x1x16xf32>
        tpu.vector_store %arg7[%swap3A_953, %swap3A_954, %swap3A_955], %swap3A_958 {strides = array<i32>} : memref<2x16x1600xf32, #tpu.memory_space<vmem>>, vector<1x1x16xf32>,
        %add3A_959 = arith.constant 200 : i32
        %add3A_960 = arith.addi %add3A_959, %shift_right_logical3A_892 : i32
        %get3A_961 = arith.constant 0 : i32
        %get3A_962 = arith.index_cast %get3A_961 : i32 to index
        %get3A_963 = arith.index_cast %add3A_960 : i32 to index
        %get3A_964 = arith.index_cast %and3A_894 : i32 to index
        %get3A_965 = tpu.vector_load %arg6[%get3A_962, %get3A_963, %get3A_964] {strides = array<i32>} : memref<2x800x32xf32, #tpu.memory_space<vmem>>, vector<1x1x16xf32>,
        %get3A_966 = vector.shape_cast %get3A_965 : vector<1x1x16xf32> to vector<16xf32>
        %swap3A_967 = arith.constant 0 : i32
        %swap3A_968 = arith.constant 4 : i32
        %swap3A_969 = arith.index_cast %swap3A_967 : i32 to index
        %swap3A_970 = arith.index_cast %swap3A_968 : i32 to index
        %swap3A_971 = arith.index_cast %mul3A_890 : i32 to index
        %swap3A_972 = tpu.vector_load %arg7[%swap3A_969, %swap3A_970, %swap3A_971] {strides = array<i32>} : memref<2x16x1600xf32, #tpu.memory_space<vmem>>, vector<1x1x16xf32>,
        %swap3A_973 = vector.shape_cast %swap3A_972 : vector<1x1x16xf32> to vector<16xf32>
        %swap3A_974 = vector.shape_cast %get3A_966 : vector<16xf32> to vector<1x1x16xf32>
        tpu.vector_store %arg7[%swap3A_969, %swap3A_970, %swap3A_971], %swap3A_974 {strides = array<i32>} : memref<2x16x1600xf32, #tpu.memory_space<vmem>>, vector<1x1x16xf32>,
        %add3A_975 = arith.constant 250 : i32
        %add3A_976 = arith.addi %add3A_975, %shift_right_logical3A_892 : i32
        %get3A_977 = arith.constant 0 : i32
        %get3A_978 = arith.index_cast %get3A_977 : i32 to index
        %get3A_979 = arith.index_cast %add3A_976 : i32 to index
        %get3A_980 = arith.index_cast %and3A_894 : i32 to index
        %get3A_981 = tpu.vector_load %arg6[%get3A_978, %get3A_979, %get3A_980] {strides = array<i32>} : memref<2x800x32xf32, #tpu.memory_space<vmem>>, vector<1x1x16xf32>,
        %get3A_982 = vector.shape_cast %get3A_981 : vector<1x1x16xf32> to vector<16xf32>
        %swap3A_983 = arith.constant 0 : i32
        %swap3A_984 = arith.constant 5 : i32
        %swap3A_985 = arith.index_cast %swap3A_983 : i32 to index
        %swap3A_986 = arith.index_cast %swap3A_984 : i32 to index
        %swap3A_987 = arith.index_cast %mul3A_890 : i32 to index
        %swap3A_988 = tpu.vector_load %arg7[%swap3A_985, %swap3A_986, %swap3A_987] {strides = array<i32>} : memref<2x16x1600xf32, #tpu.memory_space<vmem>>, vector<1x1x16xf32>,
        %swap3A_989 = vector.shape_cast %swap3A_988 : vector<1x1x16xf32> to vector<16xf32>
        %swap3A_990 = vector.shape_cast %get3A_982 : vector<16xf32> to vector<1x1x16xf32>
        tpu.vector_store %arg7[%swap3A_985, %swap3A_986, %swap3A_987], %swap3A_990 {strides = array<i32>} : memref<2x16x1600xf32, #tpu.memory_space<vmem>>, vector<1x1x16xf32>,
        %add3A_991 = arith.constant 300 : i32
        %add3A_992 = arith.addi %add3A_991, %shift_right_logical3A_892 : i32
        %get3A_993 = arith.constant 0 : i32
        %get3A_994 = arith.index_cast %get3A_993 : i32 to index
        %get3A_995 = arith.index_cast %add3A_992 : i32 to index
        %get3A_996 = arith.index_cast %and3A_894 : i32 to index
        %get3A_997 = tpu.vector_load %arg6[%get3A_994, %get3A_995, %get3A_996] {strides = array<i32>} : memref<2x800x32xf32, #tpu.memory_space<vmem>>, vector<1x1x16xf32>,
        %get3A_998 = vector.shape_cast %get3A_997 : vector<1x1x16xf32> to vector<16xf32>
        %swap3A_999 = arith.constant 0 : i32
        %swap3A_1000 = arith.constant 6 : i32
        %swap3A_1001 = arith.index_cast %swap3A_999 : i32 to index
        %swap3A_1002 = arith.index_cast %swap3A_1000 : i32 to index
        %swap3A_1003 = arith.index_cast %mul3A_890 : i32 to index
        %swap3A_1004 = tpu.vector_load %arg7[%swap3A_1001, %swap3A_1002, %swap3A_1003] {strides = array<i32>} : memref<2x16x1600xf32, #tpu.memory_space<vmem>>, vector<1x1x16xf32>,
        %swap3A_1005 = vector.shape_cast %swap3A_1004 : vector<1x1x16xf32> to vector<16xf32>
        %swap3A_1006 = vector.shape_cast %get3A_998 : vector<16xf32> to vector<1x1x16xf32>
        tpu.vector_store %arg7[%swap3A_1001, %swap3A_1002, %swap3A_1003], %swap3A_1006 {strides = array<i32>} : memref<2x16x1600xf32, #tpu.memory_space<vmem>>, vector<1x1x16xf32>,
        %add3A_1007 = arith.constant 350 : i32
        %add3A_1008 = arith.addi %add3A_1007, %shift_right_logical3A_892 : i32
        %get3A_1009 = arith.constant 0 : i32
        %get3A_1010 = arith.index_cast %get3A_1009 : i32 to index
        %get3A_1011 = arith.index_cast %add3A_1008 : i32 to index
        %get3A_1012 = arith.index_cast %and3A_894 : i32 to index
        %get3A_1013 = tpu.vector_load %arg6[%get3A_1010, %get3A_1011, %get3A_1012] {strides = array<i32>} : memref<2x800x32xf32, #tpu.memory_space<vmem>>, vector<1x1x16xf32>,
        %get3A_1014 = vector.shape_cast %get3A_1013 : vector<1x1x16xf32> to vector<16xf32>
        %swap3A_1015 = arith.constant 0 : i32
        %swap3A_1016 = arith.constant 7 : i32
        %swap3A_1017 = arith.index_cast %swap3A_1015 : i32 to index
        %swap3A_1018 = arith.index_cast %swap3A_1016 : i32 to index
        %swap3A_1019 = arith.index_cast %mul3A_890 : i32 to index
        %swap3A_1020 = tpu.vector_load %arg7[%swap3A_1017, %swap3A_1018, %swap3A_1019] {strides = array<i32>} : memref<2x16x1600xf32, #tpu.memory_space<vmem>>, vector<1x1x16xf32>,
        %swap3A_1021 = vector.shape_cast %swap3A_1020 : vector<1x1x16xf32> to vector<16xf32>
        %swap3A_1022 = vector.shape_cast %get3A_1014 : vector<16xf32> to vector<1x1x16xf32>
        tpu.vector_store %arg7[%swap3A_1017, %swap3A_1018, %swap3A_1019], %swap3A_1022 {strides = array<i32>} : memref<2x16x1600xf32, #tpu.memory_space<vmem>>, vector<1x1x16xf32>,
        %add3A_1023 = arith.constant 400 : i32
        %add3A_1024 = arith.addi %add3A_1023, %shift_right_logical3A_892 : i32
        %get3A_1025 = arith.constant 0 : i32
        %get3A_1026 = arith.index_cast %get3A_1025 : i32 to index
        %get3A_1027 = arith.index_cast %add3A_1024 : i32 to index
        %get3A_1028 = arith.index_cast %and3A_894 : i32 to index
        %get3A_1029 = tpu.vector_load %arg6[%get3A_1026, %get3A_1027, %get3A_1028] {strides = array<i32>} : memref<2x800x32xf32, #tpu.memory_space<vmem>>, vector<1x1x16xf32>,
        %get3A_1030 = vector.shape_cast %get3A_1029 : vector<1x1x16xf32> to vector<16xf32>
        %swap3A_1031 = arith.constant 0 : i32
        %swap3A_1032 = arith.constant 8 : i32
        %swap3A_1033 = arith.index_cast %swap3A_1031 : i32 to index
        %swap3A_1034 = arith.index_cast %swap3A_1032 : i32 to index
        %swap3A_1035 = arith.index_cast %mul3A_890 : i32 to index
        %swap3A_1036 = tpu.vector_load %arg7[%swap3A_1033, %swap3A_1034, %swap3A_1035] {strides = array<i32>} : memref<2x16x1600xf32, #tpu.memory_space<vmem>>, vector<1x1x16xf32>,
        %swap3A_1037 = vector.shape_cast %swap3A_1036 : vector<1x1x16xf32> to vector<16xf32>
        %swap3A_1038 = vector.shape_cast %get3A_1030 : vector<16xf32> to vector<1x1x16xf32>
        tpu.vector_store %arg7[%swap3A_1033, %swap3A_1034, %swap3A_1035], %swap3A_1038 {strides = array<i32>} : memref<2x16x1600xf32, #tpu.memory_space<vmem>>, vector<1x1x16xf32>,
        %add3A_1039 = arith.constant 450 : i32
        %add3A_1040 = arith.addi %add3A_1039, %shift_right_logical3A_892 : i32
        %get3A_1041 = arith.constant 0 : i32
        %get3A_1042 = arith.index_cast %get3A_1041 : i32 to index
        %get3A_1043 = arith.index_cast %add3A_1040 : i32 to index
        %get3A_1044 = arith.index_cast %and3A_894 : i32 to index
        %get3A_1045 = tpu.vector_load %arg6[%get3A_1042, %get3A_1043, %get3A_1044] {strides = array<i32>} : memref<2x800x32xf32, #tpu.memory_space<vmem>>, vector<1x1x16xf32>,
        %get3A_1046 = vector.shape_cast %get3A_1045 : vector<1x1x16xf32> to vector<16xf32>
        %swap3A_1047 = arith.constant 0 : i32
        %swap3A_1048 = arith.constant 9 : i32
        %swap3A_1049 = arith.index_cast %swap3A_1047 : i32 to index
        %swap3A_1050 = arith.index_cast %swap3A_1048 : i32 to index
        %swap3A_1051 = arith.index_cast %mul3A_890 : i32 to index
        %swap3A_1052 = tpu.vector_load %arg7[%swap3A_1049, %swap3A_1050, %swap3A_1051] {strides = array<i32>} : memref<2x16x1600xf32, #tpu.memory_space<vmem>>, vector<1x1x16xf32>,
        %swap3A_1053 = vector.shape_cast %swap3A_1052 : vector<1x1x16xf32> to vector<16xf32>
        %swap3A_1054 = vector.shape_cast %get3A_1046 : vector<16xf32> to vector<1x1x16xf32>
        tpu.vector_store %arg7[%swap3A_1049, %swap3A_1050, %swap3A_1051], %swap3A_1054 {strides = array<i32>} : memref<2x16x1600xf32, #tpu.memory_space<vmem>>, vector<1x1x16xf32>,
        %add3A_1055 = arith.constant 500 : i32
        %add3A_1056 = arith.addi %add3A_1055, %shift_right_logical3A_892 : i32
        %get3A_1057 = arith.constant 0 : i32
        %get3A_1058 = arith.index_cast %get3A_1057 : i32 to index
        %get3A_1059 = arith.index_cast %add3A_1056 : i32 to index
        %get3A_1060 = arith.index_cast %and3A_894 : i32 to index
        %get3A_1061 = tpu.vector_load %arg6[%get3A_1058, %get3A_1059, %get3A_1060] {strides = array<i32>} : memref<2x800x32xf32, #tpu.memory_space<vmem>>, vector<1x1x16xf32>,
        %get3A_1062 = vector.shape_cast %get3A_1061 : vector<1x1x16xf32> to vector<16xf32>
        %swap3A_1063 = arith.constant 0 : i32
        %swap3A_1064 = arith.constant 10 : i32
        %swap3A_1065 = arith.index_cast %swap3A_1063 : i32 to index
        %swap3A_1066 = arith.index_cast %swap3A_1064 : i32 to index
        %swap3A_1067 = arith.index_cast %mul3A_890 : i32 to index
        %swap3A_1068 = tpu.vector_load %arg7[%swap3A_1065, %swap3A_1066, %swap3A_1067] {strides = array<i32>} : memref<2x16x1600xf32, #tpu.memory_space<vmem>>, vector<1x1x16xf32>,
        %swap3A_1069 = vector.shape_cast %swap3A_1068 : vector<1x1x16xf32> to vector<16xf32>
        %swap3A_1070 = vector.shape_cast %get3A_1062 : vector<16xf32> to vector<1x1x16xf32>
        tpu.vector_store %arg7[%swap3A_1065, %swap3A_1066, %swap3A_1067], %swap3A_1070 {strides = array<i32>} : memref<2x16x1600xf32, #tpu.memory_space<vmem>>, vector<1x1x16xf32>,
        %add3A_1071 = arith.constant 550 : i32
        %add3A_1072 = arith.addi %add3A_1071, %shift_right_logical3A_892 : i32
        %get3A_1073 = arith.constant 0 : i32
        %get3A_1074 = arith.index_cast %get3A_1073 : i32 to index
        %get3A_1075 = arith.index_cast %add3A_1072 : i32 to index
        %get3A_1076 = arith.index_cast %and3A_894 : i32 to index
        %get3A_1077 = tpu.vector_load %arg6[%get3A_1074, %get3A_1075, %get3A_1076] {strides = array<i32>} : memref<2x800x32xf32, #tpu.memory_space<vmem>>, vector<1x1x16xf32>,
        %get3A_1078 = vector.shape_cast %get3A_1077 : vector<1x1x16xf32> to vector<16xf32>
        %swap3A_1079 = arith.constant 0 : i32
        %swap3A_1080 = arith.constant 11 : i32
        %swap3A_1081 = arith.index_cast %swap3A_1079 : i32 to index
        %swap3A_1082 = arith.index_cast %swap3A_1080 : i32 to index
        %swap3A_1083 = arith.index_cast %mul3A_890 : i32 to index
        %swap3A_1084 = tpu.vector_load %arg7[%swap3A_1081, %swap3A_1082, %swap3A_1083] {strides = array<i32>} : memref<2x16x1600xf32, #tpu.memory_space<vmem>>, vector<1x1x16xf32>,
        %swap3A_1085 = vector.shape_cast %swap3A_1084 : vector<1x1x16xf32> to vector<16xf32>
        %swap3A_1086 = vector.shape_cast %get3A_1078 : vector<16xf32> to vector<1x1x16xf32>
        tpu.vector_store %arg7[%swap3A_1081, %swap3A_1082, %swap3A_1083], %swap3A_1086 {strides = array<i32>} : memref<2x16x1600xf32, #tpu.memory_space<vmem>>, vector<1x1x16xf32>,
        %add3A_1087 = arith.constant 600 : i32
        %add3A_1088 = arith.addi %add3A_1087, %shift_right_logical3A_892 : i32
        %get3A_1089 = arith.constant 0 : i32
        %get3A_1090 = arith.index_cast %get3A_1089 : i32 to index
        %get3A_1091 = arith.index_cast %add3A_1088 : i32 to index
        %get3A_1092 = arith.index_cast %and3A_894 : i32 to index
        %get3A_1093 = tpu.vector_load %arg6[%get3A_1090, %get3A_1091, %get3A_1092] {strides = array<i32>} : memref<2x800x32xf32, #tpu.memory_space<vmem>>, vector<1x1x16xf32>,
        %get3A_1094 = vector.shape_cast %get3A_1093 : vector<1x1x16xf32> to vector<16xf32>
        %swap3A_1095 = arith.constant 0 : i32
        %swap3A_1096 = arith.constant 12 : i32
        %swap3A_1097 = arith.index_cast %swap3A_1095 : i32 to index
        %swap3A_1098 = arith.index_cast %swap3A_1096 : i32 to index
        %swap3A_1099 = arith.index_cast %mul3A_890 : i32 to index
        %swap3A_1100 = tpu.vector_load %arg7[%swap3A_1097, %swap3A_1098, %swap3A_1099] {strides = array<i32>} : memref<2x16x1600xf32, #tpu.memory_space<vmem>>, vector<1x1x16xf32>,
        %swap3A_1101 = vector.shape_cast %swap3A_1100 : vector<1x1x16xf32> to vector<16xf32>
        %swap3A_1102 = vector.shape_cast %get3A_1094 : vector<16xf32> to vector<1x1x16xf32>
        tpu.vector_store %arg7[%swap3A_1097, %swap3A_1098, %swap3A_1099], %swap3A_1102 {strides = array<i32>} : memref<2x16x1600xf32, #tpu.memory_space<vmem>>, vector<1x1x16xf32>,
        %add3A_1103 = arith.constant 650 : i32
        %add3A_1104 = arith.addi %add3A_1103, %shift_right_logical3A_892 : i32
        %get3A_1105 = arith.constant 0 : i32
        %get3A_1106 = arith.index_cast %get3A_1105 : i32 to index
        %get3A_1107 = arith.index_cast %add3A_1104 : i32 to index
        %get3A_1108 = arith.index_cast %and3A_894 : i32 to index
        %get3A_1109 = tpu.vector_load %arg6[%get3A_1106, %get3A_1107, %get3A_1108] {strides = array<i32>} : memref<2x800x32xf32, #tpu.memory_space<vmem>>, vector<1x1x16xf32>,
        %get3A_1110 = vector.shape_cast %get3A_1109 : vector<1x1x16xf32> to vector<16xf32>
        %swap3A_1111 = arith.constant 0 : i32
        %swap3A_1112 = arith.constant 13 : i32
        %swap3A_1113 = arith.index_cast %swap3A_1111 : i32 to index
        %swap3A_1114 = arith.index_cast %swap3A_1112 : i32 to index
        %swap3A_1115 = arith.index_cast %mul3A_890 : i32 to index
        %swap3A_1116 = tpu.vector_load %arg7[%swap3A_1113, %swap3A_1114, %swap3A_1115] {strides = array<i32>} : memref<2x16x1600xf32, #tpu.memory_space<vmem>>, vector<1x1x16xf32>,
        %swap3A_1117 = vector.shape_cast %swap3A_1116 : vector<1x1x16xf32> to vector<16xf32>
        %swap3A_1118 = vector.shape_cast %get3A_1110 : vector<16xf32> to vector<1x1x16xf32>
        tpu.vector_store %arg7[%swap3A_1113, %swap3A_1114, %swap3A_1115], %swap3A_1118 {strides = array<i32>} : memref<2x16x1600xf32, #tpu.memory_space<vmem>>, vector<1x1x16xf32>,
        %add3A_1119 = arith.constant 700 : i32
        %add3A_1120 = arith.addi %add3A_1119, %shift_right_logical3A_892 : i32
        %get3A_1121 = arith.constant 0 : i32
        %get3A_1122 = arith.index_cast %get3A_1121 : i32 to index
        %get3A_1123 = arith.index_cast %add3A_1120 : i32 to index
        %get3A_1124 = arith.index_cast %and3A_894 : i32 to index
        %get3A_1125 = tpu.vector_load %arg6[%get3A_1122, %get3A_1123, %get3A_1124] {strides = array<i32>} : memref<2x800x32xf32, #tpu.memory_space<vmem>>, vector<1x1x16xf32>,
        %get3A_1126 = vector.shape_cast %get3A_1125 : vector<1x1x16xf32> to vector<16xf32>
        %swap3A_1127 = arith.constant 0 : i32
        %swap3A_1128 = arith.constant 14 : i32
        %swap3A_1129 = arith.index_cast %swap3A_1127 : i32 to index
        %swap3A_1130 = arith.index_cast %swap3A_1128 : i32 to index
        %swap3A_1131 = arith.index_cast %mul3A_890 : i32 to index
        %swap3A_1132 = tpu.vector_load %arg7[%swap3A_1129, %swap3A_1130, %swap3A_1131] {strides = array<i32>} : memref<2x16x1600xf32, #tpu.memory_space<vmem>>, vector<1x1x16xf32>,
        %swap3A_1133 = vector.shape_cast %swap3A_1132 : vector<1x1x16xf32> to vector<16xf32>
        %swap3A_1134 = vector.shape_cast %get3A_1126 : vector<16xf32> to vector<1x1x16xf32>
        tpu.vector_store %arg7[%swap3A_1129, %swap3A_1130, %swap3A_1131], %swap3A_1134 {strides = array<i32>} : memref<2x16x1600xf32, #tpu.memory_space<vmem>>, vector<1x1x16xf32>,
        %add3A_1135 = arith.constant 750 : i32
        %add3A_1136 = arith.addi %add3A_1135, %shift_right_logical3A_892 : i32
        %get3A_1137 = arith.constant 0 : i32
        %get3A_1138 = arith.index_cast %get3A_1137 : i32 to index
        %get3A_1139 = arith.index_cast %add3A_1136 : i32 to index
        %get3A_1140 = arith.index_cast %and3A_894 : i32 to index
        %get3A_1141 = tpu.vector_load %arg6[%get3A_1138, %get3A_1139, %get3A_1140] {strides = array<i32>} : memref<2x800x32xf32, #tpu.memory_space<vmem>>, vector<1x1x16xf32>,
        %get3A_1142 = vector.shape_cast %get3A_1141 : vector<1x1x16xf32> to vector<16xf32>
        %swap3A_1143 = arith.constant 0 : i32
        %swap3A_1144 = arith.constant 15 : i32
        %swap3A_1145 = arith.index_cast %swap3A_1143 : i32 to index
        %swap3A_1146 = arith.index_cast %swap3A_1144 : i32 to index
        %swap3A_1147 = arith.index_cast %mul3A_890 : i32 to index
        %swap3A_1148 = tpu.vector_load %arg7[%swap3A_1145, %swap3A_1146, %swap3A_1147] {strides = array<i32>} : memref<2x16x1600xf32, #tpu.memory_space<vmem>>, vector<1x1x16xf32>,
        %swap3A_1149 = vector.shape_cast %swap3A_1148 : vector<1x1x16xf32> to vector<16xf32>
        %swap3A_1150 = vector.shape_cast %get3A_1142 : vector<16xf32> to vector<1x1x16xf32>
        tpu.vector_store %arg7[%swap3A_1145, %swap3A_1146, %swap3A_1147], %swap3A_1150 {strides = array<i32>} : memref<2x16x1600xf32, #tpu.memory_space<vmem>>, vector<1x1x16xf32>,
      }
      %scan3A_48 = arith.constant 100 : i32
      %mul3A_49 = arith.constant 16 : i32
      %mul3A_50 = arith.muli %add3A_34, %mul3A_49 : i32
      %add3A_51 = arith.addi %mul3A_4, %mul3A_50 : i32
      %run_scoped3A = arith.constant 0 : i32
      "tpu.region"() ({
        %run_scoped3A_84 = tpu.sem_alloc : memref<!tpu.dma_semaphore, #tpu.memory_space<semaphore_mem>>
        %dma_start3A_85 = arith.constant 0 : i32
        %dma_start3A_86 = arith.constant 0 : i32
        %dma_start3A_87 = tpu.memref_slice %arg7[%run_scoped3A, %dma_start3A_85, %dma_start3A_86] : memref<2x16x1600xf32, #tpu.memory_space<vmem>> -> memref<1x16x1600xf32, #tpu.memory_space<vmem>>
        %dma_start3A_88 = tpu.memref_squeeze %dma_start3A_87 : memref<1x16x1600xf32, #tpu.memory_space<vmem>> -> memref<16x1600xf32, #tpu.memory_space<vmem>>
        %dma_start3A_89 = arith.constant 0 : i32
        %dma_start3A_90 = tpu.memref_slice %arg4[%add3A_51, %dma_start3A_89] : memref<16384x1600xf32, #tpu.memory_space<hbm>> -> memref<16x1600xf32, #tpu.memory_space<hbm>>
        %dma_start3A_91 = arith.constant 0 : i32
        %dma_start3A_92 = tpu.memref_slice %arg4[%add3A_51, %dma_start3A_91] : memref<16384x1600xf32, #tpu.memory_space<hbm>> -> memref<16x1600xf32, #tpu.memory_space<hbm>>
        %dma_start3A_93 = arith.constant 0 : i32
        %dma_start3A_94 = arith.constant 0 : i32
        %dma_start3A_95 = tpu.memref_slice %arg7[%run_scoped3A, %dma_start3A_93, %dma_start3A_94] : memref<2x16x1600xf32, #tpu.memory_space<vmem>> -> memref<1x16x1600xf32, #tpu.memory_space<vmem>>
        %dma_start3A_96 = tpu.memref_squeeze %dma_start3A_95 : memref<1x16x1600xf32, #tpu.memory_space<vmem>> -> memref<16x1600xf32, #tpu.memory_space<vmem>>
        tpu.enqueue_dma source(%dma_start3A_96 : memref<16x1600xf32, #tpu.memory_space<vmem>>) target(%dma_start3A_92 : memref<16x1600xf32, #tpu.memory_space<hbm>>) target_semaphore(%run_scoped3A_84 : memref<!tpu.dma_semaphore, #tpu.memory_space<semaphore_mem>>)
        %dma_wait3A_97 = arith.constant 0 : i32
        %dma_wait3A_98 = arith.constant 0 : i32
        %dma_wait3A_99 = tpu.memref_slice %arg7[%run_scoped3A, %dma_wait3A_97, %dma_wait3A_98] : memref<2x16x1600xf32, #tpu.memory_space<vmem>> -> memref<1x16x1600xf32, #tpu.memory_space<vmem>>
        %dma_wait3A_100 = tpu.memref_squeeze %dma_wait3A_99 : memref<1x16x1600xf32, #tpu.memory_space<vmem>> -> memref<16x1600xf32, #tpu.memory_space<vmem>>
        %dma_wait3A_101 = arith.constant 0 : i32
        %dma_wait3A_102 = tpu.memref_slice %arg4[%add3A_51, %dma_wait3A_101] : memref<16384x1600xf32, #tpu.memory_space<hbm>> -> memref<16x1600xf32, #tpu.memory_space<hbm>>
        %dma_wait3A_103 = arith.constant 0 : i32
        %dma_wait3A_104 = tpu.memref_slice %arg4[%add3A_51, %dma_wait3A_103] : memref<16384x1600xf32, #tpu.memory_space<hbm>> -> memref<16x1600xf32, #tpu.memory_space<hbm>>
        %dma_wait3A_105 = arith.constant 0 : i32
        %dma_wait3A_106 = arith.constant 0 : i32
        %dma_wait3A_107 = tpu.memref_slice %arg7[%run_scoped3A, %dma_wait3A_105, %dma_wait3A_106] : memref<2x16x1600xf32, #tpu.memory_space<vmem>> -> memref<1x16x1600xf32, #tpu.memory_space<vmem>>
        %dma_wait3A_108 = tpu.memref_squeeze %dma_wait3A_107 : memref<1x16x1600xf32, #tpu.memory_space<vmem>> -> memref<16x1600xf32, #tpu.memory_space<vmem>>
        tpu.wait_dma2 semaphore(%run_scoped3A_84 : memref<!tpu.dma_semaphore, #tpu.memory_space<semaphore_mem>>) src(%dma_wait3A_108 : memref<16x1600xf32, #tpu.memory_space<vmem>>) dst(%dma_wait3A_104 : memref<16x1600xf32, #tpu.memory_space<hbm>>)
        tpu.yield
      }) : () -> ()
      %add3A_52 = arith.constant 2 : i32
      %add3A_53 = arith.addi %add3A_34, %add3A_52 : i32
      %lt3A = arith.constant 32 : i32
      %lt3A_54 = arith.cmpi slt, %add3A_53, %lt3A : i32
      %convert_element_type3A = arith.extui %lt3A_54 : i1 to i32
      %cond3A = arith.constant 0 : i32
      %cond3A_55 = arith.cmpi ne, %convert_element_type3A, %cond3A : i32
      scf.if %cond3A_55 {
        %add3A_84 = arith.constant 2 : i32
        %add3A_85 = arith.addi %add3A_34, %add3A_84 : i32
        %mul3A_86 = arith.constant 800 : i32
        %mul3A_87 = arith.muli %add3A_85, %mul3A_86 : i32
        %dma_start3A_88 = arith.constant 0 : i32
        %dma_start3A_89 = arith.constant 0 : i32
        %dma_start3A_90 = arith.constant 0 : i32
        %dma_start3A_91 = tpu.memref_slice %arg6[%dma_start3A_88, %dma_start3A_89, %dma_start3A_90] : memref<2x800x32xf32, #tpu.memory_space<vmem>> -> memref<1x800x32xf32, #tpu.memory_space<vmem>>
        %dma_start3A_92 = tpu.memref_squeeze %dma_start3A_91 : memref<1x800x32xf32, #tpu.memory_space<vmem>> -> memref<800x32xf32, #tpu.memory_space<vmem>>
        %dma_start3A_93 = tpu.memref_slice %arg5[%mul3A_87] : memref<25600xi32, #tpu.memory_space<vmem>> -> memref<800xi32, #tpu.memory_space<vmem>>
        %dma_start3A_94 = arith.constant 0 : i32
        %dma_start3A_95 = arith.constant 0 : i32
        %dma_start3A_96 = tpu.memref_slice %arg3[%dma_start3A_94, %dma_start3A_95] : memref<1000000x32xf32, #tpu.memory_space<hbm>> -> memref<1000000x32xf32, #tpu.memory_space<hbm>>
        tpu.enqueue_indirect_dma source(%dma_start3A_96 : memref<1000000x32xf32, #tpu.memory_space<hbm>>) target(%dma_start3A_92 : memref<800x32xf32, #tpu.memory_space<vmem>>) offsets(%dma_start3A_93 : memref<800xi32, #tpu.memory_space<vmem>>) semaphore(%arg8 : memref<!tpu.dma_semaphore, #tpu.memory_space<semaphore_mem>>)
      } else {
      }
      %add3A_56 = arith.constant 1 : i32
      %add3A_57 = arith.addi %add3A_32, %add3A_56 : i32
      %dma_wait3A_58 = arith.constant 1 : i32
      %dma_wait3A_59 = arith.constant 0 : i32
      %dma_wait3A_60 = arith.constant 0 : i32
      %dma_wait3A_61 = tpu.memref_slice %arg6[%dma_wait3A_58, %dma_wait3A_59, %dma_wait3A_60] : memref<2x800x32xf32, #tpu.memory_space<vmem>> -> memref<1x800x32xf32, #tpu.memory_space<vmem>>
      %dma_wait3A_62 = tpu.memref_squeeze %dma_wait3A_61 : memref<1x800x32xf32, #tpu.memory_space<vmem>> -> memref<800x32xf32, #tpu.memory_space<vmem>>
      %dma_wait3A_63 = arith.constant 0 : i32
      %dma_wait3A_64 = tpu.memref_slice %arg5[%dma_wait3A_63] : memref<25600xi32, #tpu.memory_space<vmem>> -> memref<800xi32, #tpu.memory_space<vmem>>
      %dma_wait3A_65 = arith.constant 0 : i32
      %dma_wait3A_66 = arith.constant 0 : i32
      %dma_wait3A_67 = tpu.memref_slice %arg3[%dma_wait3A_65, %dma_wait3A_66] : memref<1000000x32xf32, #tpu.memory_space<hbm>> -> memref<1000000x32xf32, #tpu.memory_space<hbm>>
      tpu.wait_indirect_dma semaphore(%arg9 : memref<!tpu.dma_semaphore, #tpu.memory_space<semaphore_mem>>) src(%dma_wait3A_67 : memref<1000000x32xf32, #tpu.memory_space<hbm>>) dst(%dma_wait3A_62 : memref<800x32xf32, #tpu.memory_space<vmem>>)
      %scan3A_68 = arith.constant 0 : i32
      %scan3A_69 = arith.constant 100 : i32
      %scan3A_70 = arith.addi %scan3A_68, %scan3A_69 : i32
      %scan3A_71 = arith.constant 4 : i32
      scf.for %scan3A_84 = %scan3A_68 to %scan3A_70 step %scan3A_71  : i32 {
        %mul3A_85 = arith.constant 1 : i32
        %mul3A_86 = arith.muli %scan3A_84, %mul3A_85 : i32
        %add3A_87 = arith.constant 0 : i32
        %add3A_88 = arith.addi %add3A_87, %mul3A_86 : i32
        %mul3A_89 = arith.constant 16 : i32
        %mul3A_90 = arith.muli %add3A_88, %mul3A_89 : i32
        %shift_right_logical3A = arith.constant 5 : i32
        %shift_right_logical3A_91 = arith.shrui %mul3A_90, %shift_right_logical3A : i32
        %and3A = arith.constant 31 : i32
        %and3A_92 = arith.andi %mul3A_90, %and3A : i32
        %add3A_93 = arith.constant 0 : i32
        %add3A_94 = arith.addi %add3A_93, %shift_right_logical3A_91 : i32
        %get3A = arith.constant 1 : i32
        %get3A_95 = arith.index_cast %get3A : i32 to index
        %get3A_96 = arith.index_cast %add3A_94 : i32 to index
        %get3A_97 = arith.index_cast %and3A_92 : i32 to index
        %get3A_98 = tpu.vector_load %arg6[%get3A_95, %get3A_96, %get3A_97] {strides = array<i32>} : memref<2x800x32xf32, #tpu.memory_space<vmem>>, vector<1x1x16xf32>,
        %get3A_99 = vector.shape_cast %get3A_98 : vector<1x1x16xf32> to vector<16xf32>
        %swap3A = arith.constant 1 : i32
        %swap3A_100 = arith.constant 0 : i32
        %swap3A_101 = arith.index_cast %swap3A : i32 to index
        %swap3A_102 = arith.index_cast %swap3A_100 : i32 to index
        %swap3A_103 = arith.index_cast %mul3A_90 : i32 to index
        %swap3A_104 = tpu.vector_load %arg7[%swap3A_101, %swap3A_102, %swap3A_103] {strides = array<i32>} : memref<2x16x1600xf32, #tpu.memory_space<vmem>>, vector<1x1x16xf32>,
        %swap3A_105 = vector.shape_cast %swap3A_104 : vector<1x1x16xf32> to vector<16xf32>
        %swap3A_106 = vector.shape_cast %get3A_99 : vector<16xf32> to vector<1x1x16xf32>
        tpu.vector_store %arg7[%swap3A_101, %swap3A_102, %swap3A_103], %swap3A_106 {strides = array<i32>} : memref<2x16x1600xf32, #tpu.memory_space<vmem>>, vector<1x1x16xf32>,
        %add3A_107 = arith.constant 50 : i32
        %add3A_108 = arith.addi %add3A_107, %shift_right_logical3A_91 : i32
        %get3A_109 = arith.constant 1 : i32
        %get3A_110 = arith.index_cast %get3A_109 : i32 to index
        %get3A_111 = arith.index_cast %add3A_108 : i32 to index
        %get3A_112 = arith.index_cast %and3A_92 : i32 to index
        %get3A_113 = tpu.vector_load %arg6[%get3A_110, %get3A_111, %get3A_112] {strides = array<i32>} : memref<2x800x32xf32, #tpu.memory_space<vmem>>, vector<1x1x16xf32>,
        %get3A_114 = vector.shape_cast %get3A_113 : vector<1x1x16xf32> to vector<16xf32>
        %swap3A_115 = arith.constant 1 : i32
        %swap3A_116 = arith.constant 1 : i32
        %swap3A_117 = arith.index_cast %swap3A_115 : i32 to index
        %swap3A_118 = arith.index_cast %swap3A_116 : i32 to index
        %swap3A_119 = arith.index_cast %mul3A_90 : i32 to index
        %swap3A_120 = tpu.vector_load %arg7[%swap3A_117, %swap3A_118, %swap3A_119] {strides = array<i32>} : memref<2x16x1600xf32, #tpu.memory_space<vmem>>, vector<1x1x16xf32>,
        %swap3A_121 = vector.shape_cast %swap3A_120 : vector<1x1x16xf32> to vector<16xf32>
        %swap3A_122 = vector.shape_cast %get3A_114 : vector<16xf32> to vector<1x1x16xf32>
        tpu.vector_store %arg7[%swap3A_117, %swap3A_118, %swap3A_119], %swap3A_122 {strides = array<i32>} : memref<2x16x1600xf32, #tpu.memory_space<vmem>>, vector<1x1x16xf32>,
        %add3A_123 = arith.constant 100 : i32
        %add3A_124 = arith.addi %add3A_123, %shift_right_logical3A_91 : i32
        %get3A_125 = arith.constant 1 : i32
        %get3A_126 = arith.index_cast %get3A_125 : i32 to index
        %get3A_127 = arith.index_cast %add3A_124 : i32 to index
        %get3A_128 = arith.index_cast %and3A_92 : i32 to index
        %get3A_129 = tpu.vector_load %arg6[%get3A_126, %get3A_127, %get3A_128] {strides = array<i32>} : memref<2x800x32xf32, #tpu.memory_space<vmem>>, vector<1x1x16xf32>,
        %get3A_130 = vector.shape_cast %get3A_129 : vector<1x1x16xf32> to vector<16xf32>
        %swap3A_131 = arith.constant 1 : i32
        %swap3A_132 = arith.constant 2 : i32
        %swap3A_133 = arith.index_cast %swap3A_131 : i32 to index
        %swap3A_134 = arith.index_cast %swap3A_132 : i32 to index
        %swap3A_135 = arith.index_cast %mul3A_90 : i32 to index
        %swap3A_136 = tpu.vector_load %arg7[%swap3A_133, %swap3A_134, %swap3A_135] {strides = array<i32>} : memref<2x16x1600xf32, #tpu.memory_space<vmem>>, vector<1x1x16xf32>,
        %swap3A_137 = vector.shape_cast %swap3A_136 : vector<1x1x16xf32> to vector<16xf32>
        %swap3A_138 = vector.shape_cast %get3A_130 : vector<16xf32> to vector<1x1x16xf32>
        tpu.vector_store %arg7[%swap3A_133, %swap3A_134, %swap3A_135], %swap3A_138 {strides = array<i32>} : memref<2x16x1600xf32, #tpu.memory_space<vmem>>, vector<1x1x16xf32>,
        %add3A_139 = arith.constant 150 : i32
        %add3A_140 = arith.addi %add3A_139, %shift_right_logical3A_91 : i32
        %get3A_141 = arith.constant 1 : i32
        %get3A_142 = arith.index_cast %get3A_141 : i32 to index
        %get3A_143 = arith.index_cast %add3A_140 : i32 to index
        %get3A_144 = arith.index_cast %and3A_92 : i32 to index
        %get3A_145 = tpu.vector_load %arg6[%get3A_142, %get3A_143, %get3A_144] {strides = array<i32>} : memref<2x800x32xf32, #tpu.memory_space<vmem>>, vector<1x1x16xf32>,
        %get3A_146 = vector.shape_cast %get3A_145 : vector<1x1x16xf32> to vector<16xf32>
        %swap3A_147 = arith.constant 1 : i32
        %swap3A_148 = arith.constant 3 : i32
        %swap3A_149 = arith.index_cast %swap3A_147 : i32 to index
        %swap3A_150 = arith.index_cast %swap3A_148 : i32 to index
        %swap3A_151 = arith.index_cast %mul3A_90 : i32 to index
        %swap3A_152 = tpu.vector_load %arg7[%swap3A_149, %swap3A_150, %swap3A_151] {strides = array<i32>} : memref<2x16x1600xf32, #tpu.memory_space<vmem>>, vector<1x1x16xf32>,
        %swap3A_153 = vector.shape_cast %swap3A_152 : vector<1x1x16xf32> to vector<16xf32>
        %swap3A_154 = vector.shape_cast %get3A_146 : vector<16xf32> to vector<1x1x16xf32>
        tpu.vector_store %arg7[%swap3A_149, %swap3A_150, %swap3A_151], %swap3A_154 {strides = array<i32>} : memref<2x16x1600xf32, #tpu.memory_space<vmem>>, vector<1x1x16xf32>,
        %add3A_155 = arith.constant 200 : i32
        %add3A_156 = arith.addi %add3A_155, %shift_right_logical3A_91 : i32
        %get3A_157 = arith.constant 1 : i32
        %get3A_158 = arith.index_cast %get3A_157 : i32 to index
        %get3A_159 = arith.index_cast %add3A_156 : i32 to index
        %get3A_160 = arith.index_cast %and3A_92 : i32 to index
        %get3A_161 = tpu.vector_load %arg6[%get3A_158, %get3A_159, %get3A_160] {strides = array<i32>} : memref<2x800x32xf32, #tpu.memory_space<vmem>>, vector<1x1x16xf32>,
        %get3A_162 = vector.shape_cast %get3A_161 : vector<1x1x16xf32> to vector<16xf32>
        %swap3A_163 = arith.constant 1 : i32
        %swap3A_164 = arith.constant 4 : i32
        %swap3A_165 = arith.index_cast %swap3A_163 : i32 to index
        %swap3A_166 = arith.index_cast %swap3A_164 : i32 to index
        %swap3A_167 = arith.index_cast %mul3A_90 : i32 to index
        %swap3A_168 = tpu.vector_load %arg7[%swap3A_165, %swap3A_166, %swap3A_167] {strides = array<i32>} : memref<2x16x1600xf32, #tpu.memory_space<vmem>>, vector<1x1x16xf32>,
        %swap3A_169 = vector.shape_cast %swap3A_168 : vector<1x1x16xf32> to vector<16xf32>
        %swap3A_170 = vector.shape_cast %get3A_162 : vector<16xf32> to vector<1x1x16xf32>
        tpu.vector_store %arg7[%swap3A_165, %swap3A_166, %swap3A_167], %swap3A_170 {strides = array<i32>} : memref<2x16x1600xf32, #tpu.memory_space<vmem>>, vector<1x1x16xf32>,
        %add3A_171 = arith.constant 250 : i32
        %add3A_172 = arith.addi %add3A_171, %shift_right_logical3A_91 : i32
        %get3A_173 = arith.constant 1 : i32
        %get3A_174 = arith.index_cast %get3A_173 : i32 to index
        %get3A_175 = arith.index_cast %add3A_172 : i32 to index
        %get3A_176 = arith.index_cast %and3A_92 : i32 to index
        %get3A_177 = tpu.vector_load %arg6[%get3A_174, %get3A_175, %get3A_176] {strides = array<i32>} : memref<2x800x32xf32, #tpu.memory_space<vmem>>, vector<1x1x16xf32>,
        %get3A_178 = vector.shape_cast %get3A_177 : vector<1x1x16xf32> to vector<16xf32>
        %swap3A_179 = arith.constant 1 : i32
        %swap3A_180 = arith.constant 5 : i32
        %swap3A_181 = arith.index_cast %swap3A_179 : i32 to index
        %swap3A_182 = arith.index_cast %swap3A_180 : i32 to index
        %swap3A_183 = arith.index_cast %mul3A_90 : i32 to index
        %swap3A_184 = tpu.vector_load %arg7[%swap3A_181, %swap3A_182, %swap3A_183] {strides = array<i32>} : memref<2x16x1600xf32, #tpu.memory_space<vmem>>, vector<1x1x16xf32>,
        %swap3A_185 = vector.shape_cast %swap3A_184 : vector<1x1x16xf32> to vector<16xf32>
        %swap3A_186 = vector.shape_cast %get3A_178 : vector<16xf32> to vector<1x1x16xf32>
        tpu.vector_store %arg7[%swap3A_181, %swap3A_182, %swap3A_183], %swap3A_186 {strides = array<i32>} : memref<2x16x1600xf32, #tpu.memory_space<vmem>>, vector<1x1x16xf32>,
        %add3A_187 = arith.constant 300 : i32
        %add3A_188 = arith.addi %add3A_187, %shift_right_logical3A_91 : i32
        %get3A_189 = arith.constant 1 : i32
        %get3A_190 = arith.index_cast %get3A_189 : i32 to index
        %get3A_191 = arith.index_cast %add3A_188 : i32 to index
        %get3A_192 = arith.index_cast %and3A_92 : i32 to index
        %get3A_193 = tpu.vector_load %arg6[%get3A_190, %get3A_191, %get3A_192] {strides = array<i32>} : memref<2x800x32xf32, #tpu.memory_space<vmem>>, vector<1x1x16xf32>,
        %get3A_194 = vector.shape_cast %get3A_193 : vector<1x1x16xf32> to vector<16xf32>
        %swap3A_195 = arith.constant 1 : i32
        %swap3A_196 = arith.constant 6 : i32
        %swap3A_197 = arith.index_cast %swap3A_195 : i32 to index
        %swap3A_198 = arith.index_cast %swap3A_196 : i32 to index
        %swap3A_199 = arith.index_cast %mul3A_90 : i32 to index
        %swap3A_200 = tpu.vector_load %arg7[%swap3A_197, %swap3A_198, %swap3A_199] {strides = array<i32>} : memref<2x16x1600xf32, #tpu.memory_space<vmem>>, vector<1x1x16xf32>,
        %swap3A_201 = vector.shape_cast %swap3A_200 : vector<1x1x16xf32> to vector<16xf32>
        %swap3A_202 = vector.shape_cast %get3A_194 : vector<16xf32> to vector<1x1x16xf32>
        tpu.vector_store %arg7[%swap3A_197, %swap3A_198, %swap3A_199], %swap3A_202 {strides = array<i32>} : memref<2x16x1600xf32, #tpu.memory_space<vmem>>, vector<1x1x16xf32>,
        %add3A_203 = arith.constant 350 : i32
        %add3A_204 = arith.addi %add3A_203, %shift_right_logical3A_91 : i32
        %get3A_205 = arith.constant 1 : i32
        %get3A_206 = arith.index_cast %get3A_205 : i32 to index
        %get3A_207 = arith.index_cast %add3A_204 : i32 to index
        %get3A_208 = arith.index_cast %and3A_92 : i32 to index
        %get3A_209 = tpu.vector_load %arg6[%get3A_206, %get3A_207, %get3A_208] {strides = array<i32>} : memref<2x800x32xf32, #tpu.memory_space<vmem>>, vector<1x1x16xf32>,
        %get3A_210 = vector.shape_cast %get3A_209 : vector<1x1x16xf32> to vector<16xf32>
        %swap3A_211 = arith.constant 1 : i32
        %swap3A_212 = arith.constant 7 : i32
        %swap3A_213 = arith.index_cast %swap3A_211 : i32 to index
        %swap3A_214 = arith.index_cast %swap3A_212 : i32 to index
        %swap3A_215 = arith.index_cast %mul3A_90 : i32 to index
        %swap3A_216 = tpu.vector_load %arg7[%swap3A_213, %swap3A_214, %swap3A_215] {strides = array<i32>} : memref<2x16x1600xf32, #tpu.memory_space<vmem>>, vector<1x1x16xf32>,
        %swap3A_217 = vector.shape_cast %swap3A_216 : vector<1x1x16xf32> to vector<16xf32>
        %swap3A_218 = vector.shape_cast %get3A_210 : vector<16xf32> to vector<1x1x16xf32>
        tpu.vector_store %arg7[%swap3A_213, %swap3A_214, %swap3A_215], %swap3A_218 {strides = array<i32>} : memref<2x16x1600xf32, #tpu.memory_space<vmem>>, vector<1x1x16xf32>,
        %add3A_219 = arith.constant 400 : i32
        %add3A_220 = arith.addi %add3A_219, %shift_right_logical3A_91 : i32
        %get3A_221 = arith.constant 1 : i32
        %get3A_222 = arith.index_cast %get3A_221 : i32 to index
        %get3A_223 = arith.index_cast %add3A_220 : i32 to index
        %get3A_224 = arith.index_cast %and3A_92 : i32 to index
        %get3A_225 = tpu.vector_load %arg6[%get3A_222, %get3A_223, %get3A_224] {strides = array<i32>} : memref<2x800x32xf32, #tpu.memory_space<vmem>>, vector<1x1x16xf32>,
        %get3A_226 = vector.shape_cast %get3A_225 : vector<1x1x16xf32> to vector<16xf32>
        %swap3A_227 = arith.constant 1 : i32
        %swap3A_228 = arith.constant 8 : i32
        %swap3A_229 = arith.index_cast %swap3A_227 : i32 to index
        %swap3A_230 = arith.index_cast %swap3A_228 : i32 to index
        %swap3A_231 = arith.index_cast %mul3A_90 : i32 to index
        %swap3A_232 = tpu.vector_load %arg7[%swap3A_229, %swap3A_230, %swap3A_231] {strides = array<i32>} : memref<2x16x1600xf32, #tpu.memory_space<vmem>>, vector<1x1x16xf32>,
        %swap3A_233 = vector.shape_cast %swap3A_232 : vector<1x1x16xf32> to vector<16xf32>
        %swap3A_234 = vector.shape_cast %get3A_226 : vector<16xf32> to vector<1x1x16xf32>
        tpu.vector_store %arg7[%swap3A_229, %swap3A_230, %swap3A_231], %swap3A_234 {strides = array<i32>} : memref<2x16x1600xf32, #tpu.memory_space<vmem>>, vector<1x1x16xf32>,
        %add3A_235 = arith.constant 450 : i32
        %add3A_236 = arith.addi %add3A_235, %shift_right_logical3A_91 : i32
        %get3A_237 = arith.constant 1 : i32
        %get3A_238 = arith.index_cast %get3A_237 : i32 to index
        %get3A_239 = arith.index_cast %add3A_236 : i32 to index
        %get3A_240 = arith.index_cast %and3A_92 : i32 to index
        %get3A_241 = tpu.vector_load %arg6[%get3A_238, %get3A_239, %get3A_240] {strides = array<i32>} : memref<2x800x32xf32, #tpu.memory_space<vmem>>, vector<1x1x16xf32>,
        %get3A_242 = vector.shape_cast %get3A_241 : vector<1x1x16xf32> to vector<16xf32>
        %swap3A_243 = arith.constant 1 : i32
        %swap3A_244 = arith.constant 9 : i32
        %swap3A_245 = arith.index_cast %swap3A_243 : i32 to index
        %swap3A_246 = arith.index_cast %swap3A_244 : i32 to index
        %swap3A_247 = arith.index_cast %mul3A_90 : i32 to index
        %swap3A_248 = tpu.vector_load %arg7[%swap3A_245, %swap3A_246, %swap3A_247] {strides = array<i32>} : memref<2x16x1600xf32, #tpu.memory_space<vmem>>, vector<1x1x16xf32>,
        %swap3A_249 = vector.shape_cast %swap3A_248 : vector<1x1x16xf32> to vector<16xf32>
        %swap3A_250 = vector.shape_cast %get3A_242 : vector<16xf32> to vector<1x1x16xf32>
        tpu.vector_store %arg7[%swap3A_245, %swap3A_246, %swap3A_247], %swap3A_250 {strides = array<i32>} : memref<2x16x1600xf32, #tpu.memory_space<vmem>>, vector<1x1x16xf32>,
        %add3A_251 = arith.constant 500 : i32
        %add3A_252 = arith.addi %add3A_251, %shift_right_logical3A_91 : i32
        %get3A_253 = arith.constant 1 : i32
        %get3A_254 = arith.index_cast %get3A_253 : i32 to index
        %get3A_255 = arith.index_cast %add3A_252 : i32 to index
        %get3A_256 = arith.index_cast %and3A_92 : i32 to index
        %get3A_257 = tpu.vector_load %arg6[%get3A_254, %get3A_255, %get3A_256] {strides = array<i32>} : memref<2x800x32xf32, #tpu.memory_space<vmem>>, vector<1x1x16xf32>,
        %get3A_258 = vector.shape_cast %get3A_257 : vector<1x1x16xf32> to vector<16xf32>
        %swap3A_259 = arith.constant 1 : i32
        %swap3A_260 = arith.constant 10 : i32
        %swap3A_261 = arith.index_cast %swap3A_259 : i32 to index
        %swap3A_262 = arith.index_cast %swap3A_260 : i32 to index
        %swap3A_263 = arith.index_cast %mul3A_90 : i32 to index
        %swap3A_264 = tpu.vector_load %arg7[%swap3A_261, %swap3A_262, %swap3A_263] {strides = array<i32>} : memref<2x16x1600xf32, #tpu.memory_space<vmem>>, vector<1x1x16xf32>,
        %swap3A_265 = vector.shape_cast %swap3A_264 : vector<1x1x16xf32> to vector<16xf32>
        %swap3A_266 = vector.shape_cast %get3A_258 : vector<16xf32> to vector<1x1x16xf32>
        tpu.vector_store %arg7[%swap3A_261, %swap3A_262, %swap3A_263], %swap3A_266 {strides = array<i32>} : memref<2x16x1600xf32, #tpu.memory_space<vmem>>, vector<1x1x16xf32>,
        %add3A_267 = arith.constant 550 : i32
        %add3A_268 = arith.addi %add3A_267, %shift_right_logical3A_91 : i32
        %get3A_269 = arith.constant 1 : i32
        %get3A_270 = arith.index_cast %get3A_269 : i32 to index
        %get3A_271 = arith.index_cast %add3A_268 : i32 to index
        %get3A_272 = arith.index_cast %and3A_92 : i32 to index
        %get3A_273 = tpu.vector_load %arg6[%get3A_270, %get3A_271, %get3A_272] {strides = array<i32>} : memref<2x800x32xf32, #tpu.memory_space<vmem>>, vector<1x1x16xf32>,
        %get3A_274 = vector.shape_cast %get3A_273 : vector<1x1x16xf32> to vector<16xf32>
        %swap3A_275 = arith.constant 1 : i32
        %swap3A_276 = arith.constant 11 : i32
        %swap3A_277 = arith.index_cast %swap3A_275 : i32 to index
        %swap3A_278 = arith.index_cast %swap3A_276 : i32 to index
        %swap3A_279 = arith.index_cast %mul3A_90 : i32 to index
        %swap3A_280 = tpu.vector_load %arg7[%swap3A_277, %swap3A_278, %swap3A_279] {strides = array<i32>} : memref<2x16x1600xf32, #tpu.memory_space<vmem>>, vector<1x1x16xf32>,
        %swap3A_281 = vector.shape_cast %swap3A_280 : vector<1x1x16xf32> to vector<16xf32>
        %swap3A_282 = vector.shape_cast %get3A_274 : vector<16xf32> to vector<1x1x16xf32>
        tpu.vector_store %arg7[%swap3A_277, %swap3A_278, %swap3A_279], %swap3A_282 {strides = array<i32>} : memref<2x16x1600xf32, #tpu.memory_space<vmem>>, vector<1x1x16xf32>,
        %add3A_283 = arith.constant 600 : i32
        %add3A_284 = arith.addi %add3A_283, %shift_right_logical3A_91 : i32
        %get3A_285 = arith.constant 1 : i32
        %get3A_286 = arith.index_cast %get3A_285 : i32 to index
        %get3A_287 = arith.index_cast %add3A_284 : i32 to index
        %get3A_288 = arith.index_cast %and3A_92 : i32 to index
        %get3A_289 = tpu.vector_load %arg6[%get3A_286, %get3A_287, %get3A_288] {strides = array<i32>} : memref<2x800x32xf32, #tpu.memory_space<vmem>>, vector<1x1x16xf32>,
        %get3A_290 = vector.shape_cast %get3A_289 : vector<1x1x16xf32> to vector<16xf32>
        %swap3A_291 = arith.constant 1 : i32
        %swap3A_292 = arith.constant 12 : i32
        %swap3A_293 = arith.index_cast %swap3A_291 : i32 to index
        %swap3A_294 = arith.index_cast %swap3A_292 : i32 to index
        %swap3A_295 = arith.index_cast %mul3A_90 : i32 to index
        %swap3A_296 = tpu.vector_load %arg7[%swap3A_293, %swap3A_294, %swap3A_295] {strides = array<i32>} : memref<2x16x1600xf32, #tpu.memory_space<vmem>>, vector<1x1x16xf32>,
        %swap3A_297 = vector.shape_cast %swap3A_296 : vector<1x1x16xf32> to vector<16xf32>
        %swap3A_298 = vector.shape_cast %get3A_290 : vector<16xf32> to vector<1x1x16xf32>
        tpu.vector_store %arg7[%swap3A_293, %swap3A_294, %swap3A_295], %swap3A_298 {strides = array<i32>} : memref<2x16x1600xf32, #tpu.memory_space<vmem>>, vector<1x1x16xf32>,
        %add3A_299 = arith.constant 650 : i32
        %add3A_300 = arith.addi %add3A_299, %shift_right_logical3A_91 : i32
        %get3A_301 = arith.constant 1 : i32
        %get3A_302 = arith.index_cast %get3A_301 : i32 to index
        %get3A_303 = arith.index_cast %add3A_300 : i32 to index
        %get3A_304 = arith.index_cast %and3A_92 : i32 to index
        %get3A_305 = tpu.vector_load %arg6[%get3A_302, %get3A_303, %get3A_304] {strides = array<i32>} : memref<2x800x32xf32, #tpu.memory_space<vmem>>, vector<1x1x16xf32>,
        %get3A_306 = vector.shape_cast %get3A_305 : vector<1x1x16xf32> to vector<16xf32>
        %swap3A_307 = arith.constant 1 : i32
        %swap3A_308 = arith.constant 13 : i32
        %swap3A_309 = arith.index_cast %swap3A_307 : i32 to index
        %swap3A_310 = arith.index_cast %swap3A_308 : i32 to index
        %swap3A_311 = arith.index_cast %mul3A_90 : i32 to index
        %swap3A_312 = tpu.vector_load %arg7[%swap3A_309, %swap3A_310, %swap3A_311] {strides = array<i32>} : memref<2x16x1600xf32, #tpu.memory_space<vmem>>, vector<1x1x16xf32>,
        %swap3A_313 = vector.shape_cast %swap3A_312 : vector<1x1x16xf32> to vector<16xf32>
        %swap3A_314 = vector.shape_cast %get3A_306 : vector<16xf32> to vector<1x1x16xf32>
        tpu.vector_store %arg7[%swap3A_309, %swap3A_310, %swap3A_311], %swap3A_314 {strides = array<i32>} : memref<2x16x1600xf32, #tpu.memory_space<vmem>>, vector<1x1x16xf32>,
        %add3A_315 = arith.constant 700 : i32
        %add3A_316 = arith.addi %add3A_315, %shift_right_logical3A_91 : i32
        %get3A_317 = arith.constant 1 : i32
        %get3A_318 = arith.index_cast %get3A_317 : i32 to index
        %get3A_319 = arith.index_cast %add3A_316 : i32 to index
        %get3A_320 = arith.index_cast %and3A_92 : i32 to index
        %get3A_321 = tpu.vector_load %arg6[%get3A_318, %get3A_319, %get3A_320] {strides = array<i32>} : memref<2x800x32xf32, #tpu.memory_space<vmem>>, vector<1x1x16xf32>,
        %get3A_322 = vector.shape_cast %get3A_321 : vector<1x1x16xf32> to vector<16xf32>
        %swap3A_323 = arith.constant 1 : i32
        %swap3A_324 = arith.constant 14 : i32
        %swap3A_325 = arith.index_cast %swap3A_323 : i32 to index
        %swap3A_326 = arith.index_cast %swap3A_324 : i32 to index
        %swap3A_327 = arith.index_cast %mul3A_90 : i32 to index
        %swap3A_328 = tpu.vector_load %arg7[%swap3A_325, %swap3A_326, %swap3A_327] {strides = array<i32>} : memref<2x16x1600xf32, #tpu.memory_space<vmem>>, vector<1x1x16xf32>,
        %swap3A_329 = vector.shape_cast %swap3A_328 : vector<1x1x16xf32> to vector<16xf32>
        %swap3A_330 = vector.shape_cast %get3A_322 : vector<16xf32> to vector<1x1x16xf32>
        tpu.vector_store %arg7[%swap3A_325, %swap3A_326, %swap3A_327], %swap3A_330 {strides = array<i32>} : memref<2x16x1600xf32, #tpu.memory_space<vmem>>, vector<1x1x16xf32>,
        %add3A_331 = arith.constant 750 : i32
        %add3A_332 = arith.addi %add3A_331, %shift_right_logical3A_91 : i32
        %get3A_333 = arith.constant 1 : i32
        %get3A_334 = arith.index_cast %get3A_333 : i32 to index
        %get3A_335 = arith.index_cast %add3A_332 : i32 to index
        %get3A_336 = arith.index_cast %and3A_92 : i32 to index
        %get3A_337 = tpu.vector_load %arg6[%get3A_334, %get3A_335, %get3A_336] {strides = array<i32>} : memref<2x800x32xf32, #tpu.memory_space<vmem>>, vector<1x1x16xf32>,
        %get3A_338 = vector.shape_cast %get3A_337 : vector<1x1x16xf32> to vector<16xf32>
        %swap3A_339 = arith.constant 1 : i32
        %swap3A_340 = arith.constant 15 : i32
        %swap3A_341 = arith.index_cast %swap3A_339 : i32 to index
        %swap3A_342 = arith.index_cast %swap3A_340 : i32 to index
        %swap3A_343 = arith.index_cast %mul3A_90 : i32 to index
        %swap3A_344 = tpu.vector_load %arg7[%swap3A_341, %swap3A_342, %swap3A_343] {strides = array<i32>} : memref<2x16x1600xf32, #tpu.memory_space<vmem>>, vector<1x1x16xf32>,
        %swap3A_345 = vector.shape_cast %swap3A_344 : vector<1x1x16xf32> to vector<16xf32>
        %swap3A_346 = vector.shape_cast %get3A_338 : vector<16xf32> to vector<1x1x16xf32>
        tpu.vector_store %arg7[%swap3A_341, %swap3A_342, %swap3A_343], %swap3A_346 {strides = array<i32>} : memref<2x16x1600xf32, #tpu.memory_space<vmem>>, vector<1x1x16xf32>,
        %scan3A_347 = arith.constant 1 : i32
        %scan3A_348 = arith.addi %scan3A_84, %scan3A_347 : i32
        %mul3A_349 = arith.constant 1 : i32
        %mul3A_350 = arith.muli %scan3A_348, %mul3A_349 : i32
        %add3A_351 = arith.constant 0 : i32
        %add3A_352 = arith.addi %add3A_351, %mul3A_350 : i32
        %mul3A_353 = arith.constant 16 : i32
        %mul3A_354 = arith.muli %add3A_352, %mul3A_353 : i32
        %shift_right_logical3A_355 = arith.constant 5 : i32
        %shift_right_logical3A_356 = arith.shrui %mul3A_354, %shift_right_logical3A_355 : i32
        %and3A_357 = arith.constant 31 : i32
        %and3A_358 = arith.andi %mul3A_354, %and3A_357 : i32
        %add3A_359 = arith.constant 0 : i32
        %add3A_360 = arith.addi %add3A_359, %shift_right_logical3A_356 : i32
        %get3A_361 = arith.constant 1 : i32
        %get3A_362 = arith.index_cast %get3A_361 : i32 to index
        %get3A_363 = arith.index_cast %add3A_360 : i32 to index
        %get3A_364 = arith.index_cast %and3A_358 : i32 to index
        %get3A_365 = tpu.vector_load %arg6[%get3A_362, %get3A_363, %get3A_364] {strides = array<i32>} : memref<2x800x32xf32, #tpu.memory_space<vmem>>, vector<1x1x16xf32>,
        %get3A_366 = vector.shape_cast %get3A_365 : vector<1x1x16xf32> to vector<16xf32>
        %swap3A_367 = arith.constant 1 : i32
        %swap3A_368 = arith.constant 0 : i32
        %swap3A_369 = arith.index_cast %swap3A_367 : i32 to index
        %swap3A_370 = arith.index_cast %swap3A_368 : i32 to index
        %swap3A_371 = arith.index_cast %mul3A_354 : i32 to index
        %swap3A_372 = tpu.vector_load %arg7[%swap3A_369, %swap3A_370, %swap3A_371] {strides = array<i32>} : memref<2x16x1600xf32, #tpu.memory_space<vmem>>, vector<1x1x16xf32>,
        %swap3A_373 = vector.shape_cast %swap3A_372 : vector<1x1x16xf32> to vector<16xf32>
        %swap3A_374 = vector.shape_cast %get3A_366 : vector<16xf32> to vector<1x1x16xf32>
        tpu.vector_store %arg7[%swap3A_369, %swap3A_370, %swap3A_371], %swap3A_374 {strides = array<i32>} : memref<2x16x1600xf32, #tpu.memory_space<vmem>>, vector<1x1x16xf32>,
        %add3A_375 = arith.constant 50 : i32
        %add3A_376 = arith.addi %add3A_375, %shift_right_logical3A_356 : i32
        %get3A_377 = arith.constant 1 : i32
        %get3A_378 = arith.index_cast %get3A_377 : i32 to index
        %get3A_379 = arith.index_cast %add3A_376 : i32 to index
        %get3A_380 = arith.index_cast %and3A_358 : i32 to index
        %get3A_381 = tpu.vector_load %arg6[%get3A_378, %get3A_379, %get3A_380] {strides = array<i32>} : memref<2x800x32xf32, #tpu.memory_space<vmem>>, vector<1x1x16xf32>,
        %get3A_382 = vector.shape_cast %get3A_381 : vector<1x1x16xf32> to vector<16xf32>
        %swap3A_383 = arith.constant 1 : i32
        %swap3A_384 = arith.constant 1 : i32
        %swap3A_385 = arith.index_cast %swap3A_383 : i32 to index
        %swap3A_386 = arith.index_cast %swap3A_384 : i32 to index
        %swap3A_387 = arith.index_cast %mul3A_354 : i32 to index
        %swap3A_388 = tpu.vector_load %arg7[%swap3A_385, %swap3A_386, %swap3A_387] {strides = array<i32>} : memref<2x16x1600xf32, #tpu.memory_space<vmem>>, vector<1x1x16xf32>,
        %swap3A_389 = vector.shape_cast %swap3A_388 : vector<1x1x16xf32> to vector<16xf32>
        %swap3A_390 = vector.shape_cast %get3A_382 : vector<16xf32> to vector<1x1x16xf32>
        tpu.vector_store %arg7[%swap3A_385, %swap3A_386, %swap3A_387], %swap3A_390 {strides = array<i32>} : memref<2x16x1600xf32, #tpu.memory_space<vmem>>, vector<1x1x16xf32>,
        %add3A_391 = arith.constant 100 : i32
        %add3A_392 = arith.addi %add3A_391, %shift_right_logical3A_356 : i32
        %get3A_393 = arith.constant 1 : i32
        %get3A_394 = arith.index_cast %get3A_393 : i32 to index
        %get3A_395 = arith.index_cast %add3A_392 : i32 to index
        %get3A_396 = arith.index_cast %and3A_358 : i32 to index
        %get3A_397 = tpu.vector_load %arg6[%get3A_394, %get3A_395, %get3A_396] {strides = array<i32>} : memref<2x800x32xf32, #tpu.memory_space<vmem>>, vector<1x1x16xf32>,
        %get3A_398 = vector.shape_cast %get3A_397 : vector<1x1x16xf32> to vector<16xf32>
        %swap3A_399 = arith.constant 1 : i32
        %swap3A_400 = arith.constant 2 : i32
        %swap3A_401 = arith.index_cast %swap3A_399 : i32 to index
        %swap3A_402 = arith.index_cast %swap3A_400 : i32 to index
        %swap3A_403 = arith.index_cast %mul3A_354 : i32 to index
        %swap3A_404 = tpu.vector_load %arg7[%swap3A_401, %swap3A_402, %swap3A_403] {strides = array<i32>} : memref<2x16x1600xf32, #tpu.memory_space<vmem>>, vector<1x1x16xf32>,
        %swap3A_405 = vector.shape_cast %swap3A_404 : vector<1x1x16xf32> to vector<16xf32>
        %swap3A_406 = vector.shape_cast %get3A_398 : vector<16xf32> to vector<1x1x16xf32>
        tpu.vector_store %arg7[%swap3A_401, %swap3A_402, %swap3A_403], %swap3A_406 {strides = array<i32>} : memref<2x16x1600xf32, #tpu.memory_space<vmem>>, vector<1x1x16xf32>,
        %add3A_407 = arith.constant 150 : i32
        %add3A_408 = arith.addi %add3A_407, %shift_right_logical3A_356 : i32
        %get3A_409 = arith.constant 1 : i32
        %get3A_410 = arith.index_cast %get3A_409 : i32 to index
        %get3A_411 = arith.index_cast %add3A_408 : i32 to index
        %get3A_412 = arith.index_cast %and3A_358 : i32 to index
        %get3A_413 = tpu.vector_load %arg6[%get3A_410, %get3A_411, %get3A_412] {strides = array<i32>} : memref<2x800x32xf32, #tpu.memory_space<vmem>>, vector<1x1x16xf32>,
        %get3A_414 = vector.shape_cast %get3A_413 : vector<1x1x16xf32> to vector<16xf32>
        %swap3A_415 = arith.constant 1 : i32
        %swap3A_416 = arith.constant 3 : i32
        %swap3A_417 = arith.index_cast %swap3A_415 : i32 to index
        %swap3A_418 = arith.index_cast %swap3A_416 : i32 to index
        %swap3A_419 = arith.index_cast %mul3A_354 : i32 to index
        %swap3A_420 = tpu.vector_load %arg7[%swap3A_417, %swap3A_418, %swap3A_419] {strides = array<i32>} : memref<2x16x1600xf32, #tpu.memory_space<vmem>>, vector<1x1x16xf32>,
        %swap3A_421 = vector.shape_cast %swap3A_420 : vector<1x1x16xf32> to vector<16xf32>
        %swap3A_422 = vector.shape_cast %get3A_414 : vector<16xf32> to vector<1x1x16xf32>
        tpu.vector_store %arg7[%swap3A_417, %swap3A_418, %swap3A_419], %swap3A_422 {strides = array<i32>} : memref<2x16x1600xf32, #tpu.memory_space<vmem>>, vector<1x1x16xf32>,
        %add3A_423 = arith.constant 200 : i32
        %add3A_424 = arith.addi %add3A_423, %shift_right_logical3A_356 : i32
        %get3A_425 = arith.constant 1 : i32
        %get3A_426 = arith.index_cast %get3A_425 : i32 to index
        %get3A_427 = arith.index_cast %add3A_424 : i32 to index
        %get3A_428 = arith.index_cast %and3A_358 : i32 to index
        %get3A_429 = tpu.vector_load %arg6[%get3A_426, %get3A_427, %get3A_428] {strides = array<i32>} : memref<2x800x32xf32, #tpu.memory_space<vmem>>, vector<1x1x16xf32>,
        %get3A_430 = vector.shape_cast %get3A_429 : vector<1x1x16xf32> to vector<16xf32>
        %swap3A_431 = arith.constant 1 : i32
        %swap3A_432 = arith.constant 4 : i32
        %swap3A_433 = arith.index_cast %swap3A_431 : i32 to index
        %swap3A_434 = arith.index_cast %swap3A_432 : i32 to index
        %swap3A_435 = arith.index_cast %mul3A_354 : i32 to index
        %swap3A_436 = tpu.vector_load %arg7[%swap3A_433, %swap3A_434, %swap3A_435] {strides = array<i32>} : memref<2x16x1600xf32, #tpu.memory_space<vmem>>, vector<1x1x16xf32>,
        %swap3A_437 = vector.shape_cast %swap3A_436 : vector<1x1x16xf32> to vector<16xf32>
        %swap3A_438 = vector.shape_cast %get3A_430 : vector<16xf32> to vector<1x1x16xf32>
        tpu.vector_store %arg7[%swap3A_433, %swap3A_434, %swap3A_435], %swap3A_438 {strides = array<i32>} : memref<2x16x1600xf32, #tpu.memory_space<vmem>>, vector<1x1x16xf32>,
        %add3A_439 = arith.constant 250 : i32
        %add3A_440 = arith.addi %add3A_439, %shift_right_logical3A_356 : i32
        %get3A_441 = arith.constant 1 : i32
        %get3A_442 = arith.index_cast %get3A_441 : i32 to index
        %get3A_443 = arith.index_cast %add3A_440 : i32 to index
        %get3A_444 = arith.index_cast %and3A_358 : i32 to index
        %get3A_445 = tpu.vector_load %arg6[%get3A_442, %get3A_443, %get3A_444] {strides = array<i32>} : memref<2x800x32xf32, #tpu.memory_space<vmem>>, vector<1x1x16xf32>,
        %get3A_446 = vector.shape_cast %get3A_445 : vector<1x1x16xf32> to vector<16xf32>
        %swap3A_447 = arith.constant 1 : i32
        %swap3A_448 = arith.constant 5 : i32
        %swap3A_449 = arith.index_cast %swap3A_447 : i32 to index
        %swap3A_450 = arith.index_cast %swap3A_448 : i32 to index
        %swap3A_451 = arith.index_cast %mul3A_354 : i32 to index
        %swap3A_452 = tpu.vector_load %arg7[%swap3A_449, %swap3A_450, %swap3A_451] {strides = array<i32>} : memref<2x16x1600xf32, #tpu.memory_space<vmem>>, vector<1x1x16xf32>,
        %swap3A_453 = vector.shape_cast %swap3A_452 : vector<1x1x16xf32> to vector<16xf32>
        %swap3A_454 = vector.shape_cast %get3A_446 : vector<16xf32> to vector<1x1x16xf32>
        tpu.vector_store %arg7[%swap3A_449, %swap3A_450, %swap3A_451], %swap3A_454 {strides = array<i32>} : memref<2x16x1600xf32, #tpu.memory_space<vmem>>, vector<1x1x16xf32>,
        %add3A_455 = arith.constant 300 : i32
        %add3A_456 = arith.addi %add3A_455, %shift_right_logical3A_356 : i32
        %get3A_457 = arith.constant 1 : i32
        %get3A_458 = arith.index_cast %get3A_457 : i32 to index
        %get3A_459 = arith.index_cast %add3A_456 : i32 to index
        %get3A_460 = arith.index_cast %and3A_358 : i32 to index
        %get3A_461 = tpu.vector_load %arg6[%get3A_458, %get3A_459, %get3A_460] {strides = array<i32>} : memref<2x800x32xf32, #tpu.memory_space<vmem>>, vector<1x1x16xf32>,
        %get3A_462 = vector.shape_cast %get3A_461 : vector<1x1x16xf32> to vector<16xf32>
        %swap3A_463 = arith.constant 1 : i32
        %swap3A_464 = arith.constant 6 : i32
        %swap3A_465 = arith.index_cast %swap3A_463 : i32 to index
        %swap3A_466 = arith.index_cast %swap3A_464 : i32 to index
        %swap3A_467 = arith.index_cast %mul3A_354 : i32 to index
        %swap3A_468 = tpu.vector_load %arg7[%swap3A_465, %swap3A_466, %swap3A_467] {strides = array<i32>} : memref<2x16x1600xf32, #tpu.memory_space<vmem>>, vector<1x1x16xf32>,
        %swap3A_469 = vector.shape_cast %swap3A_468 : vector<1x1x16xf32> to vector<16xf32>
        %swap3A_470 = vector.shape_cast %get3A_462 : vector<16xf32> to vector<1x1x16xf32>
        tpu.vector_store %arg7[%swap3A_465, %swap3A_466, %swap3A_467], %swap3A_470 {strides = array<i32>} : memref<2x16x1600xf32, #tpu.memory_space<vmem>>, vector<1x1x16xf32>,
        %add3A_471 = arith.constant 350 : i32
        %add3A_472 = arith.addi %add3A_471, %shift_right_logical3A_356 : i32
        %get3A_473 = arith.constant 1 : i32
        %get3A_474 = arith.index_cast %get3A_473 : i32 to index
        %get3A_475 = arith.index_cast %add3A_472 : i32 to index
        %get3A_476 = arith.index_cast %and3A_358 : i32 to index
        %get3A_477 = tpu.vector_load %arg6[%get3A_474, %get3A_475, %get3A_476] {strides = array<i32>} : memref<2x800x32xf32, #tpu.memory_space<vmem>>, vector<1x1x16xf32>,
        %get3A_478 = vector.shape_cast %get3A_477 : vector<1x1x16xf32> to vector<16xf32>
        %swap3A_479 = arith.constant 1 : i32
        %swap3A_480 = arith.constant 7 : i32
        %swap3A_481 = arith.index_cast %swap3A_479 : i32 to index
        %swap3A_482 = arith.index_cast %swap3A_480 : i32 to index
        %swap3A_483 = arith.index_cast %mul3A_354 : i32 to index
        %swap3A_484 = tpu.vector_load %arg7[%swap3A_481, %swap3A_482, %swap3A_483] {strides = array<i32>} : memref<2x16x1600xf32, #tpu.memory_space<vmem>>, vector<1x1x16xf32>,
        %swap3A_485 = vector.shape_cast %swap3A_484 : vector<1x1x16xf32> to vector<16xf32>
        %swap3A_486 = vector.shape_cast %get3A_478 : vector<16xf32> to vector<1x1x16xf32>
        tpu.vector_store %arg7[%swap3A_481, %swap3A_482, %swap3A_483], %swap3A_486 {strides = array<i32>} : memref<2x16x1600xf32, #tpu.memory_space<vmem>>, vector<1x1x16xf32>,
        %add3A_487 = arith.constant 400 : i32
        %add3A_488 = arith.addi %add3A_487, %shift_right_logical3A_356 : i32
        %get3A_489 = arith.constant 1 : i32
        %get3A_490 = arith.index_cast %get3A_489 : i32 to index
        %get3A_491 = arith.index_cast %add3A_488 : i32 to index
        %get3A_492 = arith.index_cast %and3A_358 : i32 to index
        %get3A_493 = tpu.vector_load %arg6[%get3A_490, %get3A_491, %get3A_492] {strides = array<i32>} : memref<2x800x32xf32, #tpu.memory_space<vmem>>, vector<1x1x16xf32>,
        %get3A_494 = vector.shape_cast %get3A_493 : vector<1x1x16xf32> to vector<16xf32>
        %swap3A_495 = arith.constant 1 : i32
        %swap3A_496 = arith.constant 8 : i32
        %swap3A_497 = arith.index_cast %swap3A_495 : i32 to index
        %swap3A_498 = arith.index_cast %swap3A_496 : i32 to index
        %swap3A_499 = arith.index_cast %mul3A_354 : i32 to index
        %swap3A_500 = tpu.vector_load %arg7[%swap3A_497, %swap3A_498, %swap3A_499] {strides = array<i32>} : memref<2x16x1600xf32, #tpu.memory_space<vmem>>, vector<1x1x16xf32>,
        %swap3A_501 = vector.shape_cast %swap3A_500 : vector<1x1x16xf32> to vector<16xf32>
        %swap3A_502 = vector.shape_cast %get3A_494 : vector<16xf32> to vector<1x1x16xf32>
        tpu.vector_store %arg7[%swap3A_497, %swap3A_498, %swap3A_499], %swap3A_502 {strides = array<i32>} : memref<2x16x1600xf32, #tpu.memory_space<vmem>>, vector<1x1x16xf32>,
        %add3A_503 = arith.constant 450 : i32
        %add3A_504 = arith.addi %add3A_503, %shift_right_logical3A_356 : i32
        %get3A_505 = arith.constant 1 : i32
        %get3A_506 = arith.index_cast %get3A_505 : i32 to index
        %get3A_507 = arith.index_cast %add3A_504 : i32 to index
        %get3A_508 = arith.index_cast %and3A_358 : i32 to index
        %get3A_509 = tpu.vector_load %arg6[%get3A_506, %get3A_507, %get3A_508] {strides = array<i32>} : memref<2x800x32xf32, #tpu.memory_space<vmem>>, vector<1x1x16xf32>,
        %get3A_510 = vector.shape_cast %get3A_509 : vector<1x1x16xf32> to vector<16xf32>
        %swap3A_511 = arith.constant 1 : i32
        %swap3A_512 = arith.constant 9 : i32
        %swap3A_513 = arith.index_cast %swap3A_511 : i32 to index
        %swap3A_514 = arith.index_cast %swap3A_512 : i32 to index
        %swap3A_515 = arith.index_cast %mul3A_354 : i32 to index
        %swap3A_516 = tpu.vector_load %arg7[%swap3A_513, %swap3A_514, %swap3A_515] {strides = array<i32>} : memref<2x16x1600xf32, #tpu.memory_space<vmem>>, vector<1x1x16xf32>,
        %swap3A_517 = vector.shape_cast %swap3A_516 : vector<1x1x16xf32> to vector<16xf32>
        %swap3A_518 = vector.shape_cast %get3A_510 : vector<16xf32> to vector<1x1x16xf32>
        tpu.vector_store %arg7[%swap3A_513, %swap3A_514, %swap3A_515], %swap3A_518 {strides = array<i32>} : memref<2x16x1600xf32, #tpu.memory_space<vmem>>, vector<1x1x16xf32>,
        %add3A_519 = arith.constant 500 : i32
        %add3A_520 = arith.addi %add3A_519, %shift_right_logical3A_356 : i32
        %get3A_521 = arith.constant 1 : i32
        %get3A_522 = arith.index_cast %get3A_521 : i32 to index
        %get3A_523 = arith.index_cast %add3A_520 : i32 to index
        %get3A_524 = arith.index_cast %and3A_358 : i32 to index
        %get3A_525 = tpu.vector_load %arg6[%get3A_522, %get3A_523, %get3A_524] {strides = array<i32>} : memref<2x800x32xf32, #tpu.memory_space<vmem>>, vector<1x1x16xf32>,
        %get3A_526 = vector.shape_cast %get3A_525 : vector<1x1x16xf32> to vector<16xf32>
        %swap3A_527 = arith.constant 1 : i32
        %swap3A_528 = arith.constant 10 : i32
        %swap3A_529 = arith.index_cast %swap3A_527 : i32 to index
        %swap3A_530 = arith.index_cast %swap3A_528 : i32 to index
        %swap3A_531 = arith.index_cast %mul3A_354 : i32 to index
        %swap3A_532 = tpu.vector_load %arg7[%swap3A_529, %swap3A_530, %swap3A_531] {strides = array<i32>} : memref<2x16x1600xf32, #tpu.memory_space<vmem>>, vector<1x1x16xf32>,
        %swap3A_533 = vector.shape_cast %swap3A_532 : vector<1x1x16xf32> to vector<16xf32>
        %swap3A_534 = vector.shape_cast %get3A_526 : vector<16xf32> to vector<1x1x16xf32>
        tpu.vector_store %arg7[%swap3A_529, %swap3A_530, %swap3A_531], %swap3A_534 {strides = array<i32>} : memref<2x16x1600xf32, #tpu.memory_space<vmem>>, vector<1x1x16xf32>,
        %add3A_535 = arith.constant 550 : i32
        %add3A_536 = arith.addi %add3A_535, %shift_right_logical3A_356 : i32
        %get3A_537 = arith.constant 1 : i32
        %get3A_538 = arith.index_cast %get3A_537 : i32 to index
        %get3A_539 = arith.index_cast %add3A_536 : i32 to index
        %get3A_540 = arith.index_cast %and3A_358 : i32 to index
        %get3A_541 = tpu.vector_load %arg6[%get3A_538, %get3A_539, %get3A_540] {strides = array<i32>} : memref<2x800x32xf32, #tpu.memory_space<vmem>>, vector<1x1x16xf32>,
        %get3A_542 = vector.shape_cast %get3A_541 : vector<1x1x16xf32> to vector<16xf32>
        %swap3A_543 = arith.constant 1 : i32
        %swap3A_544 = arith.constant 11 : i32
        %swap3A_545 = arith.index_cast %swap3A_543 : i32 to index
        %swap3A_546 = arith.index_cast %swap3A_544 : i32 to index
        %swap3A_547 = arith.index_cast %mul3A_354 : i32 to index
        %swap3A_548 = tpu.vector_load %arg7[%swap3A_545, %swap3A_546, %swap3A_547] {strides = array<i32>} : memref<2x16x1600xf32, #tpu.memory_space<vmem>>, vector<1x1x16xf32>,
        %swap3A_549 = vector.shape_cast %swap3A_548 : vector<1x1x16xf32> to vector<16xf32>
        %swap3A_550 = vector.shape_cast %get3A_542 : vector<16xf32> to vector<1x1x16xf32>
        tpu.vector_store %arg7[%swap3A_545, %swap3A_546, %swap3A_547], %swap3A_550 {strides = array<i32>} : memref<2x16x1600xf32, #tpu.memory_space<vmem>>, vector<1x1x16xf32>,
        %add3A_551 = arith.constant 600 : i32
        %add3A_552 = arith.addi %add3A_551, %shift_right_logical3A_356 : i32
        %get3A_553 = arith.constant 1 : i32
        %get3A_554 = arith.index_cast %get3A_553 : i32 to index
        %get3A_555 = arith.index_cast %add3A_552 : i32 to index
        %get3A_556 = arith.index_cast %and3A_358 : i32 to index
        %get3A_557 = tpu.vector_load %arg6[%get3A_554, %get3A_555, %get3A_556] {strides = array<i32>} : memref<2x800x32xf32, #tpu.memory_space<vmem>>, vector<1x1x16xf32>,
        %get3A_558 = vector.shape_cast %get3A_557 : vector<1x1x16xf32> to vector<16xf32>
        %swap3A_559 = arith.constant 1 : i32
        %swap3A_560 = arith.constant 12 : i32
        %swap3A_561 = arith.index_cast %swap3A_559 : i32 to index
        %swap3A_562 = arith.index_cast %swap3A_560 : i32 to index
        %swap3A_563 = arith.index_cast %mul3A_354 : i32 to index
        %swap3A_564 = tpu.vector_load %arg7[%swap3A_561, %swap3A_562, %swap3A_563] {strides = array<i32>} : memref<2x16x1600xf32, #tpu.memory_space<vmem>>, vector<1x1x16xf32>,
        %swap3A_565 = vector.shape_cast %swap3A_564 : vector<1x1x16xf32> to vector<16xf32>
        %swap3A_566 = vector.shape_cast %get3A_558 : vector<16xf32> to vector<1x1x16xf32>
        tpu.vector_store %arg7[%swap3A_561, %swap3A_562, %swap3A_563], %swap3A_566 {strides = array<i32>} : memref<2x16x1600xf32, #tpu.memory_space<vmem>>, vector<1x1x16xf32>,
        %add3A_567 = arith.constant 650 : i32
        %add3A_568 = arith.addi %add3A_567, %shift_right_logical3A_356 : i32
        %get3A_569 = arith.constant 1 : i32
        %get3A_570 = arith.index_cast %get3A_569 : i32 to index
        %get3A_571 = arith.index_cast %add3A_568 : i32 to index
        %get3A_572 = arith.index_cast %and3A_358 : i32 to index
        %get3A_573 = tpu.vector_load %arg6[%get3A_570, %get3A_571, %get3A_572] {strides = array<i32>} : memref<2x800x32xf32, #tpu.memory_space<vmem>>, vector<1x1x16xf32>,
        %get3A_574 = vector.shape_cast %get3A_573 : vector<1x1x16xf32> to vector<16xf32>
        %swap3A_575 = arith.constant 1 : i32
        %swap3A_576 = arith.constant 13 : i32
        %swap3A_577 = arith.index_cast %swap3A_575 : i32 to index
        %swap3A_578 = arith.index_cast %swap3A_576 : i32 to index
        %swap3A_579 = arith.index_cast %mul3A_354 : i32 to index
        %swap3A_580 = tpu.vector_load %arg7[%swap3A_577, %swap3A_578, %swap3A_579] {strides = array<i32>} : memref<2x16x1600xf32, #tpu.memory_space<vmem>>, vector<1x1x16xf32>,
        %swap3A_581 = vector.shape_cast %swap3A_580 : vector<1x1x16xf32> to vector<16xf32>
        %swap3A_582 = vector.shape_cast %get3A_574 : vector<16xf32> to vector<1x1x16xf32>
        tpu.vector_store %arg7[%swap3A_577, %swap3A_578, %swap3A_579], %swap3A_582 {strides = array<i32>} : memref<2x16x1600xf32, #tpu.memory_space<vmem>>, vector<1x1x16xf32>,
        %add3A_583 = arith.constant 700 : i32
        %add3A_584 = arith.addi %add3A_583, %shift_right_logical3A_356 : i32
        %get3A_585 = arith.constant 1 : i32
        %get3A_586 = arith.index_cast %get3A_585 : i32 to index
        %get3A_587 = arith.index_cast %add3A_584 : i32 to index
        %get3A_588 = arith.index_cast %and3A_358 : i32 to index
        %get3A_589 = tpu.vector_load %arg6[%get3A_586, %get3A_587, %get3A_588] {strides = array<i32>} : memref<2x800x32xf32, #tpu.memory_space<vmem>>, vector<1x1x16xf32>,
        %get3A_590 = vector.shape_cast %get3A_589 : vector<1x1x16xf32> to vector<16xf32>
        %swap3A_591 = arith.constant 1 : i32
        %swap3A_592 = arith.constant 14 : i32
        %swap3A_593 = arith.index_cast %swap3A_591 : i32 to index
        %swap3A_594 = arith.index_cast %swap3A_592 : i32 to index
        %swap3A_595 = arith.index_cast %mul3A_354 : i32 to index
        %swap3A_596 = tpu.vector_load %arg7[%swap3A_593, %swap3A_594, %swap3A_595] {strides = array<i32>} : memref<2x16x1600xf32, #tpu.memory_space<vmem>>, vector<1x1x16xf32>,
        %swap3A_597 = vector.shape_cast %swap3A_596 : vector<1x1x16xf32> to vector<16xf32>
        %swap3A_598 = vector.shape_cast %get3A_590 : vector<16xf32> to vector<1x1x16xf32>
        tpu.vector_store %arg7[%swap3A_593, %swap3A_594, %swap3A_595], %swap3A_598 {strides = array<i32>} : memref<2x16x1600xf32, #tpu.memory_space<vmem>>, vector<1x1x16xf32>,
        %add3A_599 = arith.constant 750 : i32
        %add3A_600 = arith.addi %add3A_599, %shift_right_logical3A_356 : i32
        %get3A_601 = arith.constant 1 : i32
        %get3A_602 = arith.index_cast %get3A_601 : i32 to index
        %get3A_603 = arith.index_cast %add3A_600 : i32 to index
        %get3A_604 = arith.index_cast %and3A_358 : i32 to index
        %get3A_605 = tpu.vector_load %arg6[%get3A_602, %get3A_603, %get3A_604] {strides = array<i32>} : memref<2x800x32xf32, #tpu.memory_space<vmem>>, vector<1x1x16xf32>,
        %get3A_606 = vector.shape_cast %get3A_605 : vector<1x1x16xf32> to vector<16xf32>
        %swap3A_607 = arith.constant 1 : i32
        %swap3A_608 = arith.constant 15 : i32
        %swap3A_609 = arith.index_cast %swap3A_607 : i32 to index
        %swap3A_610 = arith.index_cast %swap3A_608 : i32 to index
        %swap3A_611 = arith.index_cast %mul3A_354 : i32 to index
        %swap3A_612 = tpu.vector_load %arg7[%swap3A_609, %swap3A_610, %swap3A_611] {strides = array<i32>} : memref<2x16x1600xf32, #tpu.memory_space<vmem>>, vector<1x1x16xf32>,
        %swap3A_613 = vector.shape_cast %swap3A_612 : vector<1x1x16xf32> to vector<16xf32>
        %swap3A_614 = vector.shape_cast %get3A_606 : vector<16xf32> to vector<1x1x16xf32>
        tpu.vector_store %arg7[%swap3A_609, %swap3A_610, %swap3A_611], %swap3A_614 {strides = array<i32>} : memref<2x16x1600xf32, #tpu.memory_space<vmem>>, vector<1x1x16xf32>,
        %scan3A_615 = arith.constant 2 : i32
        %scan3A_616 = arith.addi %scan3A_84, %scan3A_615 : i32
        %mul3A_617 = arith.constant 1 : i32
        %mul3A_618 = arith.muli %scan3A_616, %mul3A_617 : i32
        %add3A_619 = arith.constant 0 : i32
        %add3A_620 = arith.addi %add3A_619, %mul3A_618 : i32
        %mul3A_621 = arith.constant 16 : i32
        %mul3A_622 = arith.muli %add3A_620, %mul3A_621 : i32
        %shift_right_logical3A_623 = arith.constant 5 : i32
        %shift_right_logical3A_624 = arith.shrui %mul3A_622, %shift_right_logical3A_623 : i32
        %and3A_625 = arith.constant 31 : i32
        %and3A_626 = arith.andi %mul3A_622, %and3A_625 : i32
        %add3A_627 = arith.constant 0 : i32
        %add3A_628 = arith.addi %add3A_627, %shift_right_logical3A_624 : i32
        %get3A_629 = arith.constant 1 : i32
        %get3A_630 = arith.index_cast %get3A_629 : i32 to index
        %get3A_631 = arith.index_cast %add3A_628 : i32 to index
        %get3A_632 = arith.index_cast %and3A_626 : i32 to index
        %get3A_633 = tpu.vector_load %arg6[%get3A_630, %get3A_631, %get3A_632] {strides = array<i32>} : memref<2x800x32xf32, #tpu.memory_space<vmem>>, vector<1x1x16xf32>,
        %get3A_634 = vector.shape_cast %get3A_633 : vector<1x1x16xf32> to vector<16xf32>
        %swap3A_635 = arith.constant 1 : i32
        %swap3A_636 = arith.constant 0 : i32
        %swap3A_637 = arith.index_cast %swap3A_635 : i32 to index
        %swap3A_638 = arith.index_cast %swap3A_636 : i32 to index
        %swap3A_639 = arith.index_cast %mul3A_622 : i32 to index
        %swap3A_640 = tpu.vector_load %arg7[%swap3A_637, %swap3A_638, %swap3A_639] {strides = array<i32>} : memref<2x16x1600xf32, #tpu.memory_space<vmem>>, vector<1x1x16xf32>,
        %swap3A_641 = vector.shape_cast %swap3A_640 : vector<1x1x16xf32> to vector<16xf32>
        %swap3A_642 = vector.shape_cast %get3A_634 : vector<16xf32> to vector<1x1x16xf32>
        tpu.vector_store %arg7[%swap3A_637, %swap3A_638, %swap3A_639], %swap3A_642 {strides = array<i32>} : memref<2x16x1600xf32, #tpu.memory_space<vmem>>, vector<1x1x16xf32>,
        %add3A_643 = arith.constant 50 : i32
        %add3A_644 = arith.addi %add3A_643, %shift_right_logical3A_624 : i32
        %get3A_645 = arith.constant 1 : i32
        %get3A_646 = arith.index_cast %get3A_645 : i32 to index
        %get3A_647 = arith.index_cast %add3A_644 : i32 to index
        %get3A_648 = arith.index_cast %and3A_626 : i32 to index
        %get3A_649 = tpu.vector_load %arg6[%get3A_646, %get3A_647, %get3A_648] {strides = array<i32>} : memref<2x800x32xf32, #tpu.memory_space<vmem>>, vector<1x1x16xf32>,
        %get3A_650 = vector.shape_cast %get3A_649 : vector<1x1x16xf32> to vector<16xf32>
        %swap3A_651 = arith.constant 1 : i32
        %swap3A_652 = arith.constant 1 : i32
        %swap3A_653 = arith.index_cast %swap3A_651 : i32 to index
        %swap3A_654 = arith.index_cast %swap3A_652 : i32 to index
        %swap3A_655 = arith.index_cast %mul3A_622 : i32 to index
        %swap3A_656 = tpu.vector_load %arg7[%swap3A_653, %swap3A_654, %swap3A_655] {strides = array<i32>} : memref<2x16x1600xf32, #tpu.memory_space<vmem>>, vector<1x1x16xf32>,
        %swap3A_657 = vector.shape_cast %swap3A_656 : vector<1x1x16xf32> to vector<16xf32>
        %swap3A_658 = vector.shape_cast %get3A_650 : vector<16xf32> to vector<1x1x16xf32>
        tpu.vector_store %arg7[%swap3A_653, %swap3A_654, %swap3A_655], %swap3A_658 {strides = array<i32>} : memref<2x16x1600xf32, #tpu.memory_space<vmem>>, vector<1x1x16xf32>,
        %add3A_659 = arith.constant 100 : i32
        %add3A_660 = arith.addi %add3A_659, %shift_right_logical3A_624 : i32
        %get3A_661 = arith.constant 1 : i32
        %get3A_662 = arith.index_cast %get3A_661 : i32 to index
        %get3A_663 = arith.index_cast %add3A_660 : i32 to index
        %get3A_664 = arith.index_cast %and3A_626 : i32 to index
        %get3A_665 = tpu.vector_load %arg6[%get3A_662, %get3A_663, %get3A_664] {strides = array<i32>} : memref<2x800x32xf32, #tpu.memory_space<vmem>>, vector<1x1x16xf32>,
        %get3A_666 = vector.shape_cast %get3A_665 : vector<1x1x16xf32> to vector<16xf32>
        %swap3A_667 = arith.constant 1 : i32
        %swap3A_668 = arith.constant 2 : i32
        %swap3A_669 = arith.index_cast %swap3A_667 : i32 to index
        %swap3A_670 = arith.index_cast %swap3A_668 : i32 to index
        %swap3A_671 = arith.index_cast %mul3A_622 : i32 to index
        %swap3A_672 = tpu.vector_load %arg7[%swap3A_669, %swap3A_670, %swap3A_671] {strides = array<i32>} : memref<2x16x1600xf32, #tpu.memory_space<vmem>>, vector<1x1x16xf32>,
        %swap3A_673 = vector.shape_cast %swap3A_672 : vector<1x1x16xf32> to vector<16xf32>
        %swap3A_674 = vector.shape_cast %get3A_666 : vector<16xf32> to vector<1x1x16xf32>
        tpu.vector_store %arg7[%swap3A_669, %swap3A_670, %swap3A_671], %swap3A_674 {strides = array<i32>} : memref<2x16x1600xf32, #tpu.memory_space<vmem>>, vector<1x1x16xf32>,
        %add3A_675 = arith.constant 150 : i32
        %add3A_676 = arith.addi %add3A_675, %shift_right_logical3A_624 : i32
        %get3A_677 = arith.constant 1 : i32
        %get3A_678 = arith.index_cast %get3A_677 : i32 to index
        %get3A_679 = arith.index_cast %add3A_676 : i32 to index
        %get3A_680 = arith.index_cast %and3A_626 : i32 to index
        %get3A_681 = tpu.vector_load %arg6[%get3A_678, %get3A_679, %get3A_680] {strides = array<i32>} : memref<2x800x32xf32, #tpu.memory_space<vmem>>, vector<1x1x16xf32>,
        %get3A_682 = vector.shape_cast %get3A_681 : vector<1x1x16xf32> to vector<16xf32>
        %swap3A_683 = arith.constant 1 : i32
        %swap3A_684 = arith.constant 3 : i32
        %swap3A_685 = arith.index_cast %swap3A_683 : i32 to index
        %swap3A_686 = arith.index_cast %swap3A_684 : i32 to index
        %swap3A_687 = arith.index_cast %mul3A_622 : i32 to index
        %swap3A_688 = tpu.vector_load %arg7[%swap3A_685, %swap3A_686, %swap3A_687] {strides = array<i32>} : memref<2x16x1600xf32, #tpu.memory_space<vmem>>, vector<1x1x16xf32>,
        %swap3A_689 = vector.shape_cast %swap3A_688 : vector<1x1x16xf32> to vector<16xf32>
        %swap3A_690 = vector.shape_cast %get3A_682 : vector<16xf32> to vector<1x1x16xf32>
        tpu.vector_store %arg7[%swap3A_685, %swap3A_686, %swap3A_687], %swap3A_690 {strides = array<i32>} : memref<2x16x1600xf32, #tpu.memory_space<vmem>>, vector<1x1x16xf32>,
        %add3A_691 = arith.constant 200 : i32
        %add3A_692 = arith.addi %add3A_691, %shift_right_logical3A_624 : i32
        %get3A_693 = arith.constant 1 : i32
        %get3A_694 = arith.index_cast %get3A_693 : i32 to index
        %get3A_695 = arith.index_cast %add3A_692 : i32 to index
        %get3A_696 = arith.index_cast %and3A_626 : i32 to index
        %get3A_697 = tpu.vector_load %arg6[%get3A_694, %get3A_695, %get3A_696] {strides = array<i32>} : memref<2x800x32xf32, #tpu.memory_space<vmem>>, vector<1x1x16xf32>,
        %get3A_698 = vector.shape_cast %get3A_697 : vector<1x1x16xf32> to vector<16xf32>
        %swap3A_699 = arith.constant 1 : i32
        %swap3A_700 = arith.constant 4 : i32
        %swap3A_701 = arith.index_cast %swap3A_699 : i32 to index
        %swap3A_702 = arith.index_cast %swap3A_700 : i32 to index
        %swap3A_703 = arith.index_cast %mul3A_622 : i32 to index
        %swap3A_704 = tpu.vector_load %arg7[%swap3A_701, %swap3A_702, %swap3A_703] {strides = array<i32>} : memref<2x16x1600xf32, #tpu.memory_space<vmem>>, vector<1x1x16xf32>,
        %swap3A_705 = vector.shape_cast %swap3A_704 : vector<1x1x16xf32> to vector<16xf32>
        %swap3A_706 = vector.shape_cast %get3A_698 : vector<16xf32> to vector<1x1x16xf32>
        tpu.vector_store %arg7[%swap3A_701, %swap3A_702, %swap3A_703], %swap3A_706 {strides = array<i32>} : memref<2x16x1600xf32, #tpu.memory_space<vmem>>, vector<1x1x16xf32>,
        %add3A_707 = arith.constant 250 : i32
        %add3A_708 = arith.addi %add3A_707, %shift_right_logical3A_624 : i32
        %get3A_709 = arith.constant 1 : i32
        %get3A_710 = arith.index_cast %get3A_709 : i32 to index
        %get3A_711 = arith.index_cast %add3A_708 : i32 to index
        %get3A_712 = arith.index_cast %and3A_626 : i32 to index
        %get3A_713 = tpu.vector_load %arg6[%get3A_710, %get3A_711, %get3A_712] {strides = array<i32>} : memref<2x800x32xf32, #tpu.memory_space<vmem>>, vector<1x1x16xf32>,
        %get3A_714 = vector.shape_cast %get3A_713 : vector<1x1x16xf32> to vector<16xf32>
        %swap3A_715 = arith.constant 1 : i32
        %swap3A_716 = arith.constant 5 : i32
        %swap3A_717 = arith.index_cast %swap3A_715 : i32 to index
        %swap3A_718 = arith.index_cast %swap3A_716 : i32 to index
        %swap3A_719 = arith.index_cast %mul3A_622 : i32 to index
        %swap3A_720 = tpu.vector_load %arg7[%swap3A_717, %swap3A_718, %swap3A_719] {strides = array<i32>} : memref<2x16x1600xf32, #tpu.memory_space<vmem>>, vector<1x1x16xf32>,
        %swap3A_721 = vector.shape_cast %swap3A_720 : vector<1x1x16xf32> to vector<16xf32>
        %swap3A_722 = vector.shape_cast %get3A_714 : vector<16xf32> to vector<1x1x16xf32>
        tpu.vector_store %arg7[%swap3A_717, %swap3A_718, %swap3A_719], %swap3A_722 {strides = array<i32>} : memref<2x16x1600xf32, #tpu.memory_space<vmem>>, vector<1x1x16xf32>,
        %add3A_723 = arith.constant 300 : i32
        %add3A_724 = arith.addi %add3A_723, %shift_right_logical3A_624 : i32
        %get3A_725 = arith.constant 1 : i32
        %get3A_726 = arith.index_cast %get3A_725 : i32 to index
        %get3A_727 = arith.index_cast %add3A_724 : i32 to index
        %get3A_728 = arith.index_cast %and3A_626 : i32 to index
        %get3A_729 = tpu.vector_load %arg6[%get3A_726, %get3A_727, %get3A_728] {strides = array<i32>} : memref<2x800x32xf32, #tpu.memory_space<vmem>>, vector<1x1x16xf32>,
        %get3A_730 = vector.shape_cast %get3A_729 : vector<1x1x16xf32> to vector<16xf32>
        %swap3A_731 = arith.constant 1 : i32
        %swap3A_732 = arith.constant 6 : i32
        %swap3A_733 = arith.index_cast %swap3A_731 : i32 to index
        %swap3A_734 = arith.index_cast %swap3A_732 : i32 to index
        %swap3A_735 = arith.index_cast %mul3A_622 : i32 to index
        %swap3A_736 = tpu.vector_load %arg7[%swap3A_733, %swap3A_734, %swap3A_735] {strides = array<i32>} : memref<2x16x1600xf32, #tpu.memory_space<vmem>>, vector<1x1x16xf32>,
        %swap3A_737 = vector.shape_cast %swap3A_736 : vector<1x1x16xf32> to vector<16xf32>
        %swap3A_738 = vector.shape_cast %get3A_730 : vector<16xf32> to vector<1x1x16xf32>
        tpu.vector_store %arg7[%swap3A_733, %swap3A_734, %swap3A_735], %swap3A_738 {strides = array<i32>} : memref<2x16x1600xf32, #tpu.memory_space<vmem>>, vector<1x1x16xf32>,
        %add3A_739 = arith.constant 350 : i32
        %add3A_740 = arith.addi %add3A_739, %shift_right_logical3A_624 : i32
        %get3A_741 = arith.constant 1 : i32
        %get3A_742 = arith.index_cast %get3A_741 : i32 to index
        %get3A_743 = arith.index_cast %add3A_740 : i32 to index
        %get3A_744 = arith.index_cast %and3A_626 : i32 to index
        %get3A_745 = tpu.vector_load %arg6[%get3A_742, %get3A_743, %get3A_744] {strides = array<i32>} : memref<2x800x32xf32, #tpu.memory_space<vmem>>, vector<1x1x16xf32>,
        %get3A_746 = vector.shape_cast %get3A_745 : vector<1x1x16xf32> to vector<16xf32>
        %swap3A_747 = arith.constant 1 : i32
        %swap3A_748 = arith.constant 7 : i32
        %swap3A_749 = arith.index_cast %swap3A_747 : i32 to index
        %swap3A_750 = arith.index_cast %swap3A_748 : i32 to index
        %swap3A_751 = arith.index_cast %mul3A_622 : i32 to index
        %swap3A_752 = tpu.vector_load %arg7[%swap3A_749, %swap3A_750, %swap3A_751] {strides = array<i32>} : memref<2x16x1600xf32, #tpu.memory_space<vmem>>, vector<1x1x16xf32>,
        %swap3A_753 = vector.shape_cast %swap3A_752 : vector<1x1x16xf32> to vector<16xf32>
        %swap3A_754 = vector.shape_cast %get3A_746 : vector<16xf32> to vector<1x1x16xf32>
        tpu.vector_store %arg7[%swap3A_749, %swap3A_750, %swap3A_751], %swap3A_754 {strides = array<i32>} : memref<2x16x1600xf32, #tpu.memory_space<vmem>>, vector<1x1x16xf32>,
        %add3A_755 = arith.constant 400 : i32
        %add3A_756 = arith.addi %add3A_755, %shift_right_logical3A_624 : i32
        %get3A_757 = arith.constant 1 : i32
        %get3A_758 = arith.index_cast %get3A_757 : i32 to index
        %get3A_759 = arith.index_cast %add3A_756 : i32 to index
        %get3A_760 = arith.index_cast %and3A_626 : i32 to index
        %get3A_761 = tpu.vector_load %arg6[%get3A_758, %get3A_759, %get3A_760] {strides = array<i32>} : memref<2x800x32xf32, #tpu.memory_space<vmem>>, vector<1x1x16xf32>,
        %get3A_762 = vector.shape_cast %get3A_761 : vector<1x1x16xf32> to vector<16xf32>
        %swap3A_763 = arith.constant 1 : i32
        %swap3A_764 = arith.constant 8 : i32
        %swap3A_765 = arith.index_cast %swap3A_763 : i32 to index
        %swap3A_766 = arith.index_cast %swap3A_764 : i32 to index
        %swap3A_767 = arith.index_cast %mul3A_622 : i32 to index
        %swap3A_768 = tpu.vector_load %arg7[%swap3A_765, %swap3A_766, %swap3A_767] {strides = array<i32>} : memref<2x16x1600xf32, #tpu.memory_space<vmem>>, vector<1x1x16xf32>,
        %swap3A_769 = vector.shape_cast %swap3A_768 : vector<1x1x16xf32> to vector<16xf32>
        %swap3A_770 = vector.shape_cast %get3A_762 : vector<16xf32> to vector<1x1x16xf32>
        tpu.vector_store %arg7[%swap3A_765, %swap3A_766, %swap3A_767], %swap3A_770 {strides = array<i32>} : memref<2x16x1600xf32, #tpu.memory_space<vmem>>, vector<1x1x16xf32>,
        %add3A_771 = arith.constant 450 : i32
        %add3A_772 = arith.addi %add3A_771, %shift_right_logical3A_624 : i32
        %get3A_773 = arith.constant 1 : i32
        %get3A_774 = arith.index_cast %get3A_773 : i32 to index
        %get3A_775 = arith.index_cast %add3A_772 : i32 to index
        %get3A_776 = arith.index_cast %and3A_626 : i32 to index
        %get3A_777 = tpu.vector_load %arg6[%get3A_774, %get3A_775, %get3A_776] {strides = array<i32>} : memref<2x800x32xf32, #tpu.memory_space<vmem>>, vector<1x1x16xf32>,
        %get3A_778 = vector.shape_cast %get3A_777 : vector<1x1x16xf32> to vector<16xf32>
        %swap3A_779 = arith.constant 1 : i32
        %swap3A_780 = arith.constant 9 : i32
        %swap3A_781 = arith.index_cast %swap3A_779 : i32 to index
        %swap3A_782 = arith.index_cast %swap3A_780 : i32 to index
        %swap3A_783 = arith.index_cast %mul3A_622 : i32 to index
        %swap3A_784 = tpu.vector_load %arg7[%swap3A_781, %swap3A_782, %swap3A_783] {strides = array<i32>} : memref<2x16x1600xf32, #tpu.memory_space<vmem>>, vector<1x1x16xf32>,
        %swap3A_785 = vector.shape_cast %swap3A_784 : vector<1x1x16xf32> to vector<16xf32>
        %swap3A_786 = vector.shape_cast %get3A_778 : vector<16xf32> to vector<1x1x16xf32>
        tpu.vector_store %arg7[%swap3A_781, %swap3A_782, %swap3A_783], %swap3A_786 {strides = array<i32>} : memref<2x16x1600xf32, #tpu.memory_space<vmem>>, vector<1x1x16xf32>,
        %add3A_787 = arith.constant 500 : i32
        %add3A_788 = arith.addi %add3A_787, %shift_right_logical3A_624 : i32
        %get3A_789 = arith.constant 1 : i32
        %get3A_790 = arith.index_cast %get3A_789 : i32 to index
        %get3A_791 = arith.index_cast %add3A_788 : i32 to index
        %get3A_792 = arith.index_cast %and3A_626 : i32 to index
        %get3A_793 = tpu.vector_load %arg6[%get3A_790, %get3A_791, %get3A_792] {strides = array<i32>} : memref<2x800x32xf32, #tpu.memory_space<vmem>>, vector<1x1x16xf32>,
        %get3A_794 = vector.shape_cast %get3A_793 : vector<1x1x16xf32> to vector<16xf32>
        %swap3A_795 = arith.constant 1 : i32
        %swap3A_796 = arith.constant 10 : i32
        %swap3A_797 = arith.index_cast %swap3A_795 : i32 to index
        %swap3A_798 = arith.index_cast %swap3A_796 : i32 to index
        %swap3A_799 = arith.index_cast %mul3A_622 : i32 to index
        %swap3A_800 = tpu.vector_load %arg7[%swap3A_797, %swap3A_798, %swap3A_799] {strides = array<i32>} : memref<2x16x1600xf32, #tpu.memory_space<vmem>>, vector<1x1x16xf32>,
        %swap3A_801 = vector.shape_cast %swap3A_800 : vector<1x1x16xf32> to vector<16xf32>
        %swap3A_802 = vector.shape_cast %get3A_794 : vector<16xf32> to vector<1x1x16xf32>
        tpu.vector_store %arg7[%swap3A_797, %swap3A_798, %swap3A_799], %swap3A_802 {strides = array<i32>} : memref<2x16x1600xf32, #tpu.memory_space<vmem>>, vector<1x1x16xf32>,
        %add3A_803 = arith.constant 550 : i32
        %add3A_804 = arith.addi %add3A_803, %shift_right_logical3A_624 : i32
        %get3A_805 = arith.constant 1 : i32
        %get3A_806 = arith.index_cast %get3A_805 : i32 to index
        %get3A_807 = arith.index_cast %add3A_804 : i32 to index
        %get3A_808 = arith.index_cast %and3A_626 : i32 to index
        %get3A_809 = tpu.vector_load %arg6[%get3A_806, %get3A_807, %get3A_808] {strides = array<i32>} : memref<2x800x32xf32, #tpu.memory_space<vmem>>, vector<1x1x16xf32>,
        %get3A_810 = vector.shape_cast %get3A_809 : vector<1x1x16xf32> to vector<16xf32>
        %swap3A_811 = arith.constant 1 : i32
        %swap3A_812 = arith.constant 11 : i32
        %swap3A_813 = arith.index_cast %swap3A_811 : i32 to index
        %swap3A_814 = arith.index_cast %swap3A_812 : i32 to index
        %swap3A_815 = arith.index_cast %mul3A_622 : i32 to index
        %swap3A_816 = tpu.vector_load %arg7[%swap3A_813, %swap3A_814, %swap3A_815] {strides = array<i32>} : memref<2x16x1600xf32, #tpu.memory_space<vmem>>, vector<1x1x16xf32>,
        %swap3A_817 = vector.shape_cast %swap3A_816 : vector<1x1x16xf32> to vector<16xf32>
        %swap3A_818 = vector.shape_cast %get3A_810 : vector<16xf32> to vector<1x1x16xf32>
        tpu.vector_store %arg7[%swap3A_813, %swap3A_814, %swap3A_815], %swap3A_818 {strides = array<i32>} : memref<2x16x1600xf32, #tpu.memory_space<vmem>>, vector<1x1x16xf32>,
        %add3A_819 = arith.constant 600 : i32
        %add3A_820 = arith.addi %add3A_819, %shift_right_logical3A_624 : i32
        %get3A_821 = arith.constant 1 : i32
        %get3A_822 = arith.index_cast %get3A_821 : i32 to index
        %get3A_823 = arith.index_cast %add3A_820 : i32 to index
        %get3A_824 = arith.index_cast %and3A_626 : i32 to index
        %get3A_825 = tpu.vector_load %arg6[%get3A_822, %get3A_823, %get3A_824] {strides = array<i32>} : memref<2x800x32xf32, #tpu.memory_space<vmem>>, vector<1x1x16xf32>,
        %get3A_826 = vector.shape_cast %get3A_825 : vector<1x1x16xf32> to vector<16xf32>
        %swap3A_827 = arith.constant 1 : i32
        %swap3A_828 = arith.constant 12 : i32
        %swap3A_829 = arith.index_cast %swap3A_827 : i32 to index
        %swap3A_830 = arith.index_cast %swap3A_828 : i32 to index
        %swap3A_831 = arith.index_cast %mul3A_622 : i32 to index
        %swap3A_832 = tpu.vector_load %arg7[%swap3A_829, %swap3A_830, %swap3A_831] {strides = array<i32>} : memref<2x16x1600xf32, #tpu.memory_space<vmem>>, vector<1x1x16xf32>,
        %swap3A_833 = vector.shape_cast %swap3A_832 : vector<1x1x16xf32> to vector<16xf32>
        %swap3A_834 = vector.shape_cast %get3A_826 : vector<16xf32> to vector<1x1x16xf32>
        tpu.vector_store %arg7[%swap3A_829, %swap3A_830, %swap3A_831], %swap3A_834 {strides = array<i32>} : memref<2x16x1600xf32, #tpu.memory_space<vmem>>, vector<1x1x16xf32>,
        %add3A_835 = arith.constant 650 : i32
        %add3A_836 = arith.addi %add3A_835, %shift_right_logical3A_624 : i32
        %get3A_837 = arith.constant 1 : i32
        %get3A_838 = arith.index_cast %get3A_837 : i32 to index
        %get3A_839 = arith.index_cast %add3A_836 : i32 to index
        %get3A_840 = arith.index_cast %and3A_626 : i32 to index
        %get3A_841 = tpu.vector_load %arg6[%get3A_838, %get3A_839, %get3A_840] {strides = array<i32>} : memref<2x800x32xf32, #tpu.memory_space<vmem>>, vector<1x1x16xf32>,
        %get3A_842 = vector.shape_cast %get3A_841 : vector<1x1x16xf32> to vector<16xf32>
        %swap3A_843 = arith.constant 1 : i32
        %swap3A_844 = arith.constant 13 : i32
        %swap3A_845 = arith.index_cast %swap3A_843 : i32 to index
        %swap3A_846 = arith.index_cast %swap3A_844 : i32 to index
        %swap3A_847 = arith.index_cast %mul3A_622 : i32 to index
        %swap3A_848 = tpu.vector_load %arg7[%swap3A_845, %swap3A_846, %swap3A_847] {strides = array<i32>} : memref<2x16x1600xf32, #tpu.memory_space<vmem>>, vector<1x1x16xf32>,
        %swap3A_849 = vector.shape_cast %swap3A_848 : vector<1x1x16xf32> to vector<16xf32>
        %swap3A_850 = vector.shape_cast %get3A_842 : vector<16xf32> to vector<1x1x16xf32>
        tpu.vector_store %arg7[%swap3A_845, %swap3A_846, %swap3A_847], %swap3A_850 {strides = array<i32>} : memref<2x16x1600xf32, #tpu.memory_space<vmem>>, vector<1x1x16xf32>,
        %add3A_851 = arith.constant 700 : i32
        %add3A_852 = arith.addi %add3A_851, %shift_right_logical3A_624 : i32
        %get3A_853 = arith.constant 1 : i32
        %get3A_854 = arith.index_cast %get3A_853 : i32 to index
        %get3A_855 = arith.index_cast %add3A_852 : i32 to index
        %get3A_856 = arith.index_cast %and3A_626 : i32 to index
        %get3A_857 = tpu.vector_load %arg6[%get3A_854, %get3A_855, %get3A_856] {strides = array<i32>} : memref<2x800x32xf32, #tpu.memory_space<vmem>>, vector<1x1x16xf32>,
        %get3A_858 = vector.shape_cast %get3A_857 : vector<1x1x16xf32> to vector<16xf32>
        %swap3A_859 = arith.constant 1 : i32
        %swap3A_860 = arith.constant 14 : i32
        %swap3A_861 = arith.index_cast %swap3A_859 : i32 to index
        %swap3A_862 = arith.index_cast %swap3A_860 : i32 to index
        %swap3A_863 = arith.index_cast %mul3A_622 : i32 to index
        %swap3A_864 = tpu.vector_load %arg7[%swap3A_861, %swap3A_862, %swap3A_863] {strides = array<i32>} : memref<2x16x1600xf32, #tpu.memory_space<vmem>>, vector<1x1x16xf32>,
        %swap3A_865 = vector.shape_cast %swap3A_864 : vector<1x1x16xf32> to vector<16xf32>
        %swap3A_866 = vector.shape_cast %get3A_858 : vector<16xf32> to vector<1x1x16xf32>
        tpu.vector_store %arg7[%swap3A_861, %swap3A_862, %swap3A_863], %swap3A_866 {strides = array<i32>} : memref<2x16x1600xf32, #tpu.memory_space<vmem>>, vector<1x1x16xf32>,
        %add3A_867 = arith.constant 750 : i32
        %add3A_868 = arith.addi %add3A_867, %shift_right_logical3A_624 : i32
        %get3A_869 = arith.constant 1 : i32
        %get3A_870 = arith.index_cast %get3A_869 : i32 to index
        %get3A_871 = arith.index_cast %add3A_868 : i32 to index
        %get3A_872 = arith.index_cast %and3A_626 : i32 to index
        %get3A_873 = tpu.vector_load %arg6[%get3A_870, %get3A_871, %get3A_872] {strides = array<i32>} : memref<2x800x32xf32, #tpu.memory_space<vmem>>, vector<1x1x16xf32>,
        %get3A_874 = vector.shape_cast %get3A_873 : vector<1x1x16xf32> to vector<16xf32>
        %swap3A_875 = arith.constant 1 : i32
        %swap3A_876 = arith.constant 15 : i32
        %swap3A_877 = arith.index_cast %swap3A_875 : i32 to index
        %swap3A_878 = arith.index_cast %swap3A_876 : i32 to index
        %swap3A_879 = arith.index_cast %mul3A_622 : i32 to index
        %swap3A_880 = tpu.vector_load %arg7[%swap3A_877, %swap3A_878, %swap3A_879] {strides = array<i32>} : memref<2x16x1600xf32, #tpu.memory_space<vmem>>, vector<1x1x16xf32>,
        %swap3A_881 = vector.shape_cast %swap3A_880 : vector<1x1x16xf32> to vector<16xf32>
        %swap3A_882 = vector.shape_cast %get3A_874 : vector<16xf32> to vector<1x1x16xf32>
        tpu.vector_store %arg7[%swap3A_877, %swap3A_878, %swap3A_879], %swap3A_882 {strides = array<i32>} : memref<2x16x1600xf32, #tpu.memory_space<vmem>>, vector<1x1x16xf32>,
        %scan3A_883 = arith.constant 3 : i32
        %scan3A_884 = arith.addi %scan3A_84, %scan3A_883 : i32
        %mul3A_885 = arith.constant 1 : i32
        %mul3A_886 = arith.muli %scan3A_884, %mul3A_885 : i32
        %add3A_887 = arith.constant 0 : i32
        %add3A_888 = arith.addi %add3A_887, %mul3A_886 : i32
        %mul3A_889 = arith.constant 16 : i32
        %mul3A_890 = arith.muli %add3A_888, %mul3A_889 : i32
        %shift_right_logical3A_891 = arith.constant 5 : i32
        %shift_right_logical3A_892 = arith.shrui %mul3A_890, %shift_right_logical3A_891 : i32
        %and3A_893 = arith.constant 31 : i32
        %and3A_894 = arith.andi %mul3A_890, %and3A_893 : i32
        %add3A_895 = arith.constant 0 : i32
        %add3A_896 = arith.addi %add3A_895, %shift_right_logical3A_892 : i32
        %get3A_897 = arith.constant 1 : i32
        %get3A_898 = arith.index_cast %get3A_897 : i32 to index
        %get3A_899 = arith.index_cast %add3A_896 : i32 to index
        %get3A_900 = arith.index_cast %and3A_894 : i32 to index
        %get3A_901 = tpu.vector_load %arg6[%get3A_898, %get3A_899, %get3A_900] {strides = array<i32>} : memref<2x800x32xf32, #tpu.memory_space<vmem>>, vector<1x1x16xf32>,
        %get3A_902 = vector.shape_cast %get3A_901 : vector<1x1x16xf32> to vector<16xf32>
        %swap3A_903 = arith.constant 1 : i32
        %swap3A_904 = arith.constant 0 : i32
        %swap3A_905 = arith.index_cast %swap3A_903 : i32 to index
        %swap3A_906 = arith.index_cast %swap3A_904 : i32 to index
        %swap3A_907 = arith.index_cast %mul3A_890 : i32 to index
        %swap3A_908 = tpu.vector_load %arg7[%swap3A_905, %swap3A_906, %swap3A_907] {strides = array<i32>} : memref<2x16x1600xf32, #tpu.memory_space<vmem>>, vector<1x1x16xf32>,
        %swap3A_909 = vector.shape_cast %swap3A_908 : vector<1x1x16xf32> to vector<16xf32>
        %swap3A_910 = vector.shape_cast %get3A_902 : vector<16xf32> to vector<1x1x16xf32>
        tpu.vector_store %arg7[%swap3A_905, %swap3A_906, %swap3A_907], %swap3A_910 {strides = array<i32>} : memref<2x16x1600xf32, #tpu.memory_space<vmem>>, vector<1x1x16xf32>,
        %add3A_911 = arith.constant 50 : i32
        %add3A_912 = arith.addi %add3A_911, %shift_right_logical3A_892 : i32
        %get3A_913 = arith.constant 1 : i32
        %get3A_914 = arith.index_cast %get3A_913 : i32 to index
        %get3A_915 = arith.index_cast %add3A_912 : i32 to index
        %get3A_916 = arith.index_cast %and3A_894 : i32 to index
        %get3A_917 = tpu.vector_load %arg6[%get3A_914, %get3A_915, %get3A_916] {strides = array<i32>} : memref<2x800x32xf32, #tpu.memory_space<vmem>>, vector<1x1x16xf32>,
        %get3A_918 = vector.shape_cast %get3A_917 : vector<1x1x16xf32> to vector<16xf32>
        %swap3A_919 = arith.constant 1 : i32
        %swap3A_920 = arith.constant 1 : i32
        %swap3A_921 = arith.index_cast %swap3A_919 : i32 to index
        %swap3A_922 = arith.index_cast %swap3A_920 : i32 to index
        %swap3A_923 = arith.index_cast %mul3A_890 : i32 to index
        %swap3A_924 = tpu.vector_load %arg7[%swap3A_921, %swap3A_922, %swap3A_923] {strides = array<i32>} : memref<2x16x1600xf32, #tpu.memory_space<vmem>>, vector<1x1x16xf32>,
        %swap3A_925 = vector.shape_cast %swap3A_924 : vector<1x1x16xf32> to vector<16xf32>
        %swap3A_926 = vector.shape_cast %get3A_918 : vector<16xf32> to vector<1x1x16xf32>
        tpu.vector_store %arg7[%swap3A_921, %swap3A_922, %swap3A_923], %swap3A_926 {strides = array<i32>} : memref<2x16x1600xf32, #tpu.memory_space<vmem>>, vector<1x1x16xf32>,
        %add3A_927 = arith.constant 100 : i32
        %add3A_928 = arith.addi %add3A_927, %shift_right_logical3A_892 : i32
        %get3A_929 = arith.constant 1 : i32
        %get3A_930 = arith.index_cast %get3A_929 : i32 to index
        %get3A_931 = arith.index_cast %add3A_928 : i32 to index
        %get3A_932 = arith.index_cast %and3A_894 : i32 to index
        %get3A_933 = tpu.vector_load %arg6[%get3A_930, %get3A_931, %get3A_932] {strides = array<i32>} : memref<2x800x32xf32, #tpu.memory_space<vmem>>, vector<1x1x16xf32>,
        %get3A_934 = vector.shape_cast %get3A_933 : vector<1x1x16xf32> to vector<16xf32>
        %swap3A_935 = arith.constant 1 : i32
        %swap3A_936 = arith.constant 2 : i32
        %swap3A_937 = arith.index_cast %swap3A_935 : i32 to index
        %swap3A_938 = arith.index_cast %swap3A_936 : i32 to index
        %swap3A_939 = arith.index_cast %mul3A_890 : i32 to index
        %swap3A_940 = tpu.vector_load %arg7[%swap3A_937, %swap3A_938, %swap3A_939] {strides = array<i32>} : memref<2x16x1600xf32, #tpu.memory_space<vmem>>, vector<1x1x16xf32>,
        %swap3A_941 = vector.shape_cast %swap3A_940 : vector<1x1x16xf32> to vector<16xf32>
        %swap3A_942 = vector.shape_cast %get3A_934 : vector<16xf32> to vector<1x1x16xf32>
        tpu.vector_store %arg7[%swap3A_937, %swap3A_938, %swap3A_939], %swap3A_942 {strides = array<i32>} : memref<2x16x1600xf32, #tpu.memory_space<vmem>>, vector<1x1x16xf32>,
        %add3A_943 = arith.constant 150 : i32
        %add3A_944 = arith.addi %add3A_943, %shift_right_logical3A_892 : i32
        %get3A_945 = arith.constant 1 : i32
        %get3A_946 = arith.index_cast %get3A_945 : i32 to index
        %get3A_947 = arith.index_cast %add3A_944 : i32 to index
        %get3A_948 = arith.index_cast %and3A_894 : i32 to index
        %get3A_949 = tpu.vector_load %arg6[%get3A_946, %get3A_947, %get3A_948] {strides = array<i32>} : memref<2x800x32xf32, #tpu.memory_space<vmem>>, vector<1x1x16xf32>,
        %get3A_950 = vector.shape_cast %get3A_949 : vector<1x1x16xf32> to vector<16xf32>
        %swap3A_951 = arith.constant 1 : i32
        %swap3A_952 = arith.constant 3 : i32
        %swap3A_953 = arith.index_cast %swap3A_951 : i32 to index
        %swap3A_954 = arith.index_cast %swap3A_952 : i32 to index
        %swap3A_955 = arith.index_cast %mul3A_890 : i32 to index
        %swap3A_956 = tpu.vector_load %arg7[%swap3A_953, %swap3A_954, %swap3A_955] {strides = array<i32>} : memref<2x16x1600xf32, #tpu.memory_space<vmem>>, vector<1x1x16xf32>,
        %swap3A_957 = vector.shape_cast %swap3A_956 : vector<1x1x16xf32> to vector<16xf32>
        %swap3A_958 = vector.shape_cast %get3A_950 : vector<16xf32> to vector<1x1x16xf32>
        tpu.vector_store %arg7[%swap3A_953, %swap3A_954, %swap3A_955], %swap3A_958 {strides = array<i32>} : memref<2x16x1600xf32, #tpu.memory_space<vmem>>, vector<1x1x16xf32>,
        %add3A_959 = arith.constant 200 : i32
        %add3A_960 = arith.addi %add3A_959, %shift_right_logical3A_892 : i32
        %get3A_961 = arith.constant 1 : i32
        %get3A_962 = arith.index_cast %get3A_961 : i32 to index
        %get3A_963 = arith.index_cast %add3A_960 : i32 to index
        %get3A_964 = arith.index_cast %and3A_894 : i32 to index
        %get3A_965 = tpu.vector_load %arg6[%get3A_962, %get3A_963, %get3A_964] {strides = array<i32>} : memref<2x800x32xf32, #tpu.memory_space<vmem>>, vector<1x1x16xf32>,
        %get3A_966 = vector.shape_cast %get3A_965 : vector<1x1x16xf32> to vector<16xf32>
        %swap3A_967 = arith.constant 1 : i32
        %swap3A_968 = arith.constant 4 : i32
        %swap3A_969 = arith.index_cast %swap3A_967 : i32 to index
        %swap3A_970 = arith.index_cast %swap3A_968 : i32 to index
        %swap3A_971 = arith.index_cast %mul3A_890 : i32 to index
        %swap3A_972 = tpu.vector_load %arg7[%swap3A_969, %swap3A_970, %swap3A_971] {strides = array<i32>} : memref<2x16x1600xf32, #tpu.memory_space<vmem>>, vector<1x1x16xf32>,
        %swap3A_973 = vector.shape_cast %swap3A_972 : vector<1x1x16xf32> to vector<16xf32>
        %swap3A_974 = vector.shape_cast %get3A_966 : vector<16xf32> to vector<1x1x16xf32>
        tpu.vector_store %arg7[%swap3A_969, %swap3A_970, %swap3A_971], %swap3A_974 {strides = array<i32>} : memref<2x16x1600xf32, #tpu.memory_space<vmem>>, vector<1x1x16xf32>,
        %add3A_975 = arith.constant 250 : i32
        %add3A_976 = arith.addi %add3A_975, %shift_right_logical3A_892 : i32
        %get3A_977 = arith.constant 1 : i32
        %get3A_978 = arith.index_cast %get3A_977 : i32 to index
        %get3A_979 = arith.index_cast %add3A_976 : i32 to index
        %get3A_980 = arith.index_cast %and3A_894 : i32 to index
        %get3A_981 = tpu.vector_load %arg6[%get3A_978, %get3A_979, %get3A_980] {strides = array<i32>} : memref<2x800x32xf32, #tpu.memory_space<vmem>>, vector<1x1x16xf32>,
        %get3A_982 = vector.shape_cast %get3A_981 : vector<1x1x16xf32> to vector<16xf32>
        %swap3A_983 = arith.constant 1 : i32
        %swap3A_984 = arith.constant 5 : i32
        %swap3A_985 = arith.index_cast %swap3A_983 : i32 to index
        %swap3A_986 = arith.index_cast %swap3A_984 : i32 to index
        %swap3A_987 = arith.index_cast %mul3A_890 : i32 to index
        %swap3A_988 = tpu.vector_load %arg7[%swap3A_985, %swap3A_986, %swap3A_987] {strides = array<i32>} : memref<2x16x1600xf32, #tpu.memory_space<vmem>>, vector<1x1x16xf32>,
        %swap3A_989 = vector.shape_cast %swap3A_988 : vector<1x1x16xf32> to vector<16xf32>
        %swap3A_990 = vector.shape_cast %get3A_982 : vector<16xf32> to vector<1x1x16xf32>
        tpu.vector_store %arg7[%swap3A_985, %swap3A_986, %swap3A_987], %swap3A_990 {strides = array<i32>} : memref<2x16x1600xf32, #tpu.memory_space<vmem>>, vector<1x1x16xf32>,
        %add3A_991 = arith.constant 300 : i32
        %add3A_992 = arith.addi %add3A_991, %shift_right_logical3A_892 : i32
        %get3A_993 = arith.constant 1 : i32
        %get3A_994 = arith.index_cast %get3A_993 : i32 to index
        %get3A_995 = arith.index_cast %add3A_992 : i32 to index
        %get3A_996 = arith.index_cast %and3A_894 : i32 to index
        %get3A_997 = tpu.vector_load %arg6[%get3A_994, %get3A_995, %get3A_996] {strides = array<i32>} : memref<2x800x32xf32, #tpu.memory_space<vmem>>, vector<1x1x16xf32>,
        %get3A_998 = vector.shape_cast %get3A_997 : vector<1x1x16xf32> to vector<16xf32>
        %swap3A_999 = arith.constant 1 : i32
        %swap3A_1000 = arith.constant 6 : i32
        %swap3A_1001 = arith.index_cast %swap3A_999 : i32 to index
        %swap3A_1002 = arith.index_cast %swap3A_1000 : i32 to index
        %swap3A_1003 = arith.index_cast %mul3A_890 : i32 to index
        %swap3A_1004 = tpu.vector_load %arg7[%swap3A_1001, %swap3A_1002, %swap3A_1003] {strides = array<i32>} : memref<2x16x1600xf32, #tpu.memory_space<vmem>>, vector<1x1x16xf32>,
        %swap3A_1005 = vector.shape_cast %swap3A_1004 : vector<1x1x16xf32> to vector<16xf32>
        %swap3A_1006 = vector.shape_cast %get3A_998 : vector<16xf32> to vector<1x1x16xf32>
        tpu.vector_store %arg7[%swap3A_1001, %swap3A_1002, %swap3A_1003], %swap3A_1006 {strides = array<i32>} : memref<2x16x1600xf32, #tpu.memory_space<vmem>>, vector<1x1x16xf32>,
        %add3A_1007 = arith.constant 350 : i32
        %add3A_1008 = arith.addi %add3A_1007, %shift_right_logical3A_892 : i32
        %get3A_1009 = arith.constant 1 : i32
        %get3A_1010 = arith.index_cast %get3A_1009 : i32 to index
        %get3A_1011 = arith.index_cast %add3A_1008 : i32 to index
        %get3A_1012 = arith.index_cast %and3A_894 : i32 to index
        %get3A_1013 = tpu.vector_load %arg6[%get3A_1010, %get3A_1011, %get3A_1012] {strides = array<i32>} : memref<2x800x32xf32, #tpu.memory_space<vmem>>, vector<1x1x16xf32>,
        %get3A_1014 = vector.shape_cast %get3A_1013 : vector<1x1x16xf32> to vector<16xf32>
        %swap3A_1015 = arith.constant 1 : i32
        %swap3A_1016 = arith.constant 7 : i32
        %swap3A_1017 = arith.index_cast %swap3A_1015 : i32 to index
        %swap3A_1018 = arith.index_cast %swap3A_1016 : i32 to index
        %swap3A_1019 = arith.index_cast %mul3A_890 : i32 to index
        %swap3A_1020 = tpu.vector_load %arg7[%swap3A_1017, %swap3A_1018, %swap3A_1019] {strides = array<i32>} : memref<2x16x1600xf32, #tpu.memory_space<vmem>>, vector<1x1x16xf32>,
        %swap3A_1021 = vector.shape_cast %swap3A_1020 : vector<1x1x16xf32> to vector<16xf32>
        %swap3A_1022 = vector.shape_cast %get3A_1014 : vector<16xf32> to vector<1x1x16xf32>
        tpu.vector_store %arg7[%swap3A_1017, %swap3A_1018, %swap3A_1019], %swap3A_1022 {strides = array<i32>} : memref<2x16x1600xf32, #tpu.memory_space<vmem>>, vector<1x1x16xf32>,
        %add3A_1023 = arith.constant 400 : i32
        %add3A_1024 = arith.addi %add3A_1023, %shift_right_logical3A_892 : i32
        %get3A_1025 = arith.constant 1 : i32
        %get3A_1026 = arith.index_cast %get3A_1025 : i32 to index
        %get3A_1027 = arith.index_cast %add3A_1024 : i32 to index
        %get3A_1028 = arith.index_cast %and3A_894 : i32 to index
        %get3A_1029 = tpu.vector_load %arg6[%get3A_1026, %get3A_1027, %get3A_1028] {strides = array<i32>} : memref<2x800x32xf32, #tpu.memory_space<vmem>>, vector<1x1x16xf32>,
        %get3A_1030 = vector.shape_cast %get3A_1029 : vector<1x1x16xf32> to vector<16xf32>
        %swap3A_1031 = arith.constant 1 : i32
        %swap3A_1032 = arith.constant 8 : i32
        %swap3A_1033 = arith.index_cast %swap3A_1031 : i32 to index
        %swap3A_1034 = arith.index_cast %swap3A_1032 : i32 to index
        %swap3A_1035 = arith.index_cast %mul3A_890 : i32 to index
        %swap3A_1036 = tpu.vector_load %arg7[%swap3A_1033, %swap3A_1034, %swap3A_1035] {strides = array<i32>} : memref<2x16x1600xf32, #tpu.memory_space<vmem>>, vector<1x1x16xf32>,
        %swap3A_1037 = vector.shape_cast %swap3A_1036 : vector<1x1x16xf32> to vector<16xf32>
        %swap3A_1038 = vector.shape_cast %get3A_1030 : vector<16xf32> to vector<1x1x16xf32>
        tpu.vector_store %arg7[%swap3A_1033, %swap3A_1034, %swap3A_1035], %swap3A_1038 {strides = array<i32>} : memref<2x16x1600xf32, #tpu.memory_space<vmem>>, vector<1x1x16xf32>,
        %add3A_1039 = arith.constant 450 : i32
        %add3A_1040 = arith.addi %add3A_1039, %shift_right_logical3A_892 : i32
        %get3A_1041 = arith.constant 1 : i32
        %get3A_1042 = arith.index_cast %get3A_1041 : i32 to index
        %get3A_1043 = arith.index_cast %add3A_1040 : i32 to index
        %get3A_1044 = arith.index_cast %and3A_894 : i32 to index
        %get3A_1045 = tpu.vector_load %arg6[%get3A_1042, %get3A_1043, %get3A_1044] {strides = array<i32>} : memref<2x800x32xf32, #tpu.memory_space<vmem>>, vector<1x1x16xf32>,
        %get3A_1046 = vector.shape_cast %get3A_1045 : vector<1x1x16xf32> to vector<16xf32>
        %swap3A_1047 = arith.constant 1 : i32
        %swap3A_1048 = arith.constant 9 : i32
        %swap3A_1049 = arith.index_cast %swap3A_1047 : i32 to index
        %swap3A_1050 = arith.index_cast %swap3A_1048 : i32 to index
        %swap3A_1051 = arith.index_cast %mul3A_890 : i32 to index
        %swap3A_1052 = tpu.vector_load %arg7[%swap3A_1049, %swap3A_1050, %swap3A_1051] {strides = array<i32>} : memref<2x16x1600xf32, #tpu.memory_space<vmem>>, vector<1x1x16xf32>,
        %swap3A_1053 = vector.shape_cast %swap3A_1052 : vector<1x1x16xf32> to vector<16xf32>
        %swap3A_1054 = vector.shape_cast %get3A_1046 : vector<16xf32> to vector<1x1x16xf32>
        tpu.vector_store %arg7[%swap3A_1049, %swap3A_1050, %swap3A_1051], %swap3A_1054 {strides = array<i32>} : memref<2x16x1600xf32, #tpu.memory_space<vmem>>, vector<1x1x16xf32>,
        %add3A_1055 = arith.constant 500 : i32
        %add3A_1056 = arith.addi %add3A_1055, %shift_right_logical3A_892 : i32
        %get3A_1057 = arith.constant 1 : i32
        %get3A_1058 = arith.index_cast %get3A_1057 : i32 to index
        %get3A_1059 = arith.index_cast %add3A_1056 : i32 to index
        %get3A_1060 = arith.index_cast %and3A_894 : i32 to index
        %get3A_1061 = tpu.vector_load %arg6[%get3A_1058, %get3A_1059, %get3A_1060] {strides = array<i32>} : memref<2x800x32xf32, #tpu.memory_space<vmem>>, vector<1x1x16xf32>,
        %get3A_1062 = vector.shape_cast %get3A_1061 : vector<1x1x16xf32> to vector<16xf32>
        %swap3A_1063 = arith.constant 1 : i32
        %swap3A_1064 = arith.constant 10 : i32
        %swap3A_1065 = arith.index_cast %swap3A_1063 : i32 to index
        %swap3A_1066 = arith.index_cast %swap3A_1064 : i32 to index
        %swap3A_1067 = arith.index_cast %mul3A_890 : i32 to index
        %swap3A_1068 = tpu.vector_load %arg7[%swap3A_1065, %swap3A_1066, %swap3A_1067] {strides = array<i32>} : memref<2x16x1600xf32, #tpu.memory_space<vmem>>, vector<1x1x16xf32>,
        %swap3A_1069 = vector.shape_cast %swap3A_1068 : vector<1x1x16xf32> to vector<16xf32>
        %swap3A_1070 = vector.shape_cast %get3A_1062 : vector<16xf32> to vector<1x1x16xf32>
        tpu.vector_store %arg7[%swap3A_1065, %swap3A_1066, %swap3A_1067], %swap3A_1070 {strides = array<i32>} : memref<2x16x1600xf32, #tpu.memory_space<vmem>>, vector<1x1x16xf32>,
        %add3A_1071 = arith.constant 550 : i32
        %add3A_1072 = arith.addi %add3A_1071, %shift_right_logical3A_892 : i32
        %get3A_1073 = arith.constant 1 : i32
        %get3A_1074 = arith.index_cast %get3A_1073 : i32 to index
        %get3A_1075 = arith.index_cast %add3A_1072 : i32 to index
        %get3A_1076 = arith.index_cast %and3A_894 : i32 to index
        %get3A_1077 = tpu.vector_load %arg6[%get3A_1074, %get3A_1075, %get3A_1076] {strides = array<i32>} : memref<2x800x32xf32, #tpu.memory_space<vmem>>, vector<1x1x16xf32>,
        %get3A_1078 = vector.shape_cast %get3A_1077 : vector<1x1x16xf32> to vector<16xf32>
        %swap3A_1079 = arith.constant 1 : i32
        %swap3A_1080 = arith.constant 11 : i32
        %swap3A_1081 = arith.index_cast %swap3A_1079 : i32 to index
        %swap3A_1082 = arith.index_cast %swap3A_1080 : i32 to index
        %swap3A_1083 = arith.index_cast %mul3A_890 : i32 to index
        %swap3A_1084 = tpu.vector_load %arg7[%swap3A_1081, %swap3A_1082, %swap3A_1083] {strides = array<i32>} : memref<2x16x1600xf32, #tpu.memory_space<vmem>>, vector<1x1x16xf32>,
        %swap3A_1085 = vector.shape_cast %swap3A_1084 : vector<1x1x16xf32> to vector<16xf32>
        %swap3A_1086 = vector.shape_cast %get3A_1078 : vector<16xf32> to vector<1x1x16xf32>
        tpu.vector_store %arg7[%swap3A_1081, %swap3A_1082, %swap3A_1083], %swap3A_1086 {strides = array<i32>} : memref<2x16x1600xf32, #tpu.memory_space<vmem>>, vector<1x1x16xf32>,
        %add3A_1087 = arith.constant 600 : i32
        %add3A_1088 = arith.addi %add3A_1087, %shift_right_logical3A_892 : i32
        %get3A_1089 = arith.constant 1 : i32
        %get3A_1090 = arith.index_cast %get3A_1089 : i32 to index
        %get3A_1091 = arith.index_cast %add3A_1088 : i32 to index
        %get3A_1092 = arith.index_cast %and3A_894 : i32 to index
        %get3A_1093 = tpu.vector_load %arg6[%get3A_1090, %get3A_1091, %get3A_1092] {strides = array<i32>} : memref<2x800x32xf32, #tpu.memory_space<vmem>>, vector<1x1x16xf32>,
        %get3A_1094 = vector.shape_cast %get3A_1093 : vector<1x1x16xf32> to vector<16xf32>
        %swap3A_1095 = arith.constant 1 : i32
        %swap3A_1096 = arith.constant 12 : i32
        %swap3A_1097 = arith.index_cast %swap3A_1095 : i32 to index
        %swap3A_1098 = arith.index_cast %swap3A_1096 : i32 to index
        %swap3A_1099 = arith.index_cast %mul3A_890 : i32 to index
        %swap3A_1100 = tpu.vector_load %arg7[%swap3A_1097, %swap3A_1098, %swap3A_1099] {strides = array<i32>} : memref<2x16x1600xf32, #tpu.memory_space<vmem>>, vector<1x1x16xf32>,
        %swap3A_1101 = vector.shape_cast %swap3A_1100 : vector<1x1x16xf32> to vector<16xf32>
        %swap3A_1102 = vector.shape_cast %get3A_1094 : vector<16xf32> to vector<1x1x16xf32>
        tpu.vector_store %arg7[%swap3A_1097, %swap3A_1098, %swap3A_1099], %swap3A_1102 {strides = array<i32>} : memref<2x16x1600xf32, #tpu.memory_space<vmem>>, vector<1x1x16xf32>,
        %add3A_1103 = arith.constant 650 : i32
        %add3A_1104 = arith.addi %add3A_1103, %shift_right_logical3A_892 : i32
        %get3A_1105 = arith.constant 1 : i32
        %get3A_1106 = arith.index_cast %get3A_1105 : i32 to index
        %get3A_1107 = arith.index_cast %add3A_1104 : i32 to index
        %get3A_1108 = arith.index_cast %and3A_894 : i32 to index
        %get3A_1109 = tpu.vector_load %arg6[%get3A_1106, %get3A_1107, %get3A_1108] {strides = array<i32>} : memref<2x800x32xf32, #tpu.memory_space<vmem>>, vector<1x1x16xf32>,
        %get3A_1110 = vector.shape_cast %get3A_1109 : vector<1x1x16xf32> to vector<16xf32>
        %swap3A_1111 = arith.constant 1 : i32
        %swap3A_1112 = arith.constant 13 : i32
        %swap3A_1113 = arith.index_cast %swap3A_1111 : i32 to index
        %swap3A_1114 = arith.index_cast %swap3A_1112 : i32 to index
        %swap3A_1115 = arith.index_cast %mul3A_890 : i32 to index
        %swap3A_1116 = tpu.vector_load %arg7[%swap3A_1113, %swap3A_1114, %swap3A_1115] {strides = array<i32>} : memref<2x16x1600xf32, #tpu.memory_space<vmem>>, vector<1x1x16xf32>,
        %swap3A_1117 = vector.shape_cast %swap3A_1116 : vector<1x1x16xf32> to vector<16xf32>
        %swap3A_1118 = vector.shape_cast %get3A_1110 : vector<16xf32> to vector<1x1x16xf32>
        tpu.vector_store %arg7[%swap3A_1113, %swap3A_1114, %swap3A_1115], %swap3A_1118 {strides = array<i32>} : memref<2x16x1600xf32, #tpu.memory_space<vmem>>, vector<1x1x16xf32>,
        %add3A_1119 = arith.constant 700 : i32
        %add3A_1120 = arith.addi %add3A_1119, %shift_right_logical3A_892 : i32
        %get3A_1121 = arith.constant 1 : i32
        %get3A_1122 = arith.index_cast %get3A_1121 : i32 to index
        %get3A_1123 = arith.index_cast %add3A_1120 : i32 to index
        %get3A_1124 = arith.index_cast %and3A_894 : i32 to index
        %get3A_1125 = tpu.vector_load %arg6[%get3A_1122, %get3A_1123, %get3A_1124] {strides = array<i32>} : memref<2x800x32xf32, #tpu.memory_space<vmem>>, vector<1x1x16xf32>,
        %get3A_1126 = vector.shape_cast %get3A_1125 : vector<1x1x16xf32> to vector<16xf32>
        %swap3A_1127 = arith.constant 1 : i32
        %swap3A_1128 = arith.constant 14 : i32
        %swap3A_1129 = arith.index_cast %swap3A_1127 : i32 to index
        %swap3A_1130 = arith.index_cast %swap3A_1128 : i32 to index
        %swap3A_1131 = arith.index_cast %mul3A_890 : i32 to index
        %swap3A_1132 = tpu.vector_load %arg7[%swap3A_1129, %swap3A_1130, %swap3A_1131] {strides = array<i32>} : memref<2x16x1600xf32, #tpu.memory_space<vmem>>, vector<1x1x16xf32>,
        %swap3A_1133 = vector.shape_cast %swap3A_1132 : vector<1x1x16xf32> to vector<16xf32>
        %swap3A_1134 = vector.shape_cast %get3A_1126 : vector<16xf32> to vector<1x1x16xf32>
        tpu.vector_store %arg7[%swap3A_1129, %swap3A_1130, %swap3A_1131], %swap3A_1134 {strides = array<i32>} : memref<2x16x1600xf32, #tpu.memory_space<vmem>>, vector<1x1x16xf32>,
        %add3A_1135 = arith.constant 750 : i32
        %add3A_1136 = arith.addi %add3A_1135, %shift_right_logical3A_892 : i32
        %get3A_1137 = arith.constant 1 : i32
        %get3A_1138 = arith.index_cast %get3A_1137 : i32 to index
        %get3A_1139 = arith.index_cast %add3A_1136 : i32 to index
        %get3A_1140 = arith.index_cast %and3A_894 : i32 to index
        %get3A_1141 = tpu.vector_load %arg6[%get3A_1138, %get3A_1139, %get3A_1140] {strides = array<i32>} : memref<2x800x32xf32, #tpu.memory_space<vmem>>, vector<1x1x16xf32>,
        %get3A_1142 = vector.shape_cast %get3A_1141 : vector<1x1x16xf32> to vector<16xf32>
        %swap3A_1143 = arith.constant 1 : i32
        %swap3A_1144 = arith.constant 15 : i32
        %swap3A_1145 = arith.index_cast %swap3A_1143 : i32 to index
        %swap3A_1146 = arith.index_cast %swap3A_1144 : i32 to index
        %swap3A_1147 = arith.index_cast %mul3A_890 : i32 to index
        %swap3A_1148 = tpu.vector_load %arg7[%swap3A_1145, %swap3A_1146, %swap3A_1147] {strides = array<i32>} : memref<2x16x1600xf32, #tpu.memory_space<vmem>>, vector<1x1x16xf32>,
        %swap3A_1149 = vector.shape_cast %swap3A_1148 : vector<1x1x16xf32> to vector<16xf32>
        %swap3A_1150 = vector.shape_cast %get3A_1142 : vector<16xf32> to vector<1x1x16xf32>
        tpu.vector_store %arg7[%swap3A_1145, %swap3A_1146, %swap3A_1147], %swap3A_1150 {strides = array<i32>} : memref<2x16x1600xf32, #tpu.memory_space<vmem>>, vector<1x1x16xf32>,
      }
      %scan3A_72 = arith.constant 100 : i32
      %mul3A_73 = arith.constant 16 : i32
      %mul3A_74 = arith.muli %add3A_57, %mul3A_73 : i32
      %add3A_75 = arith.addi %mul3A_4, %mul3A_74 : i32
      %run_scoped3A_76 = arith.constant 1 : i32
      "tpu.region"() ({
        %run_scoped3A_84 = tpu.sem_alloc : memref<!tpu.dma_semaphore, #tpu.memory_space<semaphore_mem>>
        %dma_start3A_85 = arith.constant 0 : i32
        %dma_start3A_86 = arith.constant 0 : i32
        %dma_start3A_87 = tpu.memref_slice %arg7[%run_scoped3A_76, %dma_start3A_85, %dma_start3A_86] : memref<2x16x1600xf32, #tpu.memory_space<vmem>> -> memref<1x16x1600xf32, #tpu.memory_space<vmem>>
        %dma_start3A_88 = tpu.memref_squeeze %dma_start3A_87 : memref<1x16x1600xf32, #tpu.memory_space<vmem>> -> memref<16x1600xf32, #tpu.memory_space<vmem>>
        %dma_start3A_89 = arith.constant 0 : i32
        %dma_start3A_90 = tpu.memref_slice %arg4[%add3A_75, %dma_start3A_89] : memref<16384x1600xf32, #tpu.memory_space<hbm>> -> memref<16x1600xf32, #tpu.memory_space<hbm>>
        %dma_start3A_91 = arith.constant 0 : i32
        %dma_start3A_92 = tpu.memref_slice %arg4[%add3A_75, %dma_start3A_91] : memref<16384x1600xf32, #tpu.memory_space<hbm>> -> memref<16x1600xf32, #tpu.memory_space<hbm>>
        %dma_start3A_93 = arith.constant 0 : i32
        %dma_start3A_94 = arith.constant 0 : i32
        %dma_start3A_95 = tpu.memref_slice %arg7[%run_scoped3A_76, %dma_start3A_93, %dma_start3A_94] : memref<2x16x1600xf32, #tpu.memory_space<vmem>> -> memref<1x16x1600xf32, #tpu.memory_space<vmem>>
        %dma_start3A_96 = tpu.memref_squeeze %dma_start3A_95 : memref<1x16x1600xf32, #tpu.memory_space<vmem>> -> memref<16x1600xf32, #tpu.memory_space<vmem>>
        tpu.enqueue_dma source(%dma_start3A_96 : memref<16x1600xf32, #tpu.memory_space<vmem>>) target(%dma_start3A_92 : memref<16x1600xf32, #tpu.memory_space<hbm>>) target_semaphore(%run_scoped3A_84 : memref<!tpu.dma_semaphore, #tpu.memory_space<semaphore_mem>>)
        %dma_wait3A_97 = arith.constant 0 : i32
        %dma_wait3A_98 = arith.constant 0 : i32
        %dma_wait3A_99 = tpu.memref_slice %arg7[%run_scoped3A_76, %dma_wait3A_97, %dma_wait3A_98] : memref<2x16x1600xf32, #tpu.memory_space<vmem>> -> memref<1x16x1600xf32, #tpu.memory_space<vmem>>
        %dma_wait3A_100 = tpu.memref_squeeze %dma_wait3A_99 : memref<1x16x1600xf32, #tpu.memory_space<vmem>> -> memref<16x1600xf32, #tpu.memory_space<vmem>>
        %dma_wait3A_101 = arith.constant 0 : i32
        %dma_wait3A_102 = tpu.memref_slice %arg4[%add3A_75, %dma_wait3A_101] : memref<16384x1600xf32, #tpu.memory_space<hbm>> -> memref<16x1600xf32, #tpu.memory_space<hbm>>
        %dma_wait3A_103 = arith.constant 0 : i32
        %dma_wait3A_104 = tpu.memref_slice %arg4[%add3A_75, %dma_wait3A_103] : memref<16384x1600xf32, #tpu.memory_space<hbm>> -> memref<16x1600xf32, #tpu.memory_space<hbm>>
        %dma_wait3A_105 = arith.constant 0 : i32
        %dma_wait3A_106 = arith.constant 0 : i32
        %dma_wait3A_107 = tpu.memref_slice %arg7[%run_scoped3A_76, %dma_wait3A_105, %dma_wait3A_106] : memref<2x16x1600xf32, #tpu.memory_space<vmem>> -> memref<1x16x1600xf32, #tpu.memory_space<vmem>>
        %dma_wait3A_108 = tpu.memref_squeeze %dma_wait3A_107 : memref<1x16x1600xf32, #tpu.memory_space<vmem>> -> memref<16x1600xf32, #tpu.memory_space<vmem>>
        tpu.wait_dma2 semaphore(%run_scoped3A_84 : memref<!tpu.dma_semaphore, #tpu.memory_space<semaphore_mem>>) src(%dma_wait3A_108 : memref<16x1600xf32, #tpu.memory_space<vmem>>) dst(%dma_wait3A_104 : memref<16x1600xf32, #tpu.memory_space<hbm>>)
        tpu.yield
      }) : () -> ()
      %add3A_77 = arith.constant 2 : i32
      %add3A_78 = arith.addi %add3A_57, %add3A_77 : i32
      %lt3A_79 = arith.constant 32 : i32
      %lt3A_80 = arith.cmpi slt, %add3A_78, %lt3A_79 : i32
      %convert_element_type3A_81 = arith.extui %lt3A_80 : i1 to i32
      %cond3A_82 = arith.constant 0 : i32
      %cond3A_83 = arith.cmpi ne, %convert_element_type3A_81, %cond3A_82 : i32
      scf.if %cond3A_83 {
        %add3A_84 = arith.constant 2 : i32
        %add3A_85 = arith.addi %add3A_57, %add3A_84 : i32
        %mul3A_86 = arith.constant 800 : i32
        %mul3A_87 = arith.muli %add3A_85, %mul3A_86 : i32
        %dma_start3A_88 = arith.constant 1 : i32
        %dma_start3A_89 = arith.constant 0 : i32
        %dma_start3A_90 = arith.constant 0 : i32
        %dma_start3A_91 = tpu.memref_slice %arg6[%dma_start3A_88, %dma_start3A_89, %dma_start3A_90] : memref<2x800x32xf32, #tpu.memory_space<vmem>> -> memref<1x800x32xf32, #tpu.memory_space<vmem>>
        %dma_start3A_92 = tpu.memref_squeeze %dma_start3A_91 : memref<1x800x32xf32, #tpu.memory_space<vmem>> -> memref<800x32xf32, #tpu.memory_space<vmem>>
        %dma_start3A_93 = tpu.memref_slice %arg5[%mul3A_87] : memref<25600xi32, #tpu.memory_space<vmem>> -> memref<800xi32, #tpu.memory_space<vmem>>
        %dma_start3A_94 = arith.constant 0 : i32
        %dma_start3A_95 = arith.constant 0 : i32
        %dma_start3A_96 = tpu.memref_slice %arg3[%dma_start3A_94, %dma_start3A_95] : memref<1000000x32xf32, #tpu.memory_space<hbm>> -> memref<1000000x32xf32, #tpu.memory_space<hbm>>
        tpu.enqueue_indirect_dma source(%dma_start3A_96 : memref<1000000x32xf32, #tpu.memory_space<hbm>>) target(%dma_start3A_92 : memref<800x32xf32, #tpu.memory_space<vmem>>) offsets(%dma_start3A_93 : memref<800xi32, #tpu.memory_space<vmem>>) semaphore(%arg9 : memref<!tpu.dma_semaphore, #tpu.memory_space<semaphore_mem>>)
      } else {
      }
    }
    %scan3A_27 = arith.constant 16 : i32
    return
  }
}

</mosaic_0001>

<sc_bundles>
// kernel: _embed_gather.3.cloned.1.call-start
scs
__scs_entry_jumppad:
0x0: {  	(pc) =	sbr.rel $0x88, $3  }
0x1: {  	(tag) =	ssettag $0x0;
	lr =	simm.s32 $0x1  }
0x2: {  	[smem:$0x3F9F] =	sst lr;
	_ =	strace $0xD0000000  }
0x3: {  	_ = 	snop  }
0x4: {  	_ = 	snop  }
0x5: {  	_ = 	snop  }
0x6: {  	_ = 	snop  }
0x7: {  	_ = 	snop  }
__scs_overlays_trampoline_lowered:
0x8: {  	[smem:$0x3FAE] =	sst s0  }
0x9: {  	[smem:$0x3FAF] =	sst s1  }
0xa: {  	[smem:$0x3FB0] =	sst s2  }
0xb: {  	[smem:$0x3FB1] =	sst s3  }
0xc: {  	[smem:$0x3FB2] =	sst s4  }
0xd: {  	[smem:$0x3FB3] =	sst s5  }
0xe: {  	[smem:$0x3FB4] =	sst s6  }
0xf: {  	[smem:$0x3FB5] =	sst s7  }
0x10: {  	[smem:$0x3FB6] =	sst s8  }
0x11: {  	[smem:$0x3FB7] =	sst s9;
	s0 =	simm.s32 @!p0 $0x0  }
0x12: {  	s1 =	sld [smem:$0x3F9D];
	s0 =	simm.s32 @p0 $0x1  }
0x13: {  	[smem:$0x3FB8] =	sst s0;
	s0 =	simm.s32 @!p1 $0x0  }
0x14: {  	s2 =	sld [smem:$0x3F9C];
	s0 =	simm.s32 @p1 $0x1  }
0x15: {  	[smem:$0x3FB9] =	sst s0;
	s0 =	simm.s32 @!p2 $0x0  }
0x16: {  	s3 =	sld [smem:$0x3FDB];
	s0 =	simm.s32 @p2 $0x1  }
0x17: {  	s4 =	simm.s32 $0x1BF5;
	[smem:$0x3FBB] =	sst s0  }
0x18: {  	s0 =	sld [smem:$0x3F9E];
	_ =	swait.ge [sflag:s4], $0x0  }
0x19: {  	s7 =	sld [smem:$0x3F9F]  }
0x1a: {  	s8 =	sadd.s32 $0xFFFFE003, lr  }
0x1b: {  	s9 =	sadd.s32 $0xFFFFFEF7, lr;
	s5 =	simm.s32 $0xFFFFFFFF;
	p2 =	slt.u32 s8, $0xFFFFF086  }
0x1c: {  	p1 =	slt.u32 s9, $0xF7A;
	s5 =	simm.s32 @!p2 $0x0  }
0x1d: {  	s5 =	simm.s32 @p1 $0x1;
	p0 =	seq.s32 s7, s2  }
0x1e: {  	s7 =	smul.u32 @!p0 $0xF7A, s2;
	p2 =	seq.s32 @!p0 s5, $0x0  }
0x1f: {  	s9 =	smul.u32 $0xF7A, s1;
	s8 =	simm.s32 @!p0 $0x1BF5;
	p2 =	por !p2, p0  }
0x20: {  	[sflag:s8] =	ssyncset.s32 @!p0 $0xFFFFF086;
	s6 =	sadd.s32 @!p0 s3, s7;
	s7 =	simm.s32 @!p0 $0x108  }
0x21: {  	s3 =	sadd.s32 s3, s9;
	s6 =	sadd.s32 @!p0 $0x88, s6;
	s7 =	simm.s32 @p2 $0x1082  }
0x22: {  	[simem:s7], [sflag:s8] =	dma.local @!p0 [hbm:s6], $0xF7A  }
0x23: {  	s9 =	sor.u32 $0xD0000000, s2;
	s6 =	simm.s32 $0x108;
	_ =	swait.ge @!p0 [sflag:s8], $0x0  }
0x24: {  	s3 =	sadd.s32 $0x88, s3;
	s6 =	simm.s32 @!p1 $0x1082;
	[sflag:s4] =	ssyncset.s32 $0xFFFFF086  }
0x25: {  	[simem:s6], [sflag:s4] =	dma.local [hbm:s3], $0xF7A  }
0x26: {  	[smem:$0x3F9F] =	sst s1;
	(tag) =	ssettag s2;
	_ =	strace s9  }
0x27: {  	s1 =	sld [smem:$0x3FAF]  }
0x28: {  	s2 =	sld [smem:$0x3FB0]  }
0x29: {  	s4 =	sld [smem:$0x3FB2]  }
0x2a: {  	p0 =	seq.s32 s5, $0x0;
	s5 =	sld [smem:$0x3FB3]  }
0x2b: {  	s6 =	sld [smem:$0x3FB4]  }
0x2c: {  	s7 =	sld [smem:$0x3FB5]  }
0x2d: {  	s3 =	simm.s32 $0x108;
	s8 =	sld [smem:$0x3FB6]  }
0x2e: {  	s3 =	simm.s32 @!p0 $0x1082;
	s9 =	sld [smem:$0x3FB7]  }
0x2f: {  	lr =	sadd.s32 s0, s3;
	s0 =	sld [smem:$0x3FAE]  }
0x30: {  	s3 =	sld [smem:$0x3FB1]  }
0x31: {  	[smem:$0x3FBA] =	sst s10  }
0x32: {  	s10 =	sld [smem:$0x3FB8];
	_ =	sdelay $0x3  }
0x33: {  	p0 =	seq.s32 s10, $0x1;
	s10 =	sld [smem:$0x3FBA];
	_ =	sdelay $0x3  }
0x34: {  	[smem:$0x3FBA] =	sst s10  }
0x35: {  	s10 =	sld [smem:$0x3FB9];
	_ =	sdelay $0x3  }
0x36: {  	p1 =	seq.s32 s10, $0x1;
	s10 =	sld [smem:$0x3FBA];
	_ =	sdelay $0x3  }
0x37: {  	[smem:$0x3FBA] =	sst s10  }
0x38: {  	s10 =	sld [smem:$0x3FBB]  }
0x39: {  	_ = 	snop;
	(pc) =	sbr.ind lr, $3  }
0x3a: {  	_ = 	snop  }
0x3b: {  	_ = 	snop  }
0x3c: {  	p2 =	seq.s32 s10, $0x1;
	s10 =	sld [smem:$0x3FBA]  }
0x3d: {  	_ =	shalt  }
0x3e: {  	_ =	shalt  }
0x3f: {  	_ =	shalt  }
0x40: {  	_ =	shalt  }
0x41: {  	_ =	shalt  }
0x42: {  	_ =	shalt  }
0x43: {  	_ =	shalt  }
0x44: {  	_ =	shalt  }
0x45: {  	_ =	shalt  }
0x46: {  	_ =	shalt  }
0x47: {  	_ =	shalt  }
0x48: {  	_ =	shalt  }
0x49: {  	_ =	shalt  }
0x4a: {  	_ =	shalt  }
0x4b: {  	_ =	shalt  }
0x4c: {  	_ =	shalt  }
0x4d: {  	_ =	shalt  }
0x4e: {  	_ =	shalt  }
0x4f: {  	_ =	shalt  }
0x50: {  	_ =	shalt  }
0x51: {  	_ =	shalt  }
0x52: {  	_ =	shalt  }
0x53: {  	_ =	shalt  }
0x54: {  	_ =	shalt  }
0x55: {  	_ =	shalt  }
0x56: {  	_ =	shalt  }
0x57: {  	_ =	shalt  }
0x58: {  	_ =	shalt  }
0x59: {  	_ =	shalt  }
0x5a: {  	_ =	shalt  }
0x5b: {  	_ =	shalt  }
0x5c: {  	_ =	shalt  }
0x5d: {  	_ =	shalt  }
0x5e: {  	_ =	shalt  }
0x5f: {  	_ =	shalt  }
0x60: {  	_ =	shalt  }
0x61: {  	_ =	shalt  }
0x62: {  	_ =	shalt  }
0x63: {  	_ =	shalt  }
0x64: {  	_ =	shalt  }
0x65: {  	_ =	shalt  }
0x66: {  	_ =	shalt  }
0x67: {  	_ =	shalt  }
0x68: {  	_ =	shalt  }
0x69: {  	_ =	shalt  }
0x6a: {  	_ =	shalt  }
0x6b: {  	_ =	shalt  }
0x6c: {  	_ =	shalt  }
0x6d: {  	_ =	shalt  }
0x6e: {  	_ =	shalt  }
0x6f: {  	_ =	shalt  }
0x70: {  	_ =	shalt  }
0x71: {  	_ =	shalt  }
0x72: {  	_ =	shalt  }
0x73: {  	_ =	shalt  }
0x74: {  	_ =	shalt  }
0x75: {  	_ =	shalt  }
0x76: {  	_ =	shalt  }
0x77: {  	_ =	shalt  }
0x78: {  	_ =	shalt  }
0x79: {  	_ =	shalt  }
0x7a: {  	_ =	shalt  }
0x7b: {  	_ =	shalt  }
0x7c: {  	_ =	shalt  }
0x7d: {  	_ =	shalt  }
0x7e: {  	_ =	shalt  }
0x7f: {  	_ =	shalt  }
0x80: {  	_ =	shalt  }
0x81: {  	_ =	shalt  }
0x82: {  	_ =	shalt  }
0x83: {  	_ =	shalt  }
0x84: {  	_ =	shalt  }
0x85: {  	_ =	shalt  }
0x86: {  	_ =	shalt  }
0x87: {  	_ =	shalt  }
.Lfunc_end0:
.L_simem_size_0:
called_computation.1_lowered:
.L_overlay_start_0:
0x88: {  	s2 =	sld [smem:$0x3FD9]  }
0x89: {  	s3 =	sld [smem:$0x3FFE];
	_ =	sdelay $0x1  }
0x8a: {  	s1 =	srdreg.scid  }
0x8b: {  	s0 =	sand.u32 $0x1, s1  }
0x8c: {  	s17 =	sshll.u32 s0, $0xA;
	s2 =	sadd.s32 s3, s2  }
0x8d: {  	s2 =	sadd.s32 s2, s17  }
0x8e: {  	[smem:$0x3FC6] =	sst s2  }
0x8f: {  	_ = 	snop  }
0x90: {  	s2 =	sld [smem:$0x3FC9]  }
0x91: {  	s18 =	sld [smem:$0x3FD0];
	(tm) =	ssettm $0x1  }
0x92: {  	s4 =	sld [smem:$0x3FFB];
	_ =	sdelay $0x3  }
0x93: {  	_ =	strace s4  }
0x94: {  	s4 =	sld [smem:$0x3FFC];
	_ =	sdelay $0x3  }
0x95: {  	_ =	strace s4  }
0x96: {  	s4 =	sld [smem:$0x3FFD];
	_ =	sdelay $0x3  }
0x97: {  	_ =	strace s4  }
0x98: {  	_ =	strace $0x8FFFFFFF  }
0x99: {  	s19 =	sld [smem:$0x3FDB];
	_ =	sdelay $0x1  }
0x9a: {  	s5 =	simm.s32 $_scs_section_size  }
0x9b: {  	s6 =	simm.s32 $_size__tile_overlayer_lowered;
	s7 =	simm.s32 $_tile_overlayer_lowered  }
0x9c: {  	s22 =	simm.s32 $0x1BFF;
	s21 =	sshll.u32 s7, $0x1;
	s4 =	sadd.s32 s5, s19  }
0x9d: {  	s8 =	simm.s32 $0x0;
	s20 =	sshll.u32 s6, $0x1;
	s6 =	sadd.s32 s21, s4  }
0x9e: {  	[timem:s8], [sflag:s22] =	dma.local [hbm:s6], s20  }
0x9f: {  	_ =	swait.ge [sflag:s22], s20  }
0xa0: {  	s5 =	ssub.s32 $0x0, s20;
	[sflag:s22] =	ssyncset.done $0x0  }
0xa1: {  	[sflag:s22] =	ssyncadd.s32 s5;
	_ =	sdelay $0x1  }
0xa2: {  	s23 =	simm.s32 $0x1B8B  }
0xa3: {  	_ =	swait.ge [sflag:s23], $0x1  }
0xa4: {  	[sflag:s23] =	ssyncset.done $0x0  }
0xa5: {  	s25 =	simm.s32 $0x1B8E;
	s24 =	sld [smem:$0x3FFE];
	[sflag:s23] =	ssyncadd.s32 $0xFFFFFFFF  }
0xa6: {  	s26 =	simm.s32 $execute0_lowered;
	[smem:$0x3FD2] =	sst s25  }
0xa7: {  	s6 =	sshll.u32 s26, $0x1;
	_ =	strace $0x80000046;
	[dreg:$0x1] =	wrdreg $0xFFFFFFFF  }
0xa8: {  	s28 =	simm.s32 $_size_execute0_lowered;
	s4 =	sadd.s32 s4, s6;
	[dreg:$0x0] =	wrdreg $0x0  }
0xa9: {  	s6 =	sshll.u32 s28, $0x1;
	[dreg:$0x2] =	wrdreg s4  }
0xaa: {  	[dreg:$0x3] =	wrdreg s6  }
0xab: {  	[dreg:$0x4] =	wrdreg $0xC0  }
0xac: {  	_ =	task [dreg:s8], $0x5FFFF  }
0xad: {  	[dreg:$0x1] =	wrdreg $0xFFFFFFFF  }
0xae: {  	[dreg:$0x0] =	wrdreg $0x60  }
0xaf: {  	[dreg:$0x2] =	wrdreg s2  }
0xb0: {  	[dreg:$0x3] =	wrdreg s24  }
0xb1: {  	[dreg:$0x4] =	wrdreg s18  }
0xb2: {  	[dreg:$0x5] =	wrdreg $0x9  }
0xb3: {  	_ =	task.clear_ibuf [dreg:s8], $0x6FFFF;
	_ =	strace $0x90000046  }
0xb4: {  	s29 =	simm.s32 $0x9;
	_ =	strace $0x80000048  }
0xb5: {  	_ =	swait.ge [sflag:s29], $0x1  }
0xb6: {  	[sflag:s29] =	ssyncadd.s32 $0xFFFFFFFF  }
0xb7: {  	_ =	strace $0x90000048  }
0xb8: {  	_ =	sfence  }
0xb9: {  	s30 =	sld [smem:$0x0];
	_ =	sdelay $0x2  }
0xba: {  	s31 =	sshll.u32 s1, $0xD;
	s1 =	sshrl.u32 s1, $0x2  }
0xbb: {  	s3 =	sand.u32 $0x4000, s31;
	s1 =	sadd.s32 s1, s30  }
0xbc: {  	s0 =	sor.u32 s3, s0;
	s1 =	sshll.u32 s1, $0x11  }
0xbd: {  	s0 =	sor.u32 s1, s0  }
0xbe: {  	s0 =	sadd.s32 $0x8F2B, s0  }
0xbf: {  	[sflag:s0] =	ssyncadd.remote.s32 $0x1  }
0xc0: {  	_ =	sfence.sel $0xFFFF  }
0xc1: {  	[dreg:$0x0] =	wrdreg $0xFFFFFFFF;
	(pc) =	sbr.abs _section_cstart, $3  }
0xc2: {  	[dreg:$0x1] =	wrdreg $0xFFFFFFFF  }
0xc3: {  	_ =	task.clear_ibuf [dreg:s8], $0x2FFFF;
	_ =	strace $0x9FFFFFFF  }
0xc4: {  	(tm) =	ssettm $0x7FFFFFFF  }
0xc5: {  	_ =	shalt  }
tec
execute0_lowered:
.L_overlay_start_1:
0x0: {  	(tag) =	ssettag $0x1  }
0x1: {  	s6 =	rddreg [dreg:$0x0]  }
0x2: {  	s4 =	rddreg [dreg:$0x1]  }
0x3: {  	s2 =	rddreg [dreg:$0x2];
	s3 =	srdreg.scid  }
0x4: {  	s1 =	stileid.u32;
	s0 =	rddreg [dreg:$0x3]  }
0x5: {  	s10 =	simm.s32 $0x6400;
	s11 =	simm.s32 $0xC800;
	s12 =	simm.s32 $0x1  }
0x6: {  	s13 =	simm.s32 $0x12C00;
	s14 =	simm.s32 $0x2;
	s15 =	simm.s32 $0x19000  }
0x7: {  	s16 =	simm.s32 $0x0;
	s5 =	sand.u32 $0x1, s3;
	s7 =	sshll.u32 s1, $0x1  }
.Ltmp0:
0x8: {  	s3 =	simm.s32 $0x0;
	s4 =	sadd.s32 $0xF42C00, s4;
	(pc) =	sbr.rel .LBB2_1-.Ltmp0, $4  }
0x9: {  	s8 =	ssub.s32 $0x2, s5;
	s5 =	sor.u32 s5, s7;
	[smem:$0x7FF] =	sst s3  }
0xa: {  	s31 =	sshrl.u32 s8, $0x1;
	s9 =	smul.u32 $0xC80, s5;
	_ =	strace $0x80000047  }
0xb: {  	s5 =	sshll.u32 s5, $0x9;
	s7 =	ssub.s32 s8, s31;
	s8 =	simm.s32 $0x3  }
0xc: {  	s6 =	sadd.s32 s6, s9;
	s7 =	smax.u32 s7, $0x1;
	s9 =	simm.s32 $0x320  }
.LBB2_8:
0xd: {  	s16 =	sadd.s32 $0x1, s16  }
0xe: {  	p0 =	sne.s32 s16, s7  }
.Ltmp1:
0xf: {  	_ = 	snop;
	(pc) =	sbr.rel @!p0 .LBB2_9-.Ltmp1, $1  }
0x10: {  	_ =	sdelay $0x3  }
.LBB2_1:
0x11: {  	[tilespmem:s3], [sflag:$0x3] =	stream.linear.gather [hbm4b:s6+s3], $0x6400, $0x38;
	[tilespmem:$0x1F400] =	vst v63  }
0x12: {  	_ =	swait.ge [sflag:s8], $0x6400  }
0x13: {  	[sflag:s8] =	ssyncset.done $0x0  }
0x14: {  	[sflag:s8] =	ssyncadd.s32 $0xFFFF9C00  }
0x15: {  	[tilespmem:s10], [sflag:$0x1] =	stream.indirect.gather [hbm4b:s4+s9], $0x20, s3, s9, $0xb8;
	[tilespmem:$0x1F400] =	vst v63  }
0x16: {  	s17 =	simm.s32 $0x0  }
0x17: {  	[tilespmem:s11], [sflag:$0x2] =	stream.indirect.gather [hbm4b:s4+s9], $0x20, s9, s9, $0xb8;
	[tilespmem:$0x1F400] =	vst v63  }
.LBB2_2:
0x18: {  	_ =	swait.ge [sflag:s12], $0x6400  }
0x19: {  	[sflag:s12] =	ssyncset.done $0x0  }
0x1a: {  	s19 =	simm.s32 $0x0;
	[sflag:s12] =	ssyncadd.s32 $0xFFFF9C00  }
0x1b: {  	v0 =	vld [tilespmem:s19+$0xC1F0]  }
0x1c: {  	v1 =	vld [tilespmem:s19+$0x6400]  }
0x1d: {  	v2 =	vld [tilespmem:s19+$0x6A40]  }
0x1e: {  	v3 =	vld [tilespmem:s19+$0x7080]  }
0x1f: {  	v4 =	vld [tilespmem:s19+$0x76C0]  }
0x20: {  	v5 =	vld [tilespmem:s19+$0x7D00];
	[tilespmem:s19+$0x189F0] =	vst v0  }
0x21: {  	v6 =	vld [tilespmem:s19+$0x8FF0];
	[tilespmem:s19+$0x12C00] =	vst v1  }
0x22: {  	v7 =	vld [tilespmem:s19+$0x9630];
	[tilespmem:s19+$0x13240] =	vst v2  }
0x23: {  	v0 =	vld [tilespmem:s19+$0x8340];
	[tilespmem:s19+$0x13880] =	vst v3  }
0x24: {  	v1 =	vld [tilespmem:s19+$0x8980];
	[tilespmem:s19+$0x13EC0] =	vst v4  }
0x25: {  	v2 =	vld [tilespmem:s19+$0x8FC0];
	[tilespmem:s19+$0x14500] =	vst v5  }
0x26: {  	v3 =	vld [tilespmem:s19+$0x9600];
	[tilespmem:s19+$0x157F0] =	vst v6  }
0x27: {  	v4 =	vld [tilespmem:s19+$0x9C40];
	[tilespmem:s19+$0x15E30] =	vst v7  }
0x28: {  	v5 =	vld [tilespmem:s19+$0x89B0];
	[tilespmem:s19+$0x14B40] =	vst v0  }
0x29: {  	v0 =	vld [tilespmem:s19+$0xA280];
	[tilespmem:s19+$0x15180] =	vst v1  }
0x2a: {  	v1 =	vld [tilespmem:s19+$0xA8C0];
	[tilespmem:s19+$0x157C0] =	vst v2  }
0x2b: {  	v2 =	vld [tilespmem:s19+$0xAF00];
	[tilespmem:s19+$0x15E00] =	vst v3  }
0x2c: {  	v3 =	vld [tilespmem:s19+$0xB540];
	[tilespmem:s19+$0x16440] =	vst v4  }
0x2d: {  	v4 =	vld [tilespmem:s19+$0xBB80];
	[tilespmem:s19+$0x151B0] =	vst v5  }
0x2e: {  	[tilespmem:s19+$0x16A80] =	vst v0;
	v0 =	vld [tilespmem:s19+$0xC1C0]  }
0x2f: {  	[tilespmem:s19+$0x170C0] =	vst v1;
	v1 =	vld [tilespmem:s19+$0x6410]  }
0x30: {  	[tilespmem:s19+$0x17700] =	vst v2;
	v2 =	vld [tilespmem:s19+$0x6A50]  }
0x31: {  	[tilespmem:s19+$0x17D40] =	vst v3;
	v3 =	vld [tilespmem:s19+$0x7090]  }
0x32: {  	[tilespmem:s19+$0x18380] =	vst v4;
	v4 =	vld [tilespmem:s19+$0x76D0]  }
0x33: {  	[tilespmem:s19+$0x189C0] =	vst v0;
	v0 =	vld [tilespmem:s19+$0x7D10]  }
0x34: {  	[tilespmem:s19+$0x12C10] =	vst v1;
	v1 =	vld [tilespmem:s19+$0x8350]  }
0x35: {  	[tilespmem:s19+$0x13250] =	vst v2;
	v2 =	vld [tilespmem:s19+$0x8990]  }
0x36: {  	[tilespmem:s19+$0x13890] =	vst v3;
	v3 =	vld [tilespmem:s19+$0x8FD0]  }
0x37: {  	[tilespmem:s19+$0x13ED0] =	vst v4;
	v4 =	vld [tilespmem:s19+$0x9610]  }
0x38: {  	[tilespmem:s19+$0x14510] =	vst v0;
	v0 =	vld [tilespmem:s19+$0x9C50]  }
0x39: {  	[tilespmem:s19+$0x14B50] =	vst v1;
	v1 =	vld [tilespmem:s19+$0xA290]  }
0x3a: {  	[tilespmem:s19+$0x15190] =	vst v2;
	v2 =	vld [tilespmem:s19+$0xA8D0]  }
0x3b: {  	[tilespmem:s19+$0x157D0] =	vst v3;
	v3 =	vld [tilespmem:s19+$0xAF10]  }
0x3c: {  	[tilespmem:s19+$0x15E10] =	vst v4;
	v4 =	vld [tilespmem:s19+$0xB550]  }
0x3d: {  	[tilespmem:s19+$0x16450] =	vst v0;
	v0 =	vld [tilespmem:s19+$0xBB90]  }
0x3e: {  	[tilespmem:s19+$0x16A90] =	vst v1;
	v1 =	vld [tilespmem:s19+$0xC1D0]  }
0x3f: {  	[tilespmem:s19+$0x170D0] =	vst v2;
	v2 =	vld [tilespmem:s19+$0x6420]  }
0x40: {  	[tilespmem:s19+$0x17710] =	vst v3;
	v3 =	vld [tilespmem:s19+$0x6A60]  }
0x41: {  	[tilespmem:s19+$0x17D50] =	vst v4;
	v4 =	vld [tilespmem:s19+$0x70A0]  }
0x42: {  	[tilespmem:s19+$0x18390] =	vst v0;
	v0 =	vld [tilespmem:s19+$0x76E0]  }
0x43: {  	[tilespmem:s19+$0x189D0] =	vst v1;
	v1 =	vld [tilespmem:s19+$0x7D20]  }
0x44: {  	[tilespmem:s19+$0x12C20] =	vst v2;
	v2 =	vld [tilespmem:s19+$0x8360]  }
0x45: {  	[tilespmem:s19+$0x13260] =	vst v3;
	v3 =	vld [tilespmem:s19+$0x89A0]  }
0x46: {  	[tilespmem:s19+$0x138A0] =	vst v4;
	v4 =	vld [tilespmem:s19+$0x8FE0]  }
0x47: {  	[tilespmem:s19+$0x13EE0] =	vst v0;
	v0 =	vld [tilespmem:s19+$0x9620]  }
0x48: {  	[tilespmem:s19+$0x14520] =	vst v1;
	v1 =	vld [tilespmem:s19+$0x9C60]  }
0x49: {  	[tilespmem:s19+$0x14B60] =	vst v2;
	v2 =	vld [tilespmem:s19+$0xA2A0]  }
0x4a: {  	[tilespmem:s19+$0x151A0] =	vst v3;
	v3 =	vld [tilespmem:s19+$0xA8E0]  }
0x4b: {  	[tilespmem:s19+$0x157E0] =	vst v4;
	v4 =	vld [tilespmem:s19+$0xAF20]  }
0x4c: {  	[tilespmem:s19+$0x15E20] =	vst v0;
	v0 =	vld [tilespmem:s19+$0xB560]  }
0x4d: {  	[tilespmem:s19+$0x16460] =	vst v1;
	v1 =	vld [tilespmem:s19+$0xBBA0]  }
0x4e: {  	[tilespmem:s19+$0x16AA0] =	vst v2;
	v2 =	vld [tilespmem:s19+$0xC1E0]  }
0x4f: {  	[tilespmem:s19+$0x170E0] =	vst v3;
	v3 =	vld [tilespmem:s19+$0x6430]  }
0x50: {  	[tilespmem:s19+$0x17720] =	vst v4;
	v4 =	vld [tilespmem:s19+$0x6A70]  }
0x51: {  	[tilespmem:s19+$0x17D60] =	vst v0;
	v0 =	vld [tilespmem:s19+$0x70B0]  }
0x52: {  	[tilespmem:s19+$0x183A0] =	vst v1;
	v1 =	vld [tilespmem:s19+$0x76F0]  }
0x53: {  	[tilespmem:s19+$0x189E0] =	vst v2;
	v2 =	vld [tilespmem:s19+$0x7D30]  }
0x54: {  	[tilespmem:s19+$0x12C30] =	vst v3;
	v3 =	vld [tilespmem:s19+$0x8370]  }
0x55: {  	[tilespmem:s19+$0x13270] =	vst v4;
	v4 =	vld [tilespmem:s19+$0x9C70]  }
0x56: {  	[tilespmem:s19+$0x138B0] =	vst v0;
	v0 =	vld [tilespmem:s19+$0xA2B0]  }
0x57: {  	[tilespmem:s19+$0x13EF0] =	vst v1;
	v1 =	vld [tilespmem:s19+$0xA8F0]  }
0x58: {  	[tilespmem:s19+$0x14530] =	vst v2;
	v2 =	vld [tilespmem:s19+$0xAF30]  }
0x59: {  	s18 =	simm.s32 $0x0;
	s20 =	simm.s32 $0x100;
	[tilespmem:s19+$0x14B70] =	vst v3;
	v3 =	vld [tilespmem:s19+$0xB570]  }
.LBB2_3:
0x5a: {  	s21 =	sshra.s32 s20, $0x2;
	s18 =	sadd.s32 $0x4, s18;
	[tilespmem:s19+$0x16470] =	vst v4;
	v4 =	vld [tilespmem:s19+$0xBBB0]  }
0x5b: {  	v5 =	vld [tilespmem:s21+$0xC1F0];
	p0 =	slt.u32 s18, $0x60;
	[tilespmem:s19+$0x16AB0] =	vst v0  }
0x5c: {  	v0 =	vld [tilespmem:s21+$0x6400];
	[tilespmem:s19+$0x170F0] =	vst v1  }
0x5d: {  	v1 =	vld [tilespmem:s21+$0x6A40];
	[tilespmem:s19+$0x17730] =	vst v2  }
0x5e: {  	v2 =	vld [tilespmem:s21+$0x7080];
	[tilespmem:s19+$0x17D70] =	vst v3  }
0x5f: {  	v3 =	vld [tilespmem:s21+$0x76C0];
	[tilespmem:s19+$0x183B0] =	vst v4;
	s19 =	smov.u32 s21  }
0x60: {  	v4 =	vld [tilespmem:s19+$0x7D00];
	[tilespmem:s19+$0x189F0] =	vst v5  }
0x61: {  	[tilespmem:s19+$0x12C00] =	vst v0;
	v0 =	vld [tilespmem:s19+$0x8340]  }
0x62: {  	[tilespmem:s19+$0x13240] =	vst v1;
	v1 =	vld [tilespmem:s19+$0x8980]  }
0x63: {  	[tilespmem:s19+$0x13880] =	vst v2;
	v2 =	vld [tilespmem:s19+$0x8FC0]  }
0x64: {  	[tilespmem:s19+$0x13EC0] =	vst v3;
	v3 =	vld [tilespmem:s19+$0x9600]  }
0x65: {  	[tilespmem:s19+$0x14500] =	vst v4;
	v4 =	vld [tilespmem:s19+$0x9C40]  }
0x66: {  	[tilespmem:s19+$0x14B40] =	vst v0;
	v0 =	vld [tilespmem:s19+$0xA280]  }
0x67: {  	[tilespmem:s19+$0x15180] =	vst v1;
	v1 =	vld [tilespmem:s19+$0xA8C0]  }
0x68: {  	[tilespmem:s19+$0x157C0] =	vst v2;
	v2 =	vld [tilespmem:s19+$0xAF00]  }
0x69: {  	[tilespmem:s19+$0x15E00] =	vst v3;
	v3 =	vld [tilespmem:s19+$0xB540]  }
0x6a: {  	[tilespmem:s19+$0x16440] =	vst v4;
	v4 =	vld [tilespmem:s19+$0xBB80]  }
0x6b: {  	[tilespmem:s19+$0x16A80] =	vst v0;
	v0 =	vld [tilespmem:s19+$0xC1C0]  }
0x6c: {  	[tilespmem:s19+$0x170C0] =	vst v1;
	v1 =	vld [tilespmem:s19+$0x6410]  }
0x6d: {  	[tilespmem:s19+$0x17700] =	vst v2;
	v2 =	vld [tilespmem:s19+$0x6A50]  }
0x6e: {  	[tilespmem:s19+$0x17D40] =	vst v3;
	v3 =	vld [tilespmem:s19+$0x7090]  }
0x6f: {  	[tilespmem:s19+$0x18380] =	vst v4;
	v4 =	vld [tilespmem:s19+$0x76D0]  }
0x70: {  	[tilespmem:s19+$0x189C0] =	vst v0;
	v0 =	vld [tilespmem:s19+$0x7D10]  }
0x71: {  	[tilespmem:s19+$0x12C10] =	vst v1;
	v1 =	vld [tilespmem:s19+$0x8350]  }
0x72: {  	[tilespmem:s19+$0x13250] =	vst v2;
	v2 =	vld [tilespmem:s19+$0x8990]  }
0x73: {  	[tilespmem:s19+$0x13890] =	vst v3;
	v3 =	vld [tilespmem:s19+$0x8FD0]  }
0x74: {  	[tilespmem:s19+$0x13ED0] =	vst v4;
	v4 =	vld [tilespmem:s19+$0x9610]  }
0x75: {  	[tilespmem:s19+$0x14510] =	vst v0;
	v0 =	vld [tilespmem:s19+$0x9C50]  }
0x76: {  	[tilespmem:s19+$0x14B50] =	vst v1;
	v1 =	vld [tilespmem:s19+$0xA290]  }
0x77: {  	[tilespmem:s19+$0x15190] =	vst v2;
	v2 =	vld [tilespmem:s19+$0xA8D0]  }
0x78: {  	[tilespmem:s19+$0x157D0] =	vst v3;
	v3 =	vld [tilespmem:s19+$0xAF10]  }
0x79: {  	[tilespmem:s19+$0x15E10] =	vst v4;
	v4 =	vld [tilespmem:s19+$0xB550]  }
0x7a: {  	[tilespmem:s19+$0x16450] =	vst v0;
	v0 =	vld [tilespmem:s19+$0xBB90]  }
0x7b: {  	[tilespmem:s19+$0x16A90] =	vst v1;
	v1 =	vld [tilespmem:s19+$0xC1D0]  }
0x7c: {  	[tilespmem:s19+$0x170D0] =	vst v2;
	v2 =	vld [tilespmem:s19+$0x6420]  }
0x7d: {  	[tilespmem:s19+$0x17710] =	vst v3;
	v3 =	vld [tilespmem:s19+$0x6A60]  }
0x7e: {  	[tilespmem:s19+$0x17D50] =	vst v4;
	v4 =	vld [tilespmem:s19+$0x70A0]  }
0x7f: {  	[tilespmem:s19+$0x18390] =	vst v0;
	v0 =	vld [tilespmem:s19+$0x76E0]  }
0x80: {  	[tilespmem:s19+$0x189D0] =	vst v1;
	v1 =	vld [tilespmem:s19+$0x7D20]  }
0x81: {  	[tilespmem:s19+$0x12C20] =	vst v2;
	v2 =	vld [tilespmem:s19+$0x8360]  }
0x82: {  	[tilespmem:s19+$0x13260] =	vst v3;
	v3 =	vld [tilespmem:s19+$0x89A0]  }
0x83: {  	[tilespmem:s19+$0x138A0] =	vst v4;
	v4 =	vld [tilespmem:s19+$0x8FE0]  }
0x84: {  	[tilespmem:s19+$0x13EE0] =	vst v0;
	v0 =	vld [tilespmem:s19+$0x9620]  }
0x85: {  	[tilespmem:s19+$0x14520] =	vst v1;
	v1 =	vld [tilespmem:s19+$0x9C60]  }
0x86: {  	[tilespmem:s19+$0x14B60] =	vst v2;
	v2 =	vld [tilespmem:s19+$0xA2A0]  }
0x87: {  	[tilespmem:s19+$0x151A0] =	vst v3;
	v3 =	vld [tilespmem:s19+$0xA8E0]  }
0x88: {  	[tilespmem:s19+$0x157E0] =	vst v4;
	v4 =	vld [tilespmem:s19+$0xAF20]  }
0x89: {  	[tilespmem:s19+$0x15E20] =	vst v0;
	v0 =	vld [tilespmem:s19+$0xB560]  }
0x8a: {  	[tilespmem:s19+$0x16460] =	vst v1;
	v1 =	vld [tilespmem:s19+$0xBBA0]  }
0x8b: {  	[tilespmem:s19+$0x16AA0] =	vst v2;
	v2 =	vld [tilespmem:s19+$0xC1E0]  }
0x8c: {  	[tilespmem:s19+$0x170E0] =	vst v3;
	v3 =	vld [tilespmem:s19+$0x6430]  }
0x8d: {  	[tilespmem:s19+$0x17720] =	vst v4;
	v4 =	vld [tilespmem:s19+$0x6A70]  }
0x8e: {  	[tilespmem:s19+$0x17D60] =	vst v0;
	v0 =	vld [tilespmem:s19+$0x70B0]  }
0x8f: {  	[tilespmem:s19+$0x183A0] =	vst v1;
	v1 =	vld [tilespmem:s19+$0x76F0]  }
0x90: {  	[tilespmem:s19+$0x189E0] =	vst v2;
	v2 =	vld [tilespmem:s19+$0x7D30]  }
0x91: {  	[tilespmem:s19+$0x12C30] =	vst v3;
	v3 =	vld [tilespmem:s19+$0x8370]  }
0x92: {  	[tilespmem:s19+$0x13270] =	vst v4;
	v5 =	vld [tilespmem:s19+$0x89B0]  }
0x93: {  	[tilespmem:s19+$0x138B0] =	vst v0;
	v6 =	vld [tilespmem:s19+$0x8FF0]  }
0x94: {  	[tilespmem:s19+$0x13EF0] =	vst v1;
	v7 =	vld [tilespmem:s19+$0x9630]  }
.Ltmp2:
0x95: {  	[tilespmem:s19+$0x14530] =	vst v2;
	v4 =	vld [tilespmem:s19+$0x9C70];
	(pc) =	sbr.rel @p0 .LBB2_3-.Ltmp2, $4  }
0x96: {  	[tilespmem:s19+$0x14B70] =	vst v3;
	v0 =	vld [tilespmem:s19+$0xA2B0]  }
0x97: {  	[tilespmem:s19+$0x151B0] =	vst v5;
	v1 =	vld [tilespmem:s19+$0xA8F0]  }
0x98: {  	[tilespmem:s19+$0x157F0] =	vst v6;
	v2 =	vld [tilespmem:s19+$0xAF30]  }
0x99: {  	s20 =	sadd.s32 $0x100, s20;
	[tilespmem:s19+$0x15E30] =	vst v7;
	v3 =	vld [tilespmem:s19+$0xB570]  }
0x9a: {  	[tilespmem:s19+$0x16470] =	vst v4;
	v4 =	vld [tilespmem:s19+$0xBBB0]  }
0x9b: {  	s18 =	sshll.u32 s17, $0x5;
	[tilespmem:s19+$0x16AB0] =	vst v0  }
0x9c: {  	s20 =	sadd.s32 s5, s18;
	[tilespmem:s19+$0x170F0] =	vst v1  }
0x9d: {  	s20 =	smul.u32 $0xC8, s20;
	[tilespmem:s19+$0x17730] =	vst v2  }
0x9e: {  	p0 =	seq.s32 s17, $0xF;
	[tilespmem:s19+$0x17D70] =	vst v3  }
0x9f: {  	s31 =	sadd.s32 s2, s20;
	[tilespmem:s19+$0x183B0] =	vst v4;
	s19 =	smul.u32 @!p0 $0x1900, s17  }
0xa0: {  	[hbm4b:s31+s3] =	stream.linear.scatter [tilespmem:s13], [sflag:$0x3], $0x6400, $0x38;
	[tilespmem:$0x1F400] =	vst v63  }
0xa1: {  	_ =	swait.ge [sflag:s8], $0x6400  }
0xa2: {  	s21 =	simm.s32 @!p0 $0x6400;
	s19 =	sshra.s32 @!p0 s19, $0x2;
	[sflag:s8] =	ssyncset.done $0x0  }
0xa3: {  	s20 =	simm.s32 @!p0 $0x320;
	s19 =	sadd.s32 @!p0 $0x640, s19;
	[sflag:s8] =	ssyncadd.s32 $0xFFFF9C00  }
0xa4: {  	[tilespmem:s21], [sflag:$0x1] =	stream.indirect.gather @!p0 [hbm4b:s4+s20], $0x20, s19, s20, $0xb8;
	[tilespmem:$0x1F400] =	vst v63  }
0xa5: {  	_ =	swait.ge [sflag:s14], $0x6400  }
0xa6: {  	[sflag:s14] =	ssyncset.done $0x0  }
0xa7: {  	s19 =	simm.s32 $0x0;
	[sflag:s14] =	ssyncadd.s32 $0xFFFF9C00  }
0xa8: {  	v0 =	vld [tilespmem:s19+$0x125F0]  }
0xa9: {  	v1 =	vld [tilespmem:s19+$0xC800]  }
0xaa: {  	v2 =	vld [tilespmem:s19+$0xCE40]  }
0xab: {  	v3 =	vld [tilespmem:s19+$0xD480]  }
0xac: {  	v4 =	vld [tilespmem:s19+$0xDAC0]  }
0xad: {  	v5 =	vld [tilespmem:s19+$0xE100];
	[tilespmem:s19+$0x1EDF0] =	vst v0  }
0xae: {  	v6 =	vld [tilespmem:s19+$0xF3F0];
	[tilespmem:s19+$0x19000] =	vst v1  }
0xaf: {  	v7 =	vld [tilespmem:s19+$0xFA30];
	[tilespmem:s19+$0x19640] =	vst v2  }
0xb0: {  	v0 =	vld [tilespmem:s19+$0xE740];
	[tilespmem:s19+$0x19C80] =	vst v3  }
0xb1: {  	v1 =	vld [tilespmem:s19+$0xED80];
	[tilespmem:s19+$0x1A2C0] =	vst v4  }
0xb2: {  	v2 =	vld [tilespmem:s19+$0xF3C0];
	[tilespmem:s19+$0x1A900] =	vst v5  }
0xb3: {  	v3 =	vld [tilespmem:s19+$0xFA00];
	[tilespmem:s19+$0x1BBF0] =	vst v6  }
0xb4: {  	v4 =	vld [tilespmem:s19+$0x10040];
	[tilespmem:s19+$0x1C230] =	vst v7  }
0xb5: {  	v5 =	vld [tilespmem:s19+$0xE770];
	[tilespmem:s19+$0x1AF40] =	vst v0  }
0xb6: {  	v0 =	vld [tilespmem:s19+$0x10680];
	[tilespmem:s19+$0x1B580] =	vst v1  }
0xb7: {  	v1 =	vld [tilespmem:s19+$0x10CC0];
	[tilespmem:s19+$0x1BBC0] =	vst v2  }
0xb8: {  	v2 =	vld [tilespmem:s19+$0x11300];
	[tilespmem:s19+$0x1C200] =	vst v3  }
0xb9: {  	[tilespmem:s19+$0x1C840] =	vst v4;
	v4 =	vld [tilespmem:s19+$0x11F80]  }
0xba: {  	v3 =	vld [tilespmem:s19+$0x11940];
	[tilespmem:s19+$0x1AF70] =	vst v5  }
0xbb: {  	[tilespmem:s19+$0x1CE80] =	vst v0;
	v0 =	vld [tilespmem:s19+$0x125C0]  }
0xbc: {  	[tilespmem:s19+$0x1D4C0] =	vst v1;
	v1 =	vld [tilespmem:s19+$0xC810]  }
0xbd: {  	[tilespmem:s19+$0x1DB00] =	vst v2;
	v2 =	vld [tilespmem:s19+$0xCE50]  }
0xbe: {  	[tilespmem:s19+$0x1E780] =	vst v4;
	v4 =	vld [tilespmem:s19+$0xDAD0]  }
0xbf: {  	[tilespmem:s19+$0x1E140] =	vst v3;
	v3 =	vld [tilespmem:s19+$0xD490]  }
0xc0: {  	[tilespmem:s19+$0x1EDC0] =	vst v0;
	v0 =	vld [tilespmem:s19+$0xE110]  }
0xc1: {  	[tilespmem:s19+$0x19010] =	vst v1;
	v1 =	vld [tilespmem:s19+$0xE750]  }
0xc2: {  	[tilespmem:s19+$0x19650] =	vst v2;
	v2 =	vld [tilespmem:s19+$0xED90]  }
0xc3: {  	[tilespmem:s19+$0x1A2D0] =	vst v4;
	v4 =	vld [tilespmem:s19+$0xFA10]  }
0xc4: {  	[tilespmem:s19+$0x19C90] =	vst v3;
	v3 =	vld [tilespmem:s19+$0xF3D0]  }
0xc5: {  	[tilespmem:s19+$0x1A910] =	vst v0;
	v0 =	vld [tilespmem:s19+$0x10050]  }
0xc6: {  	[tilespmem:s19+$0x1AF50] =	vst v1;
	v1 =	vld [tilespmem:s19+$0x10690]  }
0xc7: {  	[tilespmem:s19+$0x1B590] =	vst v2;
	v2 =	vld [tilespmem:s19+$0x10CD0]  }
0xc8: {  	[tilespmem:s19+$0x1C210] =	vst v4;
	v4 =	vld [tilespmem:s19+$0x11950]  }
0xc9: {  	[tilespmem:s19+$0x1BBD0] =	vst v3;
	v3 =	vld [tilespmem:s19+$0x11310]  }
0xca: {  	[tilespmem:s19+$0x1C850] =	vst v0;
	v0 =	vld [tilespmem:s19+$0x11F90]  }
0xcb: {  	[tilespmem:s19+$0x1CE90] =	vst v1;
	v1 =	vld [tilespmem:s19+$0x125D0]  }
0xcc: {  	[tilespmem:s19+$0x1D4D0] =	vst v2;
	v2 =	vld [tilespmem:s19+$0xC820]  }
0xcd: {  	[tilespmem:s19+$0x1E150] =	vst v4;
	v4 =	vld [tilespmem:s19+$0xD4A0]  }
0xce: {  	[tilespmem:s19+$0x1DB10] =	vst v3;
	v3 =	vld [tilespmem:s19+$0xCE60]  }
0xcf: {  	[tilespmem:s19+$0x1E790] =	vst v0;
	v0 =	vld [tilespmem:s19+$0xDAE0]  }
0xd0: {  	[tilespmem:s19+$0x1EDD0] =	vst v1;
	v1 =	vld [tilespmem:s19+$0xE120]  }
0xd1: {  	[tilespmem:s19+$0x19020] =	vst v2;
	v2 =	vld [tilespmem:s19+$0xE760]  }
0xd2: {  	[tilespmem:s19+$0x19CA0] =	vst v4;
	v4 =	vld [tilespmem:s19+$0xF3E0]  }
0xd3: {  	[tilespmem:s19+$0x19660] =	vst v3;
	v3 =	vld [tilespmem:s19+$0xEDA0]  }
0xd4: {  	[tilespmem:s19+$0x1A2E0] =	vst v0;
	v0 =	vld [tilespmem:s19+$0xFA20]  }
0xd5: {  	[tilespmem:s19+$0x1A920] =	vst v1;
	v1 =	vld [tilespmem:s19+$0x10060]  }
0xd6: {  	[tilespmem:s19+$0x1AF60] =	vst v2;
	v2 =	vld [tilespmem:s19+$0x106A0]  }
0xd7: {  	[tilespmem:s19+$0x1BBE0] =	vst v4;
	v4 =	vld [tilespmem:s19+$0x11320]  }
0xd8: {  	[tilespmem:s19+$0x1B5A0] =	vst v3;
	v3 =	vld [tilespmem:s19+$0x10CE0]  }
0xd9: {  	[tilespmem:s19+$0x1C220] =	vst v0;
	v0 =	vld [tilespmem:s19+$0x11960]  }
0xda: {  	[tilespmem:s19+$0x1C860] =	vst v1;
	v1 =	vld [tilespmem:s19+$0x11FA0]  }
0xdb: {  	[tilespmem:s19+$0x1CEA0] =	vst v2;
	v2 =	vld [tilespmem:s19+$0x125E0]  }
0xdc: {  	[tilespmem:s19+$0x1DB20] =	vst v4;
	v4 =	vld [tilespmem:s19+$0xCE70]  }
0xdd: {  	[tilespmem:s19+$0x1D4E0] =	vst v3;
	v3 =	vld [tilespmem:s19+$0xC830]  }
0xde: {  	[tilespmem:s19+$0x1E160] =	vst v0;
	v0 =	vld [tilespmem:s19+$0xD4B0]  }
0xdf: {  	[tilespmem:s19+$0x1E7A0] =	vst v1;
	v1 =	vld [tilespmem:s19+$0xDAF0]  }
0xe0: {  	[tilespmem:s19+$0x1EDE0] =	vst v2;
	v2 =	vld [tilespmem:s19+$0xE130]  }
0xe1: {  	[tilespmem:s19+$0x19670] =	vst v4;
	v4 =	vld [tilespmem:s19+$0xEDB0]  }
0xe2: {  	[tilespmem:s19+$0x19030] =	vst v3;
	v3 =	vld [tilespmem:s19+$0x10070]  }
0xe3: {  	[tilespmem:s19+$0x19CB0] =	vst v0;
	v0 =	vld [tilespmem:s19+$0x106B0]  }
0xe4: {  	[tilespmem:s19+$0x1A2F0] =	vst v1;
	v1 =	vld [tilespmem:s19+$0x10CF0]  }
0xe5: {  	[tilespmem:s19+$0x1A930] =	vst v2;
	v2 =	vld [tilespmem:s19+$0x11330]  }
0xe6: {  	s20 =	simm.s32 $0x0;
	s21 =	simm.s32 $0x100;
	[tilespmem:s19+$0x1B5B0] =	vst v4;
	v4 =	vld [tilespmem:s19+$0x11970]  }
.LBB2_5:
0xe7: {  	s22 =	sshra.s32 s21, $0x2;
	s20 =	sadd.s32 $0x4, s20;
	[tilespmem:s19+$0x1C870] =	vst v3;
	v3 =	vld [tilespmem:s19+$0x11FB0]  }
0xe8: {  	v5 =	vld [tilespmem:s22+$0x125F0];
	p1 =	slt.u32 s20, $0x60;
	[tilespmem:s19+$0x1CEB0] =	vst v0  }
0xe9: {  	v0 =	vld [tilespmem:s22+$0xC800];
	[tilespmem:s19+$0x1D4F0] =	vst v1  }
0xea: {  	v1 =	vld [tilespmem:s22+$0xCE40];
	[tilespmem:s19+$0x1DB30] =	vst v2  }
0xeb: {  	v2 =	vld [tilespmem:s22+$0xD480];
	[tilespmem:s19+$0x1E170] =	vst v4  }
0xec: {  	v4 =	vld [tilespmem:s22+$0xDAC0];
	[tilespmem:s19+$0x1E7B0] =	vst v3;
	s19 =	smov.u32 s22  }
0xed: {  	v3 =	vld [tilespmem:s19+$0xE100];
	[tilespmem:s19+$0x1EDF0] =	vst v5  }
0xee: {  	[tilespmem:s19+$0x19000] =	vst v0;
	v0 =	vld [tilespmem:s19+$0xE740]  }
0xef: {  	[tilespmem:s19+$0x19640] =	vst v1;
	v1 =	vld [tilespmem:s19+$0xED80]  }
0xf0: {  	[tilespmem:s19+$0x19C80] =	vst v2;
	v2 =	vld [tilespmem:s19+$0xF3C0]  }
0xf1: {  	[tilespmem:s19+$0x1A2C0] =	vst v4;
	v4 =	vld [tilespmem:s19+$0xFA00]  }
0xf2: {  	[tilespmem:s19+$0x1A900] =	vst v3;
	v3 =	vld [tilespmem:s19+$0x10040]  }
0xf3: {  	[tilespmem:s19+$0x1AF40] =	vst v0;
	v0 =	vld [tilespmem:s19+$0x10680]  }
0xf4: {  	[tilespmem:s19+$0x1B580] =	vst v1;
	v1 =	vld [tilespmem:s19+$0x10CC0]  }
0xf5: {  	[tilespmem:s19+$0x1BBC0] =	vst v2;
	v2 =	vld [tilespmem:s19+$0x11300]  }
0xf6: {  	[tilespmem:s19+$0x1C200] =	vst v4;
	v4 =	vld [tilespmem:s19+$0x11940]  }
0xf7: {  	[tilespmem:s19+$0x1C840] =	vst v3;
	v3 =	vld [tilespmem:s19+$0x11F80]  }
0xf8: {  	[tilespmem:s19+$0x1CE80] =	vst v0;
	v0 =	vld [tilespmem:s19+$0x125C0]  }
0xf9: {  	[tilespmem:s19+$0x1D4C0] =	vst v1;
	v1 =	vld [tilespmem:s19+$0xC810]  }
0xfa: {  	[tilespmem:s19+$0x1DB00] =	vst v2;
	v2 =	vld [tilespmem:s19+$0xCE50]  }
0xfb: {  	[tilespmem:s19+$0x1E140] =	vst v4;
	v4 =	vld [tilespmem:s19+$0xD490]  }
0xfc: {  	[tilespmem:s19+$0x1E780] =	vst v3;
	v3 =	vld [tilespmem:s19+$0xDAD0]  }
0xfd: {  	[tilespmem:s19+$0x1EDC0] =	vst v0;
	v0 =	vld [tilespmem:s19+$0xE110]  }
0xfe: {  	[tilespmem:s19+$0x19010] =	vst v1;
	v1 =	vld [tilespmem:s19+$0xE750]  }
0xff: {  	[tilespmem:s19+$0x19650] =	vst v2;
	v2 =	vld [tilespmem:s19+$0xED90]  }
0x100: {  	[tilespmem:s19+$0x19C90] =	vst v4;
	v4 =	vld [tilespmem:s19+$0xF3D0]  }
0x101: {  	[tilespmem:s19+$0x1A2D0] =	vst v3;
	v3 =	vld [tilespmem:s19+$0xFA10]  }
0x102: {  	[tilespmem:s19+$0x1A910] =	vst v0;
	v0 =	vld [tilespmem:s19+$0x10050]  }
0x103: {  	[tilespmem:s19+$0x1AF50] =	vst v1;
	v1 =	vld [tilespmem:s19+$0x10690]  }
0x104: {  	[tilespmem:s19+$0x1B590] =	vst v2;
	v2 =	vld [tilespmem:s19+$0x10CD0]  }
0x105: {  	[tilespmem:s19+$0x1BBD0] =	vst v4;
	v4 =	vld [tilespmem:s19+$0x11310]  }
0x106: {  	[tilespmem:s19+$0x1C210] =	vst v3;
	v3 =	vld [tilespmem:s19+$0x11950]  }
0x107: {  	[tilespmem:s19+$0x1C850] =	vst v0;
	v0 =	vld [tilespmem:s19+$0x11F90]  }
0x108: {  	[tilespmem:s19+$0x1CE90] =	vst v1;
	v1 =	vld [tilespmem:s19+$0x125D0]  }
0x109: {  	[tilespmem:s19+$0x1D4D0] =	vst v2;
	v2 =	vld [tilespmem:s19+$0xC820]  }
0x10a: {  	[tilespmem:s19+$0x1DB10] =	vst v4;
	v4 =	vld [tilespmem:s19+$0xCE60]  }
0x10b: {  	[tilespmem:s19+$0x1E150] =	vst v3;
	v3 =	vld [tilespmem:s19+$0xD4A0]  }
0x10c: {  	[tilespmem:s19+$0x1E790] =	vst v0;
	v0 =	vld [tilespmem:s19+$0xDAE0]  }
0x10d: {  	[tilespmem:s19+$0x1EDD0] =	vst v1;
	v1 =	vld [tilespmem:s19+$0xE120]  }
0x10e: {  	[tilespmem:s19+$0x19020] =	vst v2;
	v2 =	vld [tilespmem:s19+$0xE760]  }
0x10f: {  	[tilespmem:s19+$0x19660] =	vst v4;
	v4 =	vld [tilespmem:s19+$0xEDA0]  }
0x110: {  	[tilespmem:s19+$0x19CA0] =	vst v3;
	v3 =	vld [tilespmem:s19+$0xF3E0]  }
0x111: {  	[tilespmem:s19+$0x1A2E0] =	vst v0;
	v0 =	vld [tilespmem:s19+$0xFA20]  }
0x112: {  	[tilespmem:s19+$0x1A920] =	vst v1;
	v1 =	vld [tilespmem:s19+$0x10060]  }
0x113: {  	[tilespmem:s19+$0x1AF60] =	vst v2;
	v2 =	vld [tilespmem:s19+$0x106A0]  }
0x114: {  	[tilespmem:s19+$0x1B5A0] =	vst v4;
	v4 =	vld [tilespmem:s19+$0x10CE0]  }
0x115: {  	[tilespmem:s19+$0x1BBE0] =	vst v3;
	v3 =	vld [tilespmem:s19+$0x11320]  }
0x116: {  	[tilespmem:s19+$0x1C220] =	vst v0;
	v0 =	vld [tilespmem:s19+$0x11960]  }
0x117: {  	[tilespmem:s19+$0x1C860] =	vst v1;
	v1 =	vld [tilespmem:s19+$0x11FA0]  }
0x118: {  	[tilespmem:s19+$0x1CEA0] =	vst v2;
	v2 =	vld [tilespmem:s19+$0x125E0]  }
0x119: {  	[tilespmem:s19+$0x1D4E0] =	vst v4;
	v4 =	vld [tilespmem:s19+$0xC830]  }
0x11a: {  	[tilespmem:s19+$0x1DB20] =	vst v3;
	v3 =	vld [tilespmem:s19+$0xCE70]  }
0x11b: {  	[tilespmem:s19+$0x1E160] =	vst v0;
	v0 =	vld [tilespmem:s19+$0xD4B0]  }
0x11c: {  	[tilespmem:s19+$0x1E7A0] =	vst v1;
	v1 =	vld [tilespmem:s19+$0xDAF0]  }
0x11d: {  	[tilespmem:s19+$0x1EDE0] =	vst v2;
	v2 =	vld [tilespmem:s19+$0xE130]  }
0x11e: {  	[tilespmem:s19+$0x19030] =	vst v4;
	v4 =	vld [tilespmem:s19+$0xE770]  }
0x11f: {  	[tilespmem:s19+$0x19670] =	vst v3;
	v5 =	vld [tilespmem:s19+$0xEDB0]  }
0x120: {  	[tilespmem:s19+$0x19CB0] =	vst v0;
	v6 =	vld [tilespmem:s19+$0xF3F0]  }
0x121: {  	[tilespmem:s19+$0x1A2F0] =	vst v1;
	v7 =	vld [tilespmem:s19+$0xFA30]  }
.Ltmp3:
0x122: {  	[tilespmem:s19+$0x1A930] =	vst v2;
	v3 =	vld [tilespmem:s19+$0x10070];
	(pc) =	sbr.rel @p1 .LBB2_5-.Ltmp3, $4  }
0x123: {  	[tilespmem:s19+$0x1AF70] =	vst v4;
	v0 =	vld [tilespmem:s19+$0x106B0]  }
0x124: {  	[tilespmem:s19+$0x1B5B0] =	vst v5;
	v1 =	vld [tilespmem:s19+$0x10CF0]  }
0x125: {  	[tilespmem:s19+$0x1BBF0] =	vst v6;
	v2 =	vld [tilespmem:s19+$0x11330]  }
0x126: {  	s21 =	sadd.s32 $0x100, s21;
	[tilespmem:s19+$0x1C230] =	vst v7;
	v4 =	vld [tilespmem:s19+$0x11970]  }
0x127: {  	[tilespmem:s19+$0x1C870] =	vst v3;
	v63 =	vld [tilespmem:s19+$0x11FB0]  }
0x128: {  	s18 =	sadd.s32 s18, s5;
	[tilespmem:s19+$0x1CEB0] =	vst v0  }
0x129: {  	s18 =	smul.u32 $0xC8, s18;
	[tilespmem:s19+$0x1D4F0] =	vst v1  }
0x12a: {  	[tilespmem:s19+$0x1DB30] =	vst v2  }
0x12b: {  	s18 =	sadd.s32 s2, s18;
	[tilespmem:s19+$0x1E170] =	vst v4  }
.Ltmp4:
0x12c: {  	s18 =	sadd.s32 $0xC80, s18;
	[tilespmem:s19+$0x1E7B0] =	vst v63;
	(pc) =	sbr.rel @p0 .LBB2_8-.Ltmp4, $4  }
0x12d: {  	[hbm4b:s18+s3] =	stream.linear.scatter [tilespmem:s15], [sflag:$0x3], $0x6400, $0x38;
	[tilespmem:$0x1F400] =	vst v63  }
0x12e: {  	_ =	swait.ge [sflag:s8], $0x6400  }
0x12f: {  	[sflag:s8] =	ssyncset.done $0x0  }
0x130: {  	[sflag:s8] =	ssyncadd.s32 $0xFFFF9C00  }
0x131: {  	s18 =	smul.u32 $0x1900, s17  }
.Ltmp5:
0x132: {  	_ = 	snop;
	(pc) =	sbr.rel .LBB2_2-.Ltmp5, $4  }
0x133: {  	_ = 	snop  }
0x134: {  	s18 =	sshra.s32 s18, $0x2  }
0x135: {  	s17 =	sadd.s32 $0x1, s17;
	s18 =	sadd.s32 $0x960, s18  }
0x136: {  	[tilespmem:s11], [sflag:$0x2] =	stream.indirect.gather [hbm4b:s4+s9], $0x20, s18, s9, $0xb8;
	[tilespmem:$0x1F400] =	vst v63  }
.LBB2_9:
0x137: {  	_ =	sfence.sel $0x180000  }
0x138: {  	[bflag:$0x0] =	sbarrier.arrive $0xFFFF  }
0x139: {  	p0 =	sne.s32 s1, $0x0;
	_ =	strace $0x90000047  }
0x13a: {  	s0 =	sadd.s32 @!p0 $0x100000, s0;
	[bflag:$0x2] =	sbarrier.arrive $0xFFFF  }
0x13b: {  	[sflag:s0] =	ssyncadd.tile.s32 @!p0 $0x1;
	_ =	shalt  }
.Lfunc_end2:
_tile_overlayer_lowered:
.L_overlay_start_2:
0x13c: {  	(tag) =	ssettag $0x2  }
0x13d: {  	s0 =	rddreg [dreg:$0x0];
	s2 =	stileid.u32  }
0x13e: {  	s1 =	rddreg [dreg:$0x1];
	p0 =	sne.s32 s2, $0x0  }
0x13f: {  	s3 =	rddreg [dreg:$0x2];
	[bflag:$0x3] =	sbarrier.arrive $0xFFFF;
	s2 =	simm.s32 @!p0 $0x1C03  }
0x140: {  	[timem:s3], [sflag:s2] =	dma.local @!p0 [hbm:s0], s1  }
0x141: {  	s0 =	simm.s32 @!p0 $0x3  }
0x142: {  	_ =	swait.ge @!p0 [sflag:s0], s1  }
0x143: {  	s1 =	ssub.s32 @!p0 $0x0, s1;
	[sflag:s0] =	ssyncset.done @!p0 $0x0  }
0x144: {  	[sflag:s0] =	ssyncadd.s32 @!p0 s1  }
0x145: {  	[bflag:$0x3] =	sbarrier.arrive $0xFFFF  }
0x146: {  	_ =	shalt  }

// kernel: sparse-core-data-format-call.cloned.1.call-start
scs
called_computation_lowered:
.L_overlay_start_0:
0x0: {  	s2 =	sld [smem:$0x3FD9]  }
0x1: {  	s3 =	sld [smem:$0x3FFE];
	_ =	sdelay $0x1  }
0x2: {  	s1 =	srdreg.scid  }
0x3: {  	s0 =	sand.u32 $0x1, s1  }
0x4: {  	s18 =	sshll.u32 s0, $0xA;
	s2 =	sadd.s32 s3, s2  }
0x5: {  	s2 =	sadd.s32 s2, s18  }
0x6: {  	[smem:$0x3FC6] =	sst s2  }
0x7: {  	_ = 	snop  }
0x8: {  	s2 =	sld [smem:$0x3FD0];
	(tm) =	ssettm $0x1  }
0x9: {  	s19 =	sld [smem:$0x3FFB];
	_ =	sdelay $0x3  }
0xa: {  	_ =	strace s19  }
0xb: {  	s3 =	sld [smem:$0x3FFC];
	_ =	sdelay $0x3  }
0xc: {  	_ =	strace s3  }
0xd: {  	s3 =	sld [smem:$0x3FFD];
	_ =	sdelay $0x3  }
0xe: {  	_ =	strace s3  }
0xf: {  	_ =	strace $0x8FFFFFFF  }
0x10: {  	s20 =	sld [smem:$0x3FDB];
	_ =	sdelay $0x1  }
0x11: {  	s4 =	simm.s32 $_scs_section_size  }
0x12: {  	s5 =	simm.s32 $_size__tile_overlayer_lowered;
	s6 =	simm.s32 $_tile_overlayer_lowered  }
0x13: {  	s23 =	simm.s32 $0x1BFF;
	s22 =	sshll.u32 s6, $0x1;
	s3 =	sadd.s32 s4, s20  }
0x14: {  	s7 =	simm.s32 $0x0;
	s21 =	sshll.u32 s5, $0x1;
	s5 =	sadd.s32 s22, s3  }
0x15: {  	[timem:s7], [sflag:s23] =	dma.local [hbm:s5], s21  }
0x16: {  	_ =	swait.ge [sflag:s23], s21  }
0x17: {  	s4 =	ssub.s32 $0x0, s21;
	[sflag:s23] =	ssyncset.done $0x0  }
0x18: {  	[sflag:s23] =	ssyncadd.s32 s4;
	_ =	sdelay $0x1  }
0x19: {  	s24 =	simm.s32 $0x1B8B  }
0x1a: {  	_ =	swait.ge [sflag:s24], $0x1  }
0x1b: {  	[sflag:s24] =	ssyncset.done $0x0  }
0x1c: {  	s26 =	simm.s32 $0x1B8E;
	s25 =	sld [smem:$0x3FFE];
	[sflag:s24] =	ssyncadd.s32 $0xFFFFFFFF  }
0x1d: {  	s27 =	simm.s32 $execute0_lowered;
	[smem:$0x3FD2] =	sst s26  }
0x1e: {  	s5 =	sshll.u32 s27, $0x1;
	_ =	strace $0x80000049;
	[dreg:$0x1] =	wrdreg $0xFFFFFFFF  }
0x1f: {  	s28 =	simm.s32 $_size_execute0_lowered;
	s3 =	sadd.s32 s3, s5;
	[dreg:$0x0] =	wrdreg $0x0  }
0x20: {  	s5 =	sshll.u32 s28, $0x1;
	[dreg:$0x2] =	wrdreg s3  }
0x21: {  	[dreg:$0x3] =	wrdreg s5  }
0x22: {  	[dreg:$0x4] =	wrdreg $0xC0  }
0x23: {  	_ =	task [dreg:s7], $0x5FFFF  }
0x24: {  	[dreg:$0x1] =	wrdreg $0xFFFFFFFF  }
0x25: {  	[dreg:$0x0] =	wrdreg $0x60  }
0x26: {  	[dreg:$0x2] =	wrdreg s25  }
0x27: {  	[dreg:$0x3] =	wrdreg s2  }
0x28: {  	[dreg:$0x4] =	wrdreg $0x9  }
0x29: {  	_ =	task.clear_ibuf [dreg:s7], $0x5FFFF;
	_ =	strace $0x90000049  }
0x2a: {  	s29 =	simm.s32 $0x9;
	_ =	strace $0x8000004B  }
0x2b: {  	_ =	swait.ge [sflag:s29], $0x1  }
0x2c: {  	[sflag:s29] =	ssyncadd.s32 $0xFFFFFFFF  }
0x2d: {  	_ =	strace $0x9000004B  }
0x2e: {  	_ =	sfence  }
0x2f: {  	s30 =	sld [smem:$0x0];
	_ =	sdelay $0x2  }
0x30: {  	s31 =	sshll.u32 s1, $0xD;
	s1 =	sshrl.u32 s1, $0x2  }
0x31: {  	s3 =	sand.u32 $0x4000, s31;
	s1 =	sadd.s32 s1, s30  }
0x32: {  	s0 =	sor.u32 s3, s0;
	s1 =	sshll.u32 s1, $0x11  }
0x33: {  	s0 =	sor.u32 s1, s0  }
0x34: {  	s0 =	sadd.s32 $0x8F2B, s0  }
0x35: {  	[sflag:s0] =	ssyncadd.remote.s32 $0x1  }
0x36: {  	_ =	sfence.sel $0xFFFF  }
0x37: {  	[dreg:$0x0] =	wrdreg $0xFFFFFFFF;
	(pc) =	sbr.abs _section_cstart, $3  }
0x38: {  	[dreg:$0x1] =	wrdreg $0xFFFFFFFF  }
0x39: {  	_ =	task.clear_ibuf [dreg:s7], $0x2FFFF;
	_ =	strace $0x9FFFFFFF  }
0x3a: {  	(tm) =	ssettm $0x7FFFFFFF  }
0x3b: {  	_ =	shalt  }
tec
execute0_lowered:
.L_overlay_start_1:
0x0: {  	(tag) =	ssettag $0x1  }
0x1: {  	s0 =	srdreg.scid  }
0x2: {  	s1 =	sshll.u32 s0, $0x4  }
0x3: {  	s6 =	rddreg [dreg:$0x0];
	s0 =	stileid.u32;
	s1 =	sand.u32 $0x10, s1  }
0x4: {  	s3 =	rddreg [dreg:$0x1];
	s1 =	sor.u32 s0, s1  }
0x5: {  	s5 =	simm.s32 $0x1;
	s31 =	simm.s32 $0x2;
	s2 =	sshll.u32 s1, $0x7  }
0x6: {  	s15 =	simm.s32 $0x0;
	s8 =	simm.s32 $0x20000;
	s4 =	ssub.s32 $0x4000, s2  }
0x7: {  	s14 =	simm.s32 $0x0;
	s9 =	simm.s32 $0x0;
	s30 =	sand.u32 $0xF80, s4  }
0x8: {  	s10 =	simm.s32 $0x0;
	s11 =	simm.s32 $0x0;
	p0 =	sne.s32 s30, $0x0  }
.Ltmp0:
0x9: {  	s7 =	sshrl.u32 s4, $0xC;
	s5 =	simm.s32 @!p0 $0x0;
	(pc) =	sbr.rel .LBB1_1-.Ltmp0, $4  }
0xa: {  	s13 =	simm.s32 $0x0;
	s1 =	rddreg [dreg:$0x2];
	s5 =	sadd.s32 s5, s7  }
0xb: {  	_ =	strace $0x8000004A;
	s4 =	simm.s32 $0x1;
	s5 =	smul.u32 $0xD, s5  }
0xc: {  	s6 =	sadd.s32 $0x800, s6;
	s12 =	smov.u32 s2;
	[sflag:s4] =	ssyncpa.u1 $0x0  }
0xd: {  	[sflag:s31] =	ssyncpa.u1 $0x0;
	p0 =	por $0x0, $0x0;
	s7 =	sadd.s32 $0x1, s5  }
.LBB1_4:
0xe: {  	s20 =	sshra.s32 s20, $0x2  }
0xf: {  	s28 =	sand.u32 $0x78, s10;
	s21 =	sshll.u32 s9, $0xE;
	s22 =	sshll.u32 s10, $0x3  }
0x10: {  	s24 =	sshll.u32 s9, $0x7;
	p1 =	sgt.s32 s9, $0x5C0;
	s30 =	sshra.s32 s9, $0x1F  }
0x11: {  	s26 =	sshra.s32 s10, $0x1F;
	s19 =	sadd.s32 s20, s19;
	s21 =	sand.u32 $0xFFFE0000, s21  }
0x12: {  	v5 =	vld [tilespmem:s17+$0xFFFFFFD0];
	[tilespmem:s18+$0x2040 ss:$0x81] =	vst.msk $0xffff, v4;
	s23 =	sand.u32 $0xFFFFFC00, s22;
	s29 =	sand.u32 $0x380, s24;
	s22 =	sand.u32 $0x3C00, s22  }
0x13: {  	v58 =	vld [tilespmem:s17+$0xFFFFFFE0];
	[tilespmem:s18+$0x2850 ss:$0x81] =	vst.msk $0xffff, v3;
	s21 =	sadd.s32 s23, s21;
	s20 =	sor.u32 s28, s22;
	s22 =	smov.u32 s9  }
0x14: {  	v59 =	vld [tilespmem:s17+$0xFFFFFFF0];
	[tilespmem:s18+$0x3060 ss:$0x81] =	vst.msk $0xffff, v2;
	s24 =	sand.u32 s30, s9;
	s21 =	sshrl.u32 s21, $0xE;
	s22 =	simm.s32 @!p1 $0x5C0  }
0x15: {  	v60 =	vld [tilespmem:s17+$0x0];
	[tilespmem:s18+$0x0 ss:$0x81] =	vst.msk $0xffff, v1;
	p1 =	sgt.s32 s10, $0x3F80;
	s31 =	ssub.s32 s22, s24;
	s22 =	smov.u32 s10  }
0x16: {  	v61 =	vld [tilespmem:s17+$0x10];
	[tilespmem:s19+$0x3870 ss:$0x81] =	vst.msk $0xffff, v0;
	s25 =	smulhi.u32 $0x28F5C3, s21;
	s24 =	sand.u32 s26, s10;
	s22 =	simm.s32 @!p1 $0x3F80  }
0x17: {  	v62 =	vld [tilespmem:s17+$0x20];
	s20 =	sor.u32 s29, s20;
	[tilespmem:s19+$0x810 ss:$0x81] =	vst.msk $0xffff, v5;
	s27 =	sadd.s32 $0xFFFFFA40, s31;
	s22 =	ssub.s32 s22, s24  }
0x18: {  	v63 =	vld [tilespmem:s17+$0xFFFFFFC0];
	[tilespmem:s19+$0x1020 ss:$0x81] =	vst.msk $0xffff, v58;
	s18 =	ssub.s32 $0x640, s31;
	s28 =	smul.u32 $0x640, s25;
	s29 =	sadd.s32 $0xFFFFC080, s22  }
0x19: {  	[tilespmem:s19+$0x1830 ss:$0x81] =	vst.msk $0xffff, v59;
	p1 =	sgt.s32 s27, $0x7F;
	s22 =	ssub.s32 $0x4000, s22;
	p2 =	sgt.s32 s29, $0x7F  }
0x1a: {  	s30 =	sand.u32 $0x7, s10;
	[tilespmem:s19+$0x2040 ss:$0x81] =	vst.msk $0xffff, v60;
	s18 =	simm.s32 @p1 $0x0;
	s22 =	simm.s32 @p2 $0x0  }
0x1b: {  	s20 =	sshrl.u32 s20, $0x3;
	[tilespmem:s19+$0x2850 ss:$0x81] =	vst.msk $0xffff, v61;
	s17 =	ssub.s32 s21, s28;
	s18 =	smul.u32 s22, s18  }
0x1c: {  	[tilespmem:s19+$0x3060 ss:$0x81] =	vst.msk $0xffff, v62;
	s20 =	sadd.s32 s3, s20;
	s21 =	sshll.u32 s30, $0x12;
	s17 =	sshll.u32 s17, $0xB  }
0x1d: {  	[tilespmem:s19+$0x0 ss:$0x81] =	vst.msk $0xffff, v63;
	s31 =	sor.u32 $0x400, s21;
	s17 =	sadd.s32 s17, s20;
	s18 =	sand.u32 $0x3FFFFFFF, s18  }
0x1e: {  	[hbm4b:s17+s31] =	stream.strided.scatter [tilespmem:s16], [sflag:$0x2], s18, s8, s31, $0x20;
	[tilespmem:$0x10100] =	vst v63  }
.LBB1_5:
0x1f: {  	p1 =	slt.u32 s13, $0x2  }
0x20: {  	s17 =	smov.u32 s15;
	p2 =	sgt.s32 @!p1 s15, $0x5C0;
	s16 =	sshra.s32 @!p1 s15, $0x1F  }
0x21: {  	p3 =	sgt.s32 @!p1 s14, $0x3F80;
	s18 =	sshra.s32 @!p1 s14, $0x1F;
	p2 =	por !p2, p1  }
0x22: {  	s15 =	sand.u32 @!p1 s16, s15;
	p3 =	por !p3, p1;
	s16 =	smov.u32 s14  }
0x23: {  	s14 =	sand.u32 @!p1 s18, s14;
	s17 =	simm.s32 @p2 $0x5C0;
	s16 =	simm.s32 @p3 $0x3F80  }
0x24: {  	s15 =	ssub.s32 @!p1 s17, s15;
	s14 =	ssub.s32 @!p1 s16, s14  }
0x25: {  	s18 =	smov.u32 s12;
	s16 =	sadd.s32 @!p1 $0xFFFFFA40, s15;
	s17 =	sadd.s32 @!p1 $0xFFFFC080, s14  }
0x26: {  	s15 =	ssub.s32 @!p1 $0x640, s15;
	p2 =	sgt.s32 @!p1 s16, $0x7F;
	p3 =	sgt.s32 @!p1 s17, $0x7F  }
0x27: {  	s14 =	ssub.s32 @!p1 $0x4000, s14;
	p2 =	por !p2, p1;
	p3 =	por !p3, p1  }
0x28: {  	s16 =	sadd.s32 $0x80, s11;
	s15 =	simm.s32 @!p2 $0x0;
	s14 =	simm.s32 @!p3 $0x0  }
0x29: {  	p2 =	sgt.s32 s16, $0x63F;
	s14 =	smul.u32 @!p1 s14, s15;
	s15 =	sadd.s32 $0x1000, s12  }
0x2a: {  	s18 =	smov.u32 @p2 s15  }
0x2b: {  	s16 =	simm.s32 @p2 $0x0;
	p2 =	sgt.s32 s18, $0x3FFF  }
0x2c: {  	s18 =	smov.u32 @p2 s2;
	p2 =	sne.s32 s13, s7  }
.Ltmp1:
0x2d: {  	p0 =	por !p0, !p0;
	s17 =	simm.s32 @!p1 $0x2;
	(pc) =	sbr.rel @!p2 .LBB1_6-.Ltmp1, $4  }
0x2e: {  	s15 =	smov.u32 s9;
	s9 =	smov.u32 s11;
	s14 =	sand.u32 @!p1 $0x3FFFFFFF, s14  }
0x2f: {  	s11 =	smov.u32 s16;
	_ =	swait.ge @!p1 [sflag:s17], s14;
	s19 =	ssub.s32 @!p1 $0x0, s14  }
0x30: {  	s14 =	smov.u32 s10;
	s13 =	sadd.s32 $0x1, s13;
	[sflag:s17] =	ssyncset.done @!p1 $0x0  }
0x31: {  	s10 =	smov.u32 s12;
	s12 =	smov.u32 s18;
	[sflag:s17] =	ssyncadd.s32 @!p1 s19  }
.LBB1_1:
0x32: {  	p1 =	sge.u32 s13, s5  }
0x33: {  	s16 =	sshrl.u32 @!p1 s12, $0x3  }
0x34: {  	s17 =	sshll.u32 @!p1 s11, $0x3;
	s16 =	smul.u32 @!p1 $0x3400, s16  }
0x35: {  	s18 =	sshll.u32 @!p1 s12, $0x7;
	s17 =	sand.u32 @!p1 $0xFFFFFC00, s17  }
0x36: {  	s16 =	sadd.s32 @!p1 s16, s17;
	s17 =	sand.u32 @!p1 $0x380, s18  }
0x37: {  	s18 =	sand.u32 @!p1 $0x7F, s11;
	s16 =	sor.u32 @!p1 s17, s16  }
0x38: {  	s17 =	sor.u32 @!p1 s18, s16  }
0x39: {  	s18 =	smulhi.u32 @!p1 $0x4EC4EC4F, s17;
	_ =	sdelay $0x1  }
0x3a: {  	s16 =	smulhi.u32 @!p1 $0x4EC4EC4F, s16;
	s18 =	sshrl.u32 @!p1 s18, $0x9  }
0x3b: {  	s18 =	smul.u32 @!p1 $0x680, s18  }
0x3c: {  	s31 =	sadd.s32 $0xFFFFFFFF, s13;
	s19 =	sxor.u32 @!p1 $0xFFFFFFFF, s13;
	s16 =	sshrl.u32 @!p1 s16, $0x9  }
0x3d: {  	s19 =	sshll.u32 @!p1 s19, $0xE;
	s16 =	sand.u32 @!p1 $0x3FFF, s16;
	s17 =	ssub.s32 @!p1 s17, s18  }
0x3e: {  	s16 =	smul.u32 @!p1 $0xD0, s16;
	s18 =	sshrl.u32 @!p1 s17, $0x3;
	s17 =	sand.u32 @!p1 $0x7, s17  }
0x3f: {  	s19 =	sand.u32 @!p1 $0x4000, s19;
	s18 =	sadd.s32 @!p1 s6, s18;
	s17 =	sshll.u32 @!p1 s17, $0x12  }
0x40: {  	s16 =	sadd.s32 @!p1 s16, s18;
	s17 =	sor.u32 @!p1 $0x400, s17;
	s18 =	simm.s32 @!p1 $0x3400  }
0x41: {  	[tilespmem:s19], [sflag:$0x1] =	stream.strided.gather @!p1 [hbm4b:s16+s17], $0x4000, s18, s17, $0x38;
	[tilespmem:$0x10100] =	vst v63  }
0x42: {  	p1 =	sge.u32 s31, s5  }
.Ltmp2:
0x43: {  	_ = 	snop;
	(pc) =	sbr.rel @p1 .LBB1_5-.Ltmp2, $1  }
0x44: {  	_ =	sdelay $0x3  }
0x45: {  	s16 =	simm.s32 $0x1  }
0x46: {  	_ =	swait.ge [sflag:s4], $0x4000;
	s16 =	simm.s32 @!p0 $0x0  }
0x47: {  	[sflag:s4] =	ssyncset.done $0x0;
	s17 =	sshll.u32 s16, $0xE  }
0x48: {  	[sflag:s4] =	ssyncadd.s32 $0xFFFFC000;
	s17 =	sor.u32 $0x40, s17  }
0x49: {  	s16 =	smul.u32 $0x10200, s16;
	v0 =	vld [tilespmem:s17+$0x30]  }
0x4a: {  	v1 =	vld [tilespmem:s17+$0xFFFFFFD0]  }
0x4b: {  	s16 =	sshrl.u32 s16, $0x2;
	v5 =	vld [tilespmem:s17+$0xFFFFFFE0]  }
0x4c: {  	v6 =	vld [tilespmem:s17+$0xFFFFFFF0];
	s19 =	sor.u32 $0x8000, s16  }
0x4d: {  	s31 =	sand.u32 $0x1, s13;
	v4 =	vld [tilespmem:s17+$0x0];
	s18 =	sadd.s32 $0x0, s19  }
0x4e: {  	v3 =	vld [tilespmem:s17+$0x10];
	s16 =	smul.u32 $0x10200, s31;
	[tilespmem:s18+$0x3870 ss:$0x81] =	vst.msk $0xffff, v0  }
0x4f: {  	v2 =	vld [tilespmem:s17+$0x20];
	[tilespmem:s18+$0x810 ss:$0x81] =	vst.msk $0xffff, v1  }
0x50: {  	s16 =	sshrl.u32 s16, $0x2;
	v1 =	vld [tilespmem:s17+$0xFFFFFFC0];
	[tilespmem:s18+$0x1020 ss:$0x81] =	vst.msk $0xffff, v5;
	s17 =	sadd.s32 $0x80, s17  }
0x51: {  	s20 =	simm.s32 $0x4;
	s21 =	simm.s32 $0x8;
	s16 =	sor.u32 $0x8000, s16;
	[tilespmem:s18+$0x1830 ss:$0x81] =	vst.msk $0xffff, v6;
	v0 =	vld [tilespmem:s17+$0x30]  }
.LBB1_3:
0x52: {  	p1 =	sne.s32 s21, $0x1FC;
	v5 =	vld [tilespmem:s17+$0xFFFFFFD0];
	[tilespmem:s18+$0x2040 ss:$0x81] =	vst.msk $0xffff, v4  }
0x53: {  	v6 =	vld [tilespmem:s17+$0xFFFFFFE0];
	[tilespmem:s18+$0x2850 ss:$0x81] =	vst.msk $0xffff, v3  }
0x54: {  	s22 =	sshra.s32 s20, $0x2;
	s20 =	smov.u32 s21;
	v7 =	vld [tilespmem:s17+$0xFFFFFFF0];
	[tilespmem:s18+$0x3060 ss:$0x81] =	vst.msk $0xffff, v2  }
.Ltmp3:
0x55: {  	v4 =	vld [tilespmem:s17+$0x0];
	[tilespmem:s18+$0x0 ss:$0x81] =	vst.msk $0xffff, v1;
	s18 =	sadd.s32 s22, s19;
	(pc) =	sbr.rel @p1 .LBB1_3-.Ltmp3, $4  }
0x56: {  	v3 =	vld [tilespmem:s17+$0x10];
	[tilespmem:s18+$0x3870 ss:$0x81] =	vst.msk $0xffff, v0  }
0x57: {  	[tilespmem:s18+$0x810 ss:$0x81] =	vst.msk $0xffff, v5;
	v2 =	vld [tilespmem:s17+$0x20]  }
0x58: {  	v1 =	vld [tilespmem:s17+$0xFFFFFFC0];
	[tilespmem:s18+$0x1020 ss:$0x81] =	vst.msk $0xffff, v6;
	s17 =	sadd.s32 $0x80, s17  }
0x59: {  	s21 =	sadd.s32 $0x4, s21;
	v0 =	vld [tilespmem:s17+$0x30];
	[tilespmem:s18+$0x1830 ss:$0x81] =	vst.msk $0xffff, v7  }
.Ltmp4:
0x5a: {  	_ = 	snop;
	(pc) =	sbr.rel .LBB1_4-.Ltmp4, $1  }
0x5b: {  	_ =	sdelay $0x3  }
.LBB1_6:
0x5c: {  	_ =	sfence.sel $0x180000  }
0x5d: {  	s2 =	simm.s32 $0x1;
	[bflag:$0x0] =	sbarrier.arrive $0xFFFF  }
0x5e: {  	s31 =	simm.s32 $0x2;
	[sflag:s2] =	ssyncpa.u1 $0x1  }
0x5f: {  	[sflag:s31] =	ssyncpa.u1 $0x1  }
0x60: {  	p0 =	sne.s32 s0, $0x0;
	_ =	strace $0x9000004A  }
0x61: {  	s0 =	sadd.s32 @!p0 $0x100000, s1;
	[bflag:$0x2] =	sbarrier.arrive $0xFFFF  }
0x62: {  	[sflag:s0] =	ssyncadd.tile.s32 @!p0 $0x1;
	_ =	shalt  }
.Lfunc_end1:
_tile_overlayer_lowered:
.L_overlay_start_2:
0x63: {  	(tag) =	ssettag $0x2  }
0x64: {  	s0 =	rddreg [dreg:$0x0];
	s2 =	stileid.u32  }
0x65: {  	s1 =	rddreg [dreg:$0x1];
	p0 =	sne.s32 s2, $0x0  }
0x66: {  	s3 =	rddreg [dreg:$0x2];
	[bflag:$0x3] =	sbarrier.arrive $0xFFFF;
	s2 =	simm.s32 @!p0 $0x1C01  }
0x67: {  	[timem:s3], [sflag:s2] =	dma.local @!p0 [hbm:s0], s1  }
0x68: {  	s0 =	simm.s32 @!p0 $0x1  }
0x69: {  	_ =	swait.ge @!p0 [sflag:s0], s1  }
0x6a: {  	s1 =	ssub.s32 @!p0 $0x0, s1;
	[sflag:s0] =	ssyncset.done @!p0 $0x0  }
0x6b: {  	[sflag:s0] =	ssyncadd.s32 @!p0 s1  }
0x6c: {  	[bflag:$0x3] =	sbarrier.arrive $0xFFFF  }
0x6d: {  	_ =	shalt  }

</sc_bundles>
